<compile_context>
chip_gen: v7x
topology: tpu7x:2x2x1
jax: 0.10.2.dev20260603
libtpu: 0.0.44.dev20260713+nightly
codegen_flags: <defaults>
</compile_context>

<pallas_src>
import jax
import jax.numpy as jnp
from jax import lax
from jax.experimental import pallas as pl
from jax.experimental.pallas import tpu as pltpu, tpu_sc as plsc

N_NEURONS = 10000
N_BKG = 100
NNZ = 160000
N_SYN = 5
BKG_RATE = 250

NC, NS = 2, 16
NW = NC * NS
K = 112
NPL = K // 16
N_PAD = 10752
NCHUNK = N_PAD // K
CHUNKS_PER_W = NCHUNK // NW
BLKN = 3456
NBIN = 1552
WROW = K * N_SYN
WCOL = 128
PPT = NNZ // NS
PPW = PPT // 2
ASTEP = (PPW + 15) // 16
LA = 5376


def _bin7(r):
    return lax.shift_right_logical(r * 18725, 17)


def _sc_body(idx_hbm, w_hbm, tau_hbm, out_hbm, shared, dsem):
    cid = lax.axis_index("c")
    sid = lax.axis_index("s")
    wid = sid * NC + cid
    lane = lax.iota(jnp.int32, 16)

    if True:
        def phase_a(idx2_v, rp_loc):
            fullv = jnp.full((16,), NNZ, jnp.int32)
            def init(v, _):
                rp_loc[pl.ds(v * 16, 16)] = fullv
                return 0
            lax.fori_loop(0, NBIN // 16, init, 0)

            z0 = jnp.zeros((16,), jnp.int32)
            for h in range(2):
                pbase = sid * PPT + h * PPW
                pend = pbase + PPW
                g0p = pl.multiple_of(
                    jnp.minimum(jnp.maximum(pbase - 128, 0) & ~jnp.int32(127),
                                NNZ - LA), 128)
                pltpu.sync_copy(idx_hbm.at[:, pl.ds(g0p, LA)], idx2_v)

                def scan(i, _, g0p=g0p, pbase=pbase, pend=pend):
                    p = pbase + i * 16 + lane
                    lpc = jnp.minimum(p - g0p, LA - 1)
                    r = plsc.load_gather(idx2_v, [z0, lpc])
                    rprev = plsc.load_gather(
                        idx2_v, [z0, jnp.maximum(lpc - 1, 0)])
                    q = _bin7(r)
                    qprev = jnp.where(p == 0, -1, _bin7(rprev))
                    m = (q != qprev) & (p < pend)
                    plsc.store_scatter(rp_loc, [q], p, mask=m)
                    return 0

                lax.fori_loop(0, ASTEP, scan, 0)

            pltpu.sync_copy(
                rp_loc,
                shared.at[pl.ds(pl.multiple_of(sid * NBIN, 8), NBIN)])

        pl.run_scoped(phase_a,
                      pltpu.VMEM((2, LA), jnp.int32),
                      pltpu.VMEM((NBIN,), jnp.int32))
        plsc.subcore_barrier()

        @pl.when(sid == 0)
        def _reduce():
            def phase_b(stage_v, fin_v):
                pltpu.sync_copy(shared, stage_v)

                def redv(v, _):
                    acc = stage_v[pl.ds(v * 16, 16)]
                    for t in range(1, NS):
                        acc = jnp.minimum(
                            acc, stage_v[pl.ds(t * NBIN + v * 16, 16)])
                    fin_v[pl.ds(v * 16, 16)] = acc
                    return 0
                lax.fori_loop(0, NBIN // 16, redv, 0)

                def sufv(i, carry):
                    v = NBIN // 16 - 1 - i
                    seg = fin_v[pl.ds(v * 16, 16)]
                    rs = lax.rev(seg, (0,))
                    run = -plsc.cummax(-rs)
                    comb = jnp.minimum(run, carry)
                    fin_v[pl.ds(v * 16, 16)] = lax.rev(comb, (0,))
                    return jnp.min(comb)
                lax.fori_loop(0, NBIN // 16, sufv, jnp.int32(NNZ))

                pltpu.sync_copy(fin_v, shared.at[pl.ds(0, NBIN)])

            pl.run_scoped(phase_b,
                          pltpu.VMEM((NS * NBIN,), jnp.int32),
                          pltpu.VMEM((NBIN,), jnp.int32))

        plsc.subcore_barrier()

        def phase_c(idx_v, w_v, tau_v, rp_v, wl_v):
            for it in range(CHUNKS_PER_W):
                chunk = wid + NW * it
                n0 = chunk * K

                pltpu.sync_copy(
                    shared.at[pl.ds(pl.multiple_of(chunk * 16, 8), 24)],
                    rp_v)
                a = plsc.load_gather(rp_v, [lane])
                b = plsc.load_gather(rp_v, [lane + 1])
                p1 = jnp.max(b)

                ws0 = jnp.min(a) & ~jnp.int32(127)

                def window(ws_carry, a=a, b=b, n0=n0):
                    ws = pl.multiple_of(ws_carry, 128)
                    we = ws + BLKN
                    wd = pl.multiple_of(jnp.minimum(ws, NNZ - BLKN), 128)
                    cp1 = pltpu.async_copy(
                        idx_hbm.at[:, pl.ds(wd, BLKN)], idx_v, dsem)
                    cp2 = pltpu.async_copy(
                        w_hbm.at[pl.ds(wd, BLKN)], w_v, dsem)
                    cp3 = pltpu.async_copy(
                        tau_hbm.at[:, pl.ds(wd, BLKN)], tau_v, dsem)
                    c0 = jnp.maximum(a, ws)
                    bmin = jnp.minimum(b, we)
                    steps = jnp.max(jnp.maximum(bmin - c0, 0))
                    @pl.when(ws == ws0)
                    def _zero(ws=ws):
                        zf = jnp.zeros((16,), jnp.float32)
                        def zrow(rr, _):
                            for j in range(WCOL // 16):
                                wl_v[rr, pl.ds(j * 16, 16)] = zf
                            return 0
                        lax.fori_loop(0, WROW, zrow, 0)

                    cp1.wait()
                    cp2.wait()
                    cp3.wait()

                    def step(i, _, c0=c0, bmin=bmin, wd=wd, n0=n0):
                        ci = c0 + i
                        m = ci < bmin
                        off = jnp.minimum(ci - wd, BLKN - 1)
                        r16 = plsc.load_gather(
                            idx_v, [jnp.zeros((16,), jnp.int32), off])
                        c16 = plsc.load_gather(
                            idx_v, [jnp.ones((16,), jnp.int32), off])
                        w16 = plsc.load_gather(w_v, [off])
                        row = (r16 - n0) * N_SYN
                        for s in range(N_SYN):
                            t16 = plsc.load_gather(
                                tau_v, [jnp.full((16,), s, jnp.int32), off])
                            plsc.addupdate_scatter(
                                wl_v, [row + s, c16], w16 * t16, mask=m)
                        return 0

                    lax.fori_loop(0, steps, step, 0)
                    return ws + BLKN

                lax.while_loop(lambda ws, p1=p1: ws < p1, window, ws0)

                pltpu.sync_copy(
                    wl_v,
                    out_hbm.at[pl.ds(pl.multiple_of(chunk * WROW, 8), WROW)])

        pl.run_scoped(phase_c,
                      pltpu.VMEM((2, BLKN), jnp.int32),
                      pltpu.VMEM((BLKN,), jnp.float32),
                      pltpu.VMEM((N_SYN, BLKN), jnp.float32),
                      pltpu.VMEM((24,), jnp.int32),
                      pltpu.VMEM((WROW, WCOL), jnp.float32))

_sc_scatter = pl.kernel(
    _sc_body,
    out_type=jax.ShapeDtypeStruct((NCHUNK * WROW, WCOL), jnp.float32),
    mesh=plsc.VectorSubcoreMesh(core_axis_name="c", subcore_axis_name="s",
                                num_cores=NC, num_subcores=NS),
    compiler_params=pltpu.CompilerParams(needs_layout_passes=False),
    scratch_types=[pltpu.VMEM_SHARED((NS * NBIN,), jnp.int32),
                   pltpu.SemaphoreType.DMA],
)


def _mm_body(s_ref, w_ref, o_ref):
    o_ref[...] = lax.dot_general(
        w_ref[...], s_ref[...], (((1,), (1,)), ((), ())),
        preferred_element_type=jnp.float32)


_BN = 2048


@jax.jit
def kernel(inp, indices, weights, tau_syn_weights):
    bsz, t, _ = inp.shape
    bt = bsz * t

    spikes = (jax.random.uniform(jax.random.key(42), (bsz, t, N_BKG))
              < BKG_RATE * 0.001).astype(jnp.float32).reshape(bt, N_BKG)
    spikes = jnp.pad(spikes, ((0, 0), (0, WCOL - N_BKG)))

    idx_t = indices.astype(jnp.int32).T
    w32 = weights.astype(jnp.float32)
    tau_t = tau_syn_weights.astype(jnp.float32).T

    w2 = _sc_scatter(idx_t, w32, tau_t)

    nout = N_NEURONS * N_SYN
    out = pl.pallas_call(
        _mm_body,
        grid=((nout + _BN - 1) // _BN,),
        in_specs=[
            pl.BlockSpec((bt, WCOL), lambda j: (0, 0)),
            pl.BlockSpec((_BN, WCOL), lambda j: (j, 0)),
        ],
        out_specs=pl.BlockSpec((_BN, bt), lambda j: (j, 0)),
        out_shape=jax.ShapeDtypeStruct((nout, bt), jnp.float32),
    )(spikes, w2)

    return jnp.transpose(out).reshape(bsz, bt, nout)

# --- scband reference (transcript-rebuilt; emitter-appended) ---
"""Pipeline reference for scband-background-noise-layer-36155034697743 (READ-ONLY COPY).

The authoritative reference and input builder live on the scoring server;
editing this copy changes nothing except your own understanding.
"""

import jax, jax.numpy as jnp
import numpy as np

N_NEURONS = 10000
N_BKG = 100
NNZ = 160000
N_SYN = 5
B = 1
T = 256
BKG_RATE = 250


def setup_inputs(seed: int = 0) -> dict:
    key = jax.random.key(seed)
    k1, k2, k3, k4, k5 = jax.random.split(key, 5)
    inp = jax.random.normal(k1, (B, T, N_BKG), dtype=jnp.float32)
    rows = jnp.sort(jax.random.randint(k2, (NNZ,), 0, N_NEURONS))
    cols = jax.random.randint(k3, (NNZ,), 0, N_BKG)
    indices = jnp.stack([rows, cols], axis=1).astype(jnp.int64)
    weights = jax.random.normal(k4, (NNZ,), dtype=jnp.float32) * 0.1
    tau_syn_weights = jax.random.uniform(k5, (NNZ, N_SYN), dtype=jnp.float32)
    return {"inp": inp, "indices": indices, "weights": weights, "tau_syn_weights": tau_syn_weights}


def reference(inp, indices, weights, tau_syn_weights):
    b, t, _ = inp.shape
    # internal Bernoulli background spikes (rate * 1ms), fixed key for determinism
    spikes = (jax.random.uniform(jax.random.key(42), (b, t, N_BKG)) < BKG_RATE * 0.001).astype(jnp.float32)
    rest_of_brain = spikes.reshape(b * t, N_BKG)
    rows = indices[:, 0]
    cols = indices[:, 1]
    outs = []
    for r_id in range(N_SYN):
        w_syn = weights * tau_syn_weights[:, r_id]
        # scatter-add nnz values into dense [N_NEURONS, N_BKG] (== tf.sparse.SparseTensor densified)
        dense_w = jnp.zeros((N_NEURONS, N_BKG), dtype=jnp.float32).at[rows, cols].add(w_syn)
        # sparse_dense_matmul(sparse_w_in, rest_of_brain, adjoint_b=True)
        i_receptor = dense_w @ rest_of_brain.T  # [N_NEURONS, B*T]
        outs.append(i_receptor)
    stacked = jnp.stack(outs, axis=0)  # [N_SYN, N_NEURONS, B*T]
    noise_input = jnp.transpose(stacked)  # reversed axes -> [B*T, N_NEURONS, N_SYN]
    return noise_input.reshape(b, t, -1)

if __name__ == "__main__":
    import jax
    _d = setup_inputs()
    print(jax.jit(kernel)(*tuple(_d.values())))

</pallas_src>

<mosaic_0001>
#map = affine_map<(d0, d1) -> (0, 0)>
#map1 = affine_map<(d0, d1) -> (0)>
module attributes {stable_mosaic.version = 14 : i64} {
  func.func @_sc_body(%arg0: i32, %arg1: i32, %arg2: memref<2x160000xi32, #tpu.memory_space<hbm>>, %arg3: memref<160000xf32, #tpu.memory_space<hbm>>, %arg4: memref<5x160000xf32, #tpu.memory_space<hbm>>, %arg5: memref<53760x128xf32, #tpu.memory_space<hbm>>, %arg6: memref<24832xi32, #tpu.memory_space<vmem_shared>>, %arg7: memref<!tpu.dma_semaphore, #tpu.memory_space<semaphore_mem>>) attributes {dimension_semantics = [#tpu.dimension_semantics<core_parallel>, #tpu.dimension_semantics<subcore_parallel>], iteration_bounds = array<i64: 2, 16>, scalar_prefetch = 0 : i64, scratch_operands = 2 : i64, tpu.core_type = #tpu.core_type<sc_vector_subcore>, window_params = [{transform_indices = #map}, {transform_indices = #map1}, {transform_indices = #map}, {transform_indices = #map}]} {
    %mul3A = arith.constant 2 : i32
    %mul3A_0 = arith.muli %arg1, %mul3A : i32
    %add3A = arith.addi %mul3A_0, %arg0 : i32
    %iota3A = tpu.iota {dimensions = array<i32: 0>} : vector<16xi32>
    "tpu.region"() ({
      %run_scoped3A = memref.alloca() : memref<2x5376xi32, #tpu.memory_space<vmem>>
      %run_scoped3A_4 = memref.alloca() : memref<1552xi32, #tpu.memory_space<vmem>>
      %broadcast_in_dim3A = arith.constant 160000 : i32
      %broadcast_in_dim3A_5 = vector.broadcast %broadcast_in_dim3A : i32 to vector<16xi32>
      %scan3A = arith.constant 0 : i32
      %scan3A_6 = arith.constant 0 : i32
      %scan3A_7 = arith.constant 97 : i32
      %scan3A_8 = arith.addi %scan3A_6, %scan3A_7 : i32
      %scan3A_9 = arith.constant 1 : i32
      %scan3A_10 = scf.for %scan3A_59 = %scan3A_6 to %scan3A_8 step %scan3A_9 iter_args(%scan3A_60 = %scan3A) -> (i32)  : i32 {
        %mul3A_61 = arith.constant 16 : i32
        %mul3A_62 = arith.muli %scan3A_59, %mul3A_61 : i32
        %swap3A = arith.index_cast %mul3A_62 : i32 to index
        %swap3A_63 = tpu.vector_load %run_scoped3A_4[%swap3A] {strides = array<i32>} : memref<1552xi32, #tpu.memory_space<vmem>>, vector<16xi32>,
        tpu.vector_store %run_scoped3A_4[%swap3A], %broadcast_in_dim3A_5 {strides = array<i32>} : memref<1552xi32, #tpu.memory_space<vmem>>, vector<16xi32>,
        %scan3A_64 = arith.constant 0 : i32
        scf.yield %scan3A_64 : i32
      }
      %scan3A_11 = arith.constant 97 : i32
      %broadcast_in_dim3A_12 = arith.constant 0 : i32
      %broadcast_in_dim3A_13 = vector.broadcast %broadcast_in_dim3A_12 : i32 to vector<16xi32>
      %mul3A_14 = arith.constant 10000 : i32
      %mul3A_15 = arith.muli %arg1, %mul3A_14 : i32
      %add3A_16 = arith.constant 0 : i32
      %add3A_17 = arith.addi %mul3A_15, %add3A_16 : i32
      %add3A_18 = arith.constant 5000 : i32
      %add3A_19 = arith.addi %add3A_17, %add3A_18 : i32
      %sub3A = arith.constant 128 : i32
      %sub3A_20 = arith.subi %add3A_17, %sub3A : i32
      %max3A = arith.constant 0 : i32
      %max3A_21 = arith.maxsi %sub3A_20, %max3A : i32
      %not3A = arith.constant 127 : i32
      %not3A_22 = arith.constant -1 : i32
      %not3A_23 = arith.xori %not3A, %not3A_22 : i32
      %and3A = arith.andi %max3A_21, %not3A_23 : i32
      %min3A = arith.constant 154624 : i32
      %min3A_24 = arith.minsi %and3A, %min3A : i32
      %multiple_of3A = tpu.assume_multiple %min3A_24, 128 : i32
      "tpu.region"() ({
        %run_scoped3A_59 = tpu.sem_alloc : memref<!tpu.dma_semaphore, #tpu.memory_space<semaphore_mem>>
        %dma_start3A = arith.constant 0 : i32
        %dma_start3A_60 = tpu.memref_slice %arg2[%dma_start3A, %multiple_of3A] : memref<2x160000xi32, #tpu.memory_space<hbm>> -> memref<2x5376xi32, #tpu.memory_space<hbm>>
        %dma_start3A_61 = arith.constant 0 : i32
        %dma_start3A_62 = tpu.memref_slice %arg2[%dma_start3A_61, %multiple_of3A] : memref<2x160000xi32, #tpu.memory_space<hbm>> -> memref<2x5376xi32, #tpu.memory_space<hbm>>
        tpu.enqueue_dma source(%dma_start3A_62 : memref<2x5376xi32, #tpu.memory_space<hbm>>) target(%run_scoped3A : memref<2x5376xi32, #tpu.memory_space<vmem>>) target_semaphore(%run_scoped3A_59 : memref<!tpu.dma_semaphore, #tpu.memory_space<semaphore_mem>>)
        %dma_wait3A = arith.constant 0 : i32
        %dma_wait3A_63 = tpu.memref_slice %arg2[%dma_wait3A, %multiple_of3A] : memref<2x160000xi32, #tpu.memory_space<hbm>> -> memref<2x5376xi32, #tpu.memory_space<hbm>>
        %dma_wait3A_64 = arith.constant 0 : i32
        %dma_wait3A_65 = tpu.memref_slice %arg2[%dma_wait3A_64, %multiple_of3A] : memref<2x160000xi32, #tpu.memory_space<hbm>> -> memref<2x5376xi32, #tpu.memory_space<hbm>>
        tpu.wait_dma2 semaphore(%run_scoped3A_59 : memref<!tpu.dma_semaphore, #tpu.memory_space<semaphore_mem>>) src(%dma_wait3A_65 : memref<2x5376xi32, #tpu.memory_space<hbm>>) dst(%run_scoped3A : memref<2x5376xi32, #tpu.memory_space<vmem>>)
        tpu.yield
      }) : () -> ()
      %scan3A_25 = arith.constant 0 : i32
      %scan3A_26 = arith.constant 0 : i32
      %scan3A_27 = arith.constant 313 : i32
      %scan3A_28 = arith.addi %scan3A_26, %scan3A_27 : i32
      %scan3A_29 = arith.constant 1 : i32
      %scan3A_30 = scf.for %scan3A_59 = %scan3A_26 to %scan3A_28 step %scan3A_29 iter_args(%scan3A_60 = %scan3A_25) -> (i32)  : i32 {
        %mul3A_61 = arith.constant 16 : i32
        %mul3A_62 = arith.muli %scan3A_59, %mul3A_61 : i32
        %add3A_63 = arith.addi %add3A_17, %mul3A_62 : i32
        %add3A_64 = vector.broadcast %add3A_63 : i32 to vector<16xi32>
        %add3A_65 = arith.addi %add3A_64, %iota3A : vector<16xi32>
        %sub3A_66 = vector.broadcast %multiple_of3A : i32 to vector<16xi32>
        %sub3A_67 = arith.subi %add3A_65, %sub3A_66 : vector<16xi32>
        %min3A_68 = arith.constant 5375 : i32
        %min3A_69 = vector.broadcast %min3A_68 : i32 to vector<16xi32>
        %min3A_70 = arith.minsi %sub3A_67, %min3A_69 : vector<16xi32>
        %gather3A = tpu.vector_load_idx %run_scoped3A[%broadcast_in_dim3A_13, %min3A_70] : memref<2x5376xi32, #tpu.memory_space<vmem>>[vector<16xi32>, vector<16xi32>], vector<16xi32>,
        %sub3A_71 = arith.constant 1 : i32
        %sub3A_72 = vector.broadcast %sub3A_71 : i32 to vector<16xi32>
        %sub3A_73 = arith.subi %min3A_70, %sub3A_72 : vector<16xi32>
        %max3A_74 = arith.constant 0 : i32
        %max3A_75 = vector.broadcast %max3A_74 : i32 to vector<16xi32>
        %max3A_76 = arith.maxsi %sub3A_73, %max3A_75 : vector<16xi32>
        %gather3A_77 = tpu.vector_load_idx %run_scoped3A[%broadcast_in_dim3A_13, %max3A_76] : memref<2x5376xi32, #tpu.memory_space<vmem>>[vector<16xi32>, vector<16xi32>], vector<16xi32>,
        %mul3A_78 = arith.constant 18725 : i32
        %mul3A_79 = vector.broadcast %mul3A_78 : i32 to vector<16xi32>
        %mul3A_80 = arith.muli %gather3A, %mul3A_79 : vector<16xi32>
        %shift_right_logical3A = arith.constant 17 : i32
        %shift_right_logical3A_81 = vector.broadcast %shift_right_logical3A : i32 to vector<16xi32>
        %shift_right_logical3A_82 = arith.shrui %mul3A_80, %shift_right_logical3A_81 : vector<16xi32>
        %eq3A_83 = arith.constant 0 : i32
        %eq3A_84 = vector.broadcast %eq3A_83 : i32 to vector<16xi32>
        %eq3A_85 = arith.cmpi eq, %add3A_65, %eq3A_84 : vector<16xi32>
        %mul3A_86 = arith.constant 18725 : i32
        %mul3A_87 = vector.broadcast %mul3A_86 : i32 to vector<16xi32>
        %mul3A_88 = arith.muli %gather3A_77, %mul3A_87 : vector<16xi32>
        %shift_right_logical3A_89 = arith.constant 17 : i32
        %shift_right_logical3A_90 = vector.broadcast %shift_right_logical3A_89 : i32 to vector<16xi32>
        %shift_right_logical3A_91 = arith.shrui %mul3A_88, %shift_right_logical3A_90 : vector<16xi32>
        %jit3A = arith.constant -1 : i32
        %broadcast_in_dim3A_92 = vector.broadcast %jit3A : i32 to vector<16xi32>
        %select_n3A = arith.select %eq3A_85, %broadcast_in_dim3A_92, %shift_right_logical3A_91 : vector<16xi1>, vector<16xi32>
        %ne3A = arith.cmpi ne, %shift_right_logical3A_82, %select_n3A : vector<16xi32>
        %lt3A = vector.broadcast %add3A_19 : i32 to vector<16xi32>
        %lt3A_93 = arith.cmpi slt, %add3A_65, %lt3A : vector<16xi32>
        %and3A_94 = arith.andi %ne3A, %lt3A_93 : vector<16xi1>
        tpu.vector_store_idx %run_scoped3A_4[%shift_right_logical3A_82], %add3A_65 masked %and3A_94 : memref<1552xi32, #tpu.memory_space<vmem>>[vector<16xi32>], vector<16xi32>, vector<16xi1>
        %scan3A_95 = arith.constant 0 : i32
        scf.yield %scan3A_95 : i32
      }
      %scan3A_31 = arith.constant 313 : i32
      %mul3A_32 = arith.constant 10000 : i32
      %mul3A_33 = arith.muli %arg1, %mul3A_32 : i32
      %add3A_34 = arith.constant 5000 : i32
      %add3A_35 = arith.addi %mul3A_33, %add3A_34 : i32
      %add3A_36 = arith.constant 5000 : i32
      %add3A_37 = arith.addi %add3A_35, %add3A_36 : i32
      %sub3A_38 = arith.constant 128 : i32
      %sub3A_39 = arith.subi %add3A_35, %sub3A_38 : i32
      %max3A_40 = arith.constant 0 : i32
      %max3A_41 = arith.maxsi %sub3A_39, %max3A_40 : i32
      %not3A_42 = arith.constant 127 : i32
      %not3A_43 = arith.constant -1 : i32
      %not3A_44 = arith.xori %not3A_42, %not3A_43 : i32
      %and3A_45 = arith.andi %max3A_41, %not3A_44 : i32
      %min3A_46 = arith.constant 154624 : i32
      %min3A_47 = arith.minsi %and3A_45, %min3A_46 : i32
      %multiple_of3A_48 = tpu.assume_multiple %min3A_47, 128 : i32
      "tpu.region"() ({
        %run_scoped3A_59 = tpu.sem_alloc : memref<!tpu.dma_semaphore, #tpu.memory_space<semaphore_mem>>
        %dma_start3A = arith.constant 0 : i32
        %dma_start3A_60 = tpu.memref_slice %arg2[%dma_start3A, %multiple_of3A_48] : memref<2x160000xi32, #tpu.memory_space<hbm>> -> memref<2x5376xi32, #tpu.memory_space<hbm>>
        %dma_start3A_61 = arith.constant 0 : i32
        %dma_start3A_62 = tpu.memref_slice %arg2[%dma_start3A_61, %multiple_of3A_48] : memref<2x160000xi32, #tpu.memory_space<hbm>> -> memref<2x5376xi32, #tpu.memory_space<hbm>>
        tpu.enqueue_dma source(%dma_start3A_62 : memref<2x5376xi32, #tpu.memory_space<hbm>>) target(%run_scoped3A : memref<2x5376xi32, #tpu.memory_space<vmem>>) target_semaphore(%run_scoped3A_59 : memref<!tpu.dma_semaphore, #tpu.memory_space<semaphore_mem>>)
        %dma_wait3A = arith.constant 0 : i32
        %dma_wait3A_63 = tpu.memref_slice %arg2[%dma_wait3A, %multiple_of3A_48] : memref<2x160000xi32, #tpu.memory_space<hbm>> -> memref<2x5376xi32, #tpu.memory_space<hbm>>
        %dma_wait3A_64 = arith.constant 0 : i32
        %dma_wait3A_65 = tpu.memref_slice %arg2[%dma_wait3A_64, %multiple_of3A_48] : memref<2x160000xi32, #tpu.memory_space<hbm>> -> memref<2x5376xi32, #tpu.memory_space<hbm>>
        tpu.wait_dma2 semaphore(%run_scoped3A_59 : memref<!tpu.dma_semaphore, #tpu.memory_space<semaphore_mem>>) src(%dma_wait3A_65 : memref<2x5376xi32, #tpu.memory_space<hbm>>) dst(%run_scoped3A : memref<2x5376xi32, #tpu.memory_space<vmem>>)
        tpu.yield
      }) : () -> ()
      %scan3A_49 = arith.constant 0 : i32
      %scan3A_50 = arith.constant 0 : i32
      %scan3A_51 = arith.constant 313 : i32
      %scan3A_52 = arith.addi %scan3A_50, %scan3A_51 : i32
      %scan3A_53 = arith.constant 1 : i32
      %scan3A_54 = scf.for %scan3A_59 = %scan3A_50 to %scan3A_52 step %scan3A_53 iter_args(%scan3A_60 = %scan3A_49) -> (i32)  : i32 {
        %mul3A_61 = arith.constant 16 : i32
        %mul3A_62 = arith.muli %scan3A_59, %mul3A_61 : i32
        %add3A_63 = arith.addi %add3A_35, %mul3A_62 : i32
        %add3A_64 = vector.broadcast %add3A_63 : i32 to vector<16xi32>
        %add3A_65 = arith.addi %add3A_64, %iota3A : vector<16xi32>
        %sub3A_66 = vector.broadcast %multiple_of3A_48 : i32 to vector<16xi32>
        %sub3A_67 = arith.subi %add3A_65, %sub3A_66 : vector<16xi32>
        %min3A_68 = arith.constant 5375 : i32
        %min3A_69 = vector.broadcast %min3A_68 : i32 to vector<16xi32>
        %min3A_70 = arith.minsi %sub3A_67, %min3A_69 : vector<16xi32>
        %gather3A = tpu.vector_load_idx %run_scoped3A[%broadcast_in_dim3A_13, %min3A_70] : memref<2x5376xi32, #tpu.memory_space<vmem>>[vector<16xi32>, vector<16xi32>], vector<16xi32>,
        %sub3A_71 = arith.constant 1 : i32
        %sub3A_72 = vector.broadcast %sub3A_71 : i32 to vector<16xi32>
        %sub3A_73 = arith.subi %min3A_70, %sub3A_72 : vector<16xi32>
        %max3A_74 = arith.constant 0 : i32
        %max3A_75 = vector.broadcast %max3A_74 : i32 to vector<16xi32>
        %max3A_76 = arith.maxsi %sub3A_73, %max3A_75 : vector<16xi32>
        %gather3A_77 = tpu.vector_load_idx %run_scoped3A[%broadcast_in_dim3A_13, %max3A_76] : memref<2x5376xi32, #tpu.memory_space<vmem>>[vector<16xi32>, vector<16xi32>], vector<16xi32>,
        %mul3A_78 = arith.constant 18725 : i32
        %mul3A_79 = vector.broadcast %mul3A_78 : i32 to vector<16xi32>
        %mul3A_80 = arith.muli %gather3A, %mul3A_79 : vector<16xi32>
        %shift_right_logical3A = arith.constant 17 : i32
        %shift_right_logical3A_81 = vector.broadcast %shift_right_logical3A : i32 to vector<16xi32>
        %shift_right_logical3A_82 = arith.shrui %mul3A_80, %shift_right_logical3A_81 : vector<16xi32>
        %eq3A_83 = arith.constant 0 : i32
        %eq3A_84 = vector.broadcast %eq3A_83 : i32 to vector<16xi32>
        %eq3A_85 = arith.cmpi eq, %add3A_65, %eq3A_84 : vector<16xi32>
        %mul3A_86 = arith.constant 18725 : i32
        %mul3A_87 = vector.broadcast %mul3A_86 : i32 to vector<16xi32>
        %mul3A_88 = arith.muli %gather3A_77, %mul3A_87 : vector<16xi32>
        %shift_right_logical3A_89 = arith.constant 17 : i32
        %shift_right_logical3A_90 = vector.broadcast %shift_right_logical3A_89 : i32 to vector<16xi32>
        %shift_right_logical3A_91 = arith.shrui %mul3A_88, %shift_right_logical3A_90 : vector<16xi32>
        %jit3A = arith.constant -1 : i32
        %broadcast_in_dim3A_92 = vector.broadcast %jit3A : i32 to vector<16xi32>
        %select_n3A = arith.select %eq3A_85, %broadcast_in_dim3A_92, %shift_right_logical3A_91 : vector<16xi1>, vector<16xi32>
        %ne3A = arith.cmpi ne, %shift_right_logical3A_82, %select_n3A : vector<16xi32>
        %lt3A = vector.broadcast %add3A_37 : i32 to vector<16xi32>
        %lt3A_93 = arith.cmpi slt, %add3A_65, %lt3A : vector<16xi32>
        %and3A_94 = arith.andi %ne3A, %lt3A_93 : vector<16xi1>
        tpu.vector_store_idx %run_scoped3A_4[%shift_right_logical3A_82], %add3A_65 masked %and3A_94 : memref<1552xi32, #tpu.memory_space<vmem>>[vector<16xi32>], vector<16xi32>, vector<16xi1>
        %scan3A_95 = arith.constant 0 : i32
        scf.yield %scan3A_95 : i32
      }
      %scan3A_55 = arith.constant 313 : i32
      %mul3A_56 = arith.constant 1552 : i32
      %mul3A_57 = arith.muli %arg1, %mul3A_56 : i32
      %multiple_of3A_58 = tpu.assume_multiple %mul3A_57, 8 : i32
      "tpu.region"() ({
        %run_scoped3A_59 = tpu.sem_alloc : memref<!tpu.dma_semaphore, #tpu.memory_space<semaphore_mem>>
        %dma_start3A = tpu.memref_slice %arg6[%multiple_of3A_58] : memref<24832xi32, #tpu.memory_space<vmem_shared>> -> memref<1552xi32, #tpu.memory_space<vmem_shared>>
        %dma_start3A_60 = tpu.memref_slice %arg6[%multiple_of3A_58] : memref<24832xi32, #tpu.memory_space<vmem_shared>> -> memref<1552xi32, #tpu.memory_space<vmem_shared>>
        tpu.enqueue_dma source(%run_scoped3A_4 : memref<1552xi32, #tpu.memory_space<vmem>>) target(%dma_start3A_60 : memref<1552xi32, #tpu.memory_space<vmem_shared>>) target_semaphore(%run_scoped3A_59 : memref<!tpu.dma_semaphore, #tpu.memory_space<semaphore_mem>>)
        %dma_wait3A = tpu.memref_slice %arg6[%multiple_of3A_58] : memref<24832xi32, #tpu.memory_space<vmem_shared>> -> memref<1552xi32, #tpu.memory_space<vmem_shared>>
        %dma_wait3A_61 = tpu.memref_slice %arg6[%multiple_of3A_58] : memref<24832xi32, #tpu.memory_space<vmem_shared>> -> memref<1552xi32, #tpu.memory_space<vmem_shared>>
        tpu.wait_dma2 semaphore(%run_scoped3A_59 : memref<!tpu.dma_semaphore, #tpu.memory_space<semaphore_mem>>) src(%run_scoped3A_4 : memref<1552xi32, #tpu.memory_space<vmem>>) dst(%dma_wait3A_61 : memref<1552xi32, #tpu.memory_space<vmem_shared>>)
        tpu.yield
      }) : () -> ()
      tpu.yield
    }) : () -> ()
    %barrier3A = arith.constant 0 : index
    tpu.barrier barrier_id(%barrier3A)
    %eq3A = arith.constant 0 : i32
    %eq3A_1 = arith.cmpi eq, %arg1, %eq3A : i32
    %convert_element_type3A = arith.extui %eq3A_1 : i1 to i32
    %cond3A = arith.constant 0 : i32
    %cond3A_2 = arith.cmpi ne, %convert_element_type3A, %cond3A : i32
    scf.if %cond3A_2 {
      "tpu.region"() ({
        %run_scoped3A = memref.alloca() : memref<24832xi32, #tpu.memory_space<vmem>>
        %run_scoped3A_4 = memref.alloca() : memref<1552xi32, #tpu.memory_space<vmem>>
        "tpu.region"() ({
          %run_scoped3A_18 = tpu.sem_alloc : memref<!tpu.dma_semaphore, #tpu.memory_space<semaphore_mem>>
          tpu.enqueue_dma source(%arg6 : memref<24832xi32, #tpu.memory_space<vmem_shared>>) target(%run_scoped3A : memref<24832xi32, #tpu.memory_space<vmem>>) target_semaphore(%run_scoped3A_18 : memref<!tpu.dma_semaphore, #tpu.memory_space<semaphore_mem>>)
          tpu.wait_dma2 semaphore(%run_scoped3A_18 : memref<!tpu.dma_semaphore, #tpu.memory_space<semaphore_mem>>) src(%arg6 : memref<24832xi32, #tpu.memory_space<vmem_shared>>) dst(%run_scoped3A : memref<24832xi32, #tpu.memory_space<vmem>>)
          tpu.yield
        }) : () -> ()
        %scan3A = arith.constant 0 : i32
        %scan3A_5 = arith.constant 0 : i32
        %scan3A_6 = arith.constant 97 : i32
        %scan3A_7 = arith.addi %scan3A_5, %scan3A_6 : i32
        %scan3A_8 = arith.constant 1 : i32
        %scan3A_9 = scf.for %scan3A_18 = %scan3A_5 to %scan3A_7 step %scan3A_8 iter_args(%scan3A_19 = %scan3A) -> (i32)  : i32 {
          %mul3A_20 = arith.constant 16 : i32
          %mul3A_21 = arith.muli %scan3A_18, %mul3A_20 : i32
          %get3A = arith.index_cast %mul3A_21 : i32 to index
          %get3A_22 = tpu.vector_load %run_scoped3A[%get3A] {strides = array<i32>} : memref<24832xi32, #tpu.memory_space<vmem>>, vector<16xi32>,
          %mul3A_23 = arith.constant 16 : i32
          %mul3A_24 = arith.muli %scan3A_18, %mul3A_23 : i32
          %add3A_25 = arith.constant 1552 : i32
          %add3A_26 = arith.addi %add3A_25, %mul3A_24 : i32
          %get3A_27 = arith.index_cast %add3A_26 : i32 to index
          %get3A_28 = tpu.vector_load %run_scoped3A[%get3A_27] {strides = array<i32>} : memref<24832xi32, #tpu.memory_space<vmem>>, vector<16xi32>,
          %min3A = arith.minsi %get3A_22, %get3A_28 : vector<16xi32>
          %mul3A_29 = arith.constant 16 : i32
          %mul3A_30 = arith.muli %scan3A_18, %mul3A_29 : i32
          %add3A_31 = arith.constant 3104 : i32
          %add3A_32 = arith.addi %add3A_31, %mul3A_30 : i32
          %get3A_33 = arith.index_cast %add3A_32 : i32 to index
          %get3A_34 = tpu.vector_load %run_scoped3A[%get3A_33] {strides = array<i32>} : memref<24832xi32, #tpu.memory_space<vmem>>, vector<16xi32>,
          %min3A_35 = arith.minsi %min3A, %get3A_34 : vector<16xi32>
          %mul3A_36 = arith.constant 16 : i32
          %mul3A_37 = arith.muli %scan3A_18, %mul3A_36 : i32
          %add3A_38 = arith.constant 4656 : i32
          %add3A_39 = arith.addi %add3A_38, %mul3A_37 : i32
          %get3A_40 = arith.index_cast %add3A_39 : i32 to index
          %get3A_41 = tpu.vector_load %run_scoped3A[%get3A_40] {strides = array<i32>} : memref<24832xi32, #tpu.memory_space<vmem>>, vector<16xi32>,
          %min3A_42 = arith.minsi %min3A_35, %get3A_41 : vector<16xi32>
          %mul3A_43 = arith.constant 16 : i32
          %mul3A_44 = arith.muli %scan3A_18, %mul3A_43 : i32
          %add3A_45 = arith.constant 6208 : i32
          %add3A_46 = arith.addi %add3A_45, %mul3A_44 : i32
          %get3A_47 = arith.index_cast %add3A_46 : i32 to index
          %get3A_48 = tpu.vector_load %run_scoped3A[%get3A_47] {strides = array<i32>} : memref<24832xi32, #tpu.memory_space<vmem>>, vector<16xi32>,
          %min3A_49 = arith.minsi %min3A_42, %get3A_48 : vector<16xi32>
          %mul3A_50 = arith.constant 16 : i32
          %mul3A_51 = arith.muli %scan3A_18, %mul3A_50 : i32
          %add3A_52 = arith.constant 7760 : i32
          %add3A_53 = arith.addi %add3A_52, %mul3A_51 : i32
          %get3A_54 = arith.index_cast %add3A_53 : i32 to index
          %get3A_55 = tpu.vector_load %run_scoped3A[%get3A_54] {strides = array<i32>} : memref<24832xi32, #tpu.memory_space<vmem>>, vector<16xi32>,
          %min3A_56 = arith.minsi %min3A_49, %get3A_55 : vector<16xi32>
          %mul3A_57 = arith.constant 16 : i32
          %mul3A_58 = arith.muli %scan3A_18, %mul3A_57 : i32
          %add3A_59 = arith.constant 9312 : i32
          %add3A_60 = arith.addi %add3A_59, %mul3A_58 : i32
          %get3A_61 = arith.index_cast %add3A_60 : i32 to index
          %get3A_62 = tpu.vector_load %run_scoped3A[%get3A_61] {strides = array<i32>} : memref<24832xi32, #tpu.memory_space<vmem>>, vector<16xi32>,
          %min3A_63 = arith.minsi %min3A_56, %get3A_62 : vector<16xi32>
          %mul3A_64 = arith.constant 16 : i32
          %mul3A_65 = arith.muli %scan3A_18, %mul3A_64 : i32
          %add3A_66 = arith.constant 10864 : i32
          %add3A_67 = arith.addi %add3A_66, %mul3A_65 : i32
          %get3A_68 = arith.index_cast %add3A_67 : i32 to index
          %get3A_69 = tpu.vector_load %run_scoped3A[%get3A_68] {strides = array<i32>} : memref<24832xi32, #tpu.memory_space<vmem>>, vector<16xi32>,
          %min3A_70 = arith.minsi %min3A_63, %get3A_69 : vector<16xi32>
          %mul3A_71 = arith.constant 16 : i32
          %mul3A_72 = arith.muli %scan3A_18, %mul3A_71 : i32
          %add3A_73 = arith.constant 12416 : i32
          %add3A_74 = arith.addi %add3A_73, %mul3A_72 : i32
          %get3A_75 = arith.index_cast %add3A_74 : i32 to index
          %get3A_76 = tpu.vector_load %run_scoped3A[%get3A_75] {strides = array<i32>} : memref<24832xi32, #tpu.memory_space<vmem>>, vector<16xi32>,
          %min3A_77 = arith.minsi %min3A_70, %get3A_76 : vector<16xi32>
          %mul3A_78 = arith.constant 16 : i32
          %mul3A_79 = arith.muli %scan3A_18, %mul3A_78 : i32
          %add3A_80 = arith.constant 13968 : i32
          %add3A_81 = arith.addi %add3A_80, %mul3A_79 : i32
          %get3A_82 = arith.index_cast %add3A_81 : i32 to index
          %get3A_83 = tpu.vector_load %run_scoped3A[%get3A_82] {strides = array<i32>} : memref<24832xi32, #tpu.memory_space<vmem>>, vector<16xi32>,
          %min3A_84 = arith.minsi %min3A_77, %get3A_83 : vector<16xi32>
          %mul3A_85 = arith.constant 16 : i32
          %mul3A_86 = arith.muli %scan3A_18, %mul3A_85 : i32
          %add3A_87 = arith.constant 15520 : i32
          %add3A_88 = arith.addi %add3A_87, %mul3A_86 : i32
          %get3A_89 = arith.index_cast %add3A_88 : i32 to index
          %get3A_90 = tpu.vector_load %run_scoped3A[%get3A_89] {strides = array<i32>} : memref<24832xi32, #tpu.memory_space<vmem>>, vector<16xi32>,
          %min3A_91 = arith.minsi %min3A_84, %get3A_90 : vector<16xi32>
          %mul3A_92 = arith.constant 16 : i32
          %mul3A_93 = arith.muli %scan3A_18, %mul3A_92 : i32
          %add3A_94 = arith.constant 17072 : i32
          %add3A_95 = arith.addi %add3A_94, %mul3A_93 : i32
          %get3A_96 = arith.index_cast %add3A_95 : i32 to index
          %get3A_97 = tpu.vector_load %run_scoped3A[%get3A_96] {strides = array<i32>} : memref<24832xi32, #tpu.memory_space<vmem>>, vector<16xi32>,
          %min3A_98 = arith.minsi %min3A_91, %get3A_97 : vector<16xi32>
          %mul3A_99 = arith.constant 16 : i32
          %mul3A_100 = arith.muli %scan3A_18, %mul3A_99 : i32
          %add3A_101 = arith.constant 18624 : i32
          %add3A_102 = arith.addi %add3A_101, %mul3A_100 : i32
          %get3A_103 = arith.index_cast %add3A_102 : i32 to index
          %get3A_104 = tpu.vector_load %run_scoped3A[%get3A_103] {strides = array<i32>} : memref<24832xi32, #tpu.memory_space<vmem>>, vector<16xi32>,
          %min3A_105 = arith.minsi %min3A_98, %get3A_104 : vector<16xi32>
          %mul3A_106 = arith.constant 16 : i32
          %mul3A_107 = arith.muli %scan3A_18, %mul3A_106 : i32
          %add3A_108 = arith.constant 20176 : i32
          %add3A_109 = arith.addi %add3A_108, %mul3A_107 : i32
          %get3A_110 = arith.index_cast %add3A_109 : i32 to index
          %get3A_111 = tpu.vector_load %run_scoped3A[%get3A_110] {strides = array<i32>} : memref<24832xi32, #tpu.memory_space<vmem>>, vector<16xi32>,
          %min3A_112 = arith.minsi %min3A_105, %get3A_111 : vector<16xi32>
          %mul3A_113 = arith.constant 16 : i32
          %mul3A_114 = arith.muli %scan3A_18, %mul3A_113 : i32
          %add3A_115 = arith.constant 21728 : i32
          %add3A_116 = arith.addi %add3A_115, %mul3A_114 : i32
          %get3A_117 = arith.index_cast %add3A_116 : i32 to index
          %get3A_118 = tpu.vector_load %run_scoped3A[%get3A_117] {strides = array<i32>} : memref<24832xi32, #tpu.memory_space<vmem>>, vector<16xi32>,
          %min3A_119 = arith.minsi %min3A_112, %get3A_118 : vector<16xi32>
          %mul3A_120 = arith.constant 16 : i32
          %mul3A_121 = arith.muli %scan3A_18, %mul3A_120 : i32
          %add3A_122 = arith.constant 23280 : i32
          %add3A_123 = arith.addi %add3A_122, %mul3A_121 : i32
          %get3A_124 = arith.index_cast %add3A_123 : i32 to index
          %get3A_125 = tpu.vector_load %run_scoped3A[%get3A_124] {strides = array<i32>} : memref<24832xi32, #tpu.memory_space<vmem>>, vector<16xi32>,
          %min3A_126 = arith.minsi %min3A_119, %get3A_125 : vector<16xi32>
          %mul3A_127 = arith.constant 16 : i32
          %mul3A_128 = arith.muli %scan3A_18, %mul3A_127 : i32
          %swap3A = arith.index_cast %mul3A_128 : i32 to index
          %swap3A_129 = tpu.vector_load %run_scoped3A_4[%swap3A] {strides = array<i32>} : memref<1552xi32, #tpu.memory_space<vmem>>, vector<16xi32>,
          tpu.vector_store %run_scoped3A_4[%swap3A], %min3A_126 {strides = array<i32>} : memref<1552xi32, #tpu.memory_space<vmem>>, vector<16xi32>,
          %scan3A_130 = arith.constant 0 : i32
          scf.yield %scan3A_130 : i32
        }
        %scan3A_10 = arith.constant 97 : i32
        %scan3A_11 = arith.constant 160000 : i32
        %scan3A_12 = arith.constant 0 : i32
        %scan3A_13 = arith.constant 97 : i32
        %scan3A_14 = arith.addi %scan3A_12, %scan3A_13 : i32
        %scan3A_15 = arith.constant 1 : i32
        %scan3A_16 = scf.for %scan3A_18 = %scan3A_12 to %scan3A_14 step %scan3A_15 iter_args(%scan3A_19 = %scan3A_11) -> (i32)  : i32 {
          %sub3A = arith.constant 96 : i32
          %sub3A_20 = arith.subi %sub3A, %scan3A_18 : i32
          %mul3A_21 = arith.constant 16 : i32
          %mul3A_22 = arith.muli %sub3A_20, %mul3A_21 : i32
          %get3A = arith.index_cast %mul3A_22 : i32 to index
          %get3A_23 = tpu.vector_load %run_scoped3A_4[%get3A] {strides = array<i32>} : memref<1552xi32, #tpu.memory_space<vmem>>, vector<16xi32>,
          %rev3A = arith.constant 15 : i32
          %rev3A_24 = vector.broadcast %rev3A : i32 to vector<16xi32>
          %rev3A_25 = tpu.iota {dimensions = array<i32: 0>} : vector<16xi32>
          %rev3A_26 = arith.subi %rev3A_24, %rev3A_25 : vector<16xi32>
          %rev3A_27 = tpu.dynamic_gather %get3A_23[%rev3A_26] in [0] : vector<16xi32>, vector<16xi32> -> vector<16xi32>
          %neg3A = arith.constant 0 : i32
          %neg3A_28 = vector.broadcast %neg3A : i32 to vector<16xi32>
          %neg3A_29 = arith.subi %neg3A_28, %rev3A_27 : vector<16xi32>
          %broadcast_in_dim3A = arith.constant true
          %broadcast_in_dim3A_30 = vector.broadcast %broadcast_in_dim3A : i1 to vector<16xi1>
          %masked_cummax3A = arith.constant -2147483648 : i32
          %masked_cummax3A_31 = vector.broadcast %masked_cummax3A : i32 to vector<16xi32>
          %masked_cummax3A_32 = arith.xori %neg3A_29, %masked_cummax3A_31 : vector<16xi32>
          %masked_cummax3A_33 = tpu.scan <max>, %masked_cummax3A_32 masked %broadcast_in_dim3A_30 : vector<16xi32>, vector<16xi1> -> vector<16xi32>
          %masked_cummax3A_34 = arith.xori %masked_cummax3A_33, %masked_cummax3A_31 : vector<16xi32>
          %neg3A_35 = arith.constant 0 : i32
          %neg3A_36 = vector.broadcast %neg3A_35 : i32 to vector<16xi32>
          %neg3A_37 = arith.subi %neg3A_36, %masked_cummax3A_34 : vector<16xi32>
          %min3A = vector.broadcast %scan3A_19 : i32 to vector<16xi32>
          %min3A_38 = arith.minsi %neg3A_37, %min3A : vector<16xi32>
          %rev3A_39 = arith.constant 15 : i32
          %rev3A_40 = vector.broadcast %rev3A_39 : i32 to vector<16xi32>
          %rev3A_41 = tpu.iota {dimensions = array<i32: 0>} : vector<16xi32>
          %rev3A_42 = arith.subi %rev3A_40, %rev3A_41 : vector<16xi32>
          %rev3A_43 = tpu.dynamic_gather %min3A_38[%rev3A_42] in [0] : vector<16xi32>, vector<16xi32> -> vector<16xi32>
          %mul3A_44 = arith.constant 16 : i32
          %mul3A_45 = arith.muli %sub3A_20, %mul3A_44 : i32
          %swap3A = arith.index_cast %mul3A_45 : i32 to index
          %swap3A_46 = tpu.vector_load %run_scoped3A_4[%swap3A] {strides = array<i32>} : memref<1552xi32, #tpu.memory_space<vmem>>, vector<16xi32>,
          tpu.vector_store %run_scoped3A_4[%swap3A], %rev3A_43 {strides = array<i32>} : memref<1552xi32, #tpu.memory_space<vmem>>, vector<16xi32>,
          %reduce_min3A = arith.constant true
          %reduce_min3A_47 = vector.broadcast %reduce_min3A : i1 to vector<16xi1>
          %reduce_min3A_48 = arith.constant -2147483648 : i32
          %reduce_min3A_49 = vector.broadcast %reduce_min3A_48 : i32 to vector<16xi32>
          %reduce_min3A_50 = arith.xori %min3A_38, %reduce_min3A_49 : vector<16xi32>
          %reduce_min3A_51 = tpu.scan <min>, %reduce_min3A_50 masked %reduce_min3A_47 : vector<16xi32>, vector<16xi1> -> vector<16xi32>
          %reduce_min3A_52 = arith.xori %reduce_min3A_51, %reduce_min3A_49 : vector<16xi32>
          %reduce_min3A_53 = vector.extract %reduce_min3A_52[15] : i32 from vector<16xi32>
          scf.yield %reduce_min3A_53 : i32
        }
        %scan3A_17 = arith.constant 97 : i32
        "tpu.region"() ({
          %run_scoped3A_18 = tpu.sem_alloc : memref<!tpu.dma_semaphore, #tpu.memory_space<semaphore_mem>>
          %dma_start3A = arith.constant 0 : i32
          %dma_start3A_19 = tpu.memref_slice %arg6[%dma_start3A] : memref<24832xi32, #tpu.memory_space<vmem_shared>> -> memref<1552xi32, #tpu.memory_space<vmem_shared>>
          %dma_start3A_20 = arith.constant 0 : i32
          %dma_start3A_21 = tpu.memref_slice %arg6[%dma_start3A_20] : memref<24832xi32, #tpu.memory_space<vmem_shared>> -> memref<1552xi32, #tpu.memory_space<vmem_shared>>
          tpu.enqueue_dma source(%run_scoped3A_4 : memref<1552xi32, #tpu.memory_space<vmem>>) target(%dma_start3A_21 : memref<1552xi32, #tpu.memory_space<vmem_shared>>) target_semaphore(%run_scoped3A_18 : memref<!tpu.dma_semaphore, #tpu.memory_space<semaphore_mem>>)
          %dma_wait3A = arith.constant 0 : i32
          %dma_wait3A_22 = tpu.memref_slice %arg6[%dma_wait3A] : memref<24832xi32, #tpu.memory_space<vmem_shared>> -> memref<1552xi32, #tpu.memory_space<vmem_shared>>
          %dma_wait3A_23 = arith.constant 0 : i32
          %dma_wait3A_24 = tpu.memref_slice %arg6[%dma_wait3A_23] : memref<24832xi32, #tpu.memory_space<vmem_shared>> -> memref<1552xi32, #tpu.memory_space<vmem_shared>>
          tpu.wait_dma2 semaphore(%run_scoped3A_18 : memref<!tpu.dma_semaphore, #tpu.memory_space<semaphore_mem>>) src(%run_scoped3A_4 : memref<1552xi32, #tpu.memory_space<vmem>>) dst(%dma_wait3A_24 : memref<1552xi32, #tpu.memory_space<vmem_shared>>)
          tpu.yield
        }) : () -> ()
        tpu.yield
      }) : () -> ()
    } else {
    }
    %barrier3A_3 = arith.constant 0 : index
    tpu.barrier barrier_id(%barrier3A_3)
    "tpu.region"() ({
      %run_scoped3A = memref.alloca() : memref<2x3456xi32, #tpu.memory_space<vmem>>
      %run_scoped3A_4 = memref.alloca() : memref<3456xf32, #tpu.memory_space<vmem>>
      %run_scoped3A_5 = memref.alloca() : memref<5x3456xf32, #tpu.memory_space<vmem>>
      %run_scoped3A_6 = memref.alloca() : memref<24xi32, #tpu.memory_space<vmem>>
      %run_scoped3A_7 = memref.alloca() : memref<560x128xf32, #tpu.memory_space<vmem>>
      %add3A_8 = arith.constant 0 : i32
      %add3A_9 = arith.addi %add3A, %add3A_8 : i32
      %mul3A_10 = arith.constant 112 : i32
      %mul3A_11 = arith.muli %add3A_9, %mul3A_10 : i32
      %mul3A_12 = arith.constant 16 : i32
      %mul3A_13 = arith.muli %add3A_9, %mul3A_12 : i32
      %multiple_of3A = tpu.assume_multiple %mul3A_13, 8 : i32
      "tpu.region"() ({
        %run_scoped3A_109 = tpu.sem_alloc : memref<!tpu.dma_semaphore, #tpu.memory_space<semaphore_mem>>
        %dma_start3A = tpu.memref_slice %arg6[%multiple_of3A] : memref<24832xi32, #tpu.memory_space<vmem_shared>> -> memref<24xi32, #tpu.memory_space<vmem_shared>>
        %dma_start3A_110 = tpu.memref_slice %arg6[%multiple_of3A] : memref<24832xi32, #tpu.memory_space<vmem_shared>> -> memref<24xi32, #tpu.memory_space<vmem_shared>>
        tpu.enqueue_dma source(%dma_start3A_110 : memref<24xi32, #tpu.memory_space<vmem_shared>>) target(%run_scoped3A_6 : memref<24xi32, #tpu.memory_space<vmem>>) target_semaphore(%run_scoped3A_109 : memref<!tpu.dma_semaphore, #tpu.memory_space<semaphore_mem>>)
        %dma_wait3A = tpu.memref_slice %arg6[%multiple_of3A] : memref<24832xi32, #tpu.memory_space<vmem_shared>> -> memref<24xi32, #tpu.memory_space<vmem_shared>>
        %dma_wait3A_111 = tpu.memref_slice %arg6[%multiple_of3A] : memref<24832xi32, #tpu.memory_space<vmem_shared>> -> memref<24xi32, #tpu.memory_space<vmem_shared>>
        tpu.wait_dma2 semaphore(%run_scoped3A_109 : memref<!tpu.dma_semaphore, #tpu.memory_space<semaphore_mem>>) src(%dma_wait3A_111 : memref<24xi32, #tpu.memory_space<vmem_shared>>) dst(%run_scoped3A_6 : memref<24xi32, #tpu.memory_space<vmem>>)
        tpu.yield
      }) : () -> ()
      %gather3A = tpu.vector_load_idx %run_scoped3A_6[%iota3A] : memref<24xi32, #tpu.memory_space<vmem>>[vector<16xi32>], vector<16xi32>,
      %add3A_14 = arith.constant 1 : i32
      %add3A_15 = vector.broadcast %add3A_14 : i32 to vector<16xi32>
      %add3A_16 = arith.addi %iota3A, %add3A_15 : vector<16xi32>
      %gather3A_17 = tpu.vector_load_idx %run_scoped3A_6[%add3A_16] : memref<24xi32, #tpu.memory_space<vmem>>[vector<16xi32>], vector<16xi32>,
      %reduce_max3A = arith.constant true
      %reduce_max3A_18 = vector.broadcast %reduce_max3A : i1 to vector<16xi1>
      %reduce_max3A_19 = arith.constant -2147483648 : i32
      %reduce_max3A_20 = vector.broadcast %reduce_max3A_19 : i32 to vector<16xi32>
      %reduce_max3A_21 = arith.xori %gather3A_17, %reduce_max3A_20 : vector<16xi32>
      %reduce_max3A_22 = tpu.scan <max>, %reduce_max3A_21 masked %reduce_max3A_18 : vector<16xi32>, vector<16xi1> -> vector<16xi32>
      %reduce_max3A_23 = arith.xori %reduce_max3A_22, %reduce_max3A_20 : vector<16xi32>
      %reduce_max3A_24 = vector.extract %reduce_max3A_23[15] : i32 from vector<16xi32>
      %reduce_min3A = arith.constant true
      %reduce_min3A_25 = vector.broadcast %reduce_min3A : i1 to vector<16xi1>
      %reduce_min3A_26 = arith.constant -2147483648 : i32
      %reduce_min3A_27 = vector.broadcast %reduce_min3A_26 : i32 to vector<16xi32>
      %reduce_min3A_28 = arith.xori %gather3A, %reduce_min3A_27 : vector<16xi32>
      %reduce_min3A_29 = tpu.scan <min>, %reduce_min3A_28 masked %reduce_min3A_25 : vector<16xi32>, vector<16xi1> -> vector<16xi32>
      %reduce_min3A_30 = arith.xori %reduce_min3A_29, %reduce_min3A_27 : vector<16xi32>
      %reduce_min3A_31 = vector.extract %reduce_min3A_30[15] : i32 from vector<16xi32>
      %not3A = arith.constant 127 : i32
      %not3A_32 = arith.constant -1 : i32
      %not3A_33 = arith.xori %not3A, %not3A_32 : i32
      %and3A = arith.andi %reduce_min3A_31, %not3A_33 : i32
      %while3A = scf.while (%while3A_109 = %and3A) : (i32) -> i32 {
        %lt3A = arith.cmpi slt, %while3A_109, %reduce_max3A_24 : i32
        scf.condition(%lt3A) %while3A_109 : i32
      } do {
      ^bb0(%while3A_109: i32):
        %multiple_of3A_110 = tpu.assume_multiple %while3A_109, 128 : i32
        %add3A_111 = arith.constant 3456 : i32
        %add3A_112 = arith.addi %multiple_of3A_110, %add3A_111 : i32
        %min3A = arith.constant 156544 : i32
        %min3A_113 = arith.minsi %multiple_of3A_110, %min3A : i32
        %multiple_of3A_114 = tpu.assume_multiple %min3A_113, 128 : i32
        %dma_start3A = arith.constant 0 : i32
        %dma_start3A_115 = tpu.memref_slice %arg2[%dma_start3A, %multiple_of3A_114] : memref<2x160000xi32, #tpu.memory_space<hbm>> -> memref<2x3456xi32, #tpu.memory_space<hbm>>
        %dma_start3A_116 = arith.constant 0 : i32
        %dma_start3A_117 = tpu.memref_slice %arg2[%dma_start3A_116, %multiple_of3A_114] : memref<2x160000xi32, #tpu.memory_space<hbm>> -> memref<2x3456xi32, #tpu.memory_space<hbm>>
        tpu.enqueue_dma source(%dma_start3A_117 : memref<2x3456xi32, #tpu.memory_space<hbm>>) target(%run_scoped3A : memref<2x3456xi32, #tpu.memory_space<vmem>>) target_semaphore(%arg7 : memref<!tpu.dma_semaphore, #tpu.memory_space<semaphore_mem>>)
        %dma_start3A_118 = tpu.memref_slice %arg3[%multiple_of3A_114] : memref<160000xf32, #tpu.memory_space<hbm>> -> memref<3456xf32, #tpu.memory_space<hbm>>
        %dma_start3A_119 = tpu.memref_slice %arg3[%multiple_of3A_114] : memref<160000xf32, #tpu.memory_space<hbm>> -> memref<3456xf32, #tpu.memory_space<hbm>>
        tpu.enqueue_dma source(%dma_start3A_119 : memref<3456xf32, #tpu.memory_space<hbm>>) target(%run_scoped3A_4 : memref<3456xf32, #tpu.memory_space<vmem>>) target_semaphore(%arg7 : memref<!tpu.dma_semaphore, #tpu.memory_space<semaphore_mem>>)
        %dma_start3A_120 = arith.constant 0 : i32
        %dma_start3A_121 = tpu.memref_slice %arg4[%dma_start3A_120, %multiple_of3A_114] : memref<5x160000xf32, #tpu.memory_space<hbm>> -> memref<5x3456xf32, #tpu.memory_space<hbm>>
        %dma_start3A_122 = arith.constant 0 : i32
        %dma_start3A_123 = tpu.memref_slice %arg4[%dma_start3A_122, %multiple_of3A_114] : memref<5x160000xf32, #tpu.memory_space<hbm>> -> memref<5x3456xf32, #tpu.memory_space<hbm>>
        tpu.enqueue_dma source(%dma_start3A_123 : memref<5x3456xf32, #tpu.memory_space<hbm>>) target(%run_scoped3A_5 : memref<5x3456xf32, #tpu.memory_space<vmem>>) target_semaphore(%arg7 : memref<!tpu.dma_semaphore, #tpu.memory_space<semaphore_mem>>)
        %max3A = vector.broadcast %multiple_of3A_110 : i32 to vector<16xi32>
        %max3A_124 = arith.maxsi %gather3A, %max3A : vector<16xi32>
        %min3A_125 = vector.broadcast %add3A_112 : i32 to vector<16xi32>
        %min3A_126 = arith.minsi %gather3A_17, %min3A_125 : vector<16xi32>
        %sub3A = arith.subi %min3A_126, %max3A_124 : vector<16xi32>
        %max3A_127 = arith.constant 0 : i32
        %max3A_128 = vector.broadcast %max3A_127 : i32 to vector<16xi32>
        %max3A_129 = arith.maxsi %sub3A, %max3A_128 : vector<16xi32>
        %reduce_max3A_130 = arith.constant true
        %reduce_max3A_131 = vector.broadcast %reduce_max3A_130 : i1 to vector<16xi1>
        %reduce_max3A_132 = arith.constant -2147483648 : i32
        %reduce_max3A_133 = vector.broadcast %reduce_max3A_132 : i32 to vector<16xi32>
        %reduce_max3A_134 = arith.xori %max3A_129, %reduce_max3A_133 : vector<16xi32>
        %reduce_max3A_135 = tpu.scan <max>, %reduce_max3A_134 masked %reduce_max3A_131 : vector<16xi32>, vector<16xi1> -> vector<16xi32>
        %reduce_max3A_136 = arith.xori %reduce_max3A_135, %reduce_max3A_133 : vector<16xi32>
        %reduce_max3A_137 = vector.extract %reduce_max3A_136[15] : i32 from vector<16xi32>
        %eq3A_138 = arith.cmpi eq, %multiple_of3A_110, %and3A : i32
        %convert_element_type3A_139 = arith.extui %eq3A_138 : i1 to i32
        %cond3A_140 = arith.constant 0 : i32
        %cond3A_141 = arith.cmpi ne, %convert_element_type3A_139, %cond3A_140 : i32
        scf.if %cond3A_141 {
          %broadcast_in_dim3A = arith.constant 0.000000e+00 : f32
          %broadcast_in_dim3A_165 = vector.broadcast %broadcast_in_dim3A : f32 to vector<16xf32>
          %scan3A = arith.constant 0 : i32
          %scan3A_166 = arith.constant 0 : i32
          %scan3A_167 = arith.constant 560 : i32
          %scan3A_168 = arith.addi %scan3A_166, %scan3A_167 : i32
          %scan3A_169 = arith.constant 1 : i32
          %scan3A_170 = scf.for %scan3A_172 = %scan3A_166 to %scan3A_168 step %scan3A_169 iter_args(%scan3A_173 = %scan3A) -> (i32)  : i32 {
            %swap3A = arith.index_cast %scan3A_172 : i32 to index
            %swap3A_174 = arith.constant 0 : index
            %swap3A_175 = tpu.vector_load %run_scoped3A_7[%swap3A, %swap3A_174] {strides = array<i32>} : memref<560x128xf32, #tpu.memory_space<vmem>>, vector<16xf32>,
            tpu.vector_store %run_scoped3A_7[%swap3A, %swap3A_174], %broadcast_in_dim3A_165 {strides = array<i32>} : memref<560x128xf32, #tpu.memory_space<vmem>>, vector<16xf32>,
            %swap3A_176 = arith.index_cast %scan3A_172 : i32 to index
            %swap3A_177 = arith.constant 16 : index
            %swap3A_178 = tpu.vector_load %run_scoped3A_7[%swap3A_176, %swap3A_177] {strides = array<i32>} : memref<560x128xf32, #tpu.memory_space<vmem>>, vector<16xf32>,
            tpu.vector_store %run_scoped3A_7[%swap3A_176, %swap3A_177], %broadcast_in_dim3A_165 {strides = array<i32>} : memref<560x128xf32, #tpu.memory_space<vmem>>, vector<16xf32>,
            %swap3A_179 = arith.index_cast %scan3A_172 : i32 to index
            %swap3A_180 = arith.constant 32 : index
            %swap3A_181 = tpu.vector_load %run_scoped3A_7[%swap3A_179, %swap3A_180] {strides = array<i32>} : memref<560x128xf32, #tpu.memory_space<vmem>>, vector<16xf32>,
            tpu.vector_store %run_scoped3A_7[%swap3A_179, %swap3A_180], %broadcast_in_dim3A_165 {strides = array<i32>} : memref<560x128xf32, #tpu.memory_space<vmem>>, vector<16xf32>,
            %swap3A_182 = arith.index_cast %scan3A_172 : i32 to index
            %swap3A_183 = arith.constant 48 : index
            %swap3A_184 = tpu.vector_load %run_scoped3A_7[%swap3A_182, %swap3A_183] {strides = array<i32>} : memref<560x128xf32, #tpu.memory_space<vmem>>, vector<16xf32>,
            tpu.vector_store %run_scoped3A_7[%swap3A_182, %swap3A_183], %broadcast_in_dim3A_165 {strides = array<i32>} : memref<560x128xf32, #tpu.memory_space<vmem>>, vector<16xf32>,
            %swap3A_185 = arith.index_cast %scan3A_172 : i32 to index
            %swap3A_186 = arith.constant 64 : index
            %swap3A_187 = tpu.vector_load %run_scoped3A_7[%swap3A_185, %swap3A_186] {strides = array<i32>} : memref<560x128xf32, #tpu.memory_space<vmem>>, vector<16xf32>,
            tpu.vector_store %run_scoped3A_7[%swap3A_185, %swap3A_186], %broadcast_in_dim3A_165 {strides = array<i32>} : memref<560x128xf32, #tpu.memory_space<vmem>>, vector<16xf32>,
            %swap3A_188 = arith.index_cast %scan3A_172 : i32 to index
            %swap3A_189 = arith.constant 80 : index
            %swap3A_190 = tpu.vector_load %run_scoped3A_7[%swap3A_188, %swap3A_189] {strides = array<i32>} : memref<560x128xf32, #tpu.memory_space<vmem>>, vector<16xf32>,
            tpu.vector_store %run_scoped3A_7[%swap3A_188, %swap3A_189], %broadcast_in_dim3A_165 {strides = array<i32>} : memref<560x128xf32, #tpu.memory_space<vmem>>, vector<16xf32>,
            %swap3A_191 = arith.index_cast %scan3A_172 : i32 to index
            %swap3A_192 = arith.constant 96 : index
            %swap3A_193 = tpu.vector_load %run_scoped3A_7[%swap3A_191, %swap3A_192] {strides = array<i32>} : memref<560x128xf32, #tpu.memory_space<vmem>>, vector<16xf32>,
            tpu.vector_store %run_scoped3A_7[%swap3A_191, %swap3A_192], %broadcast_in_dim3A_165 {strides = array<i32>} : memref<560x128xf32, #tpu.memory_space<vmem>>, vector<16xf32>,
            %swap3A_194 = arith.index_cast %scan3A_172 : i32 to index
            %swap3A_195 = arith.constant 112 : index
            %swap3A_196 = tpu.vector_load %run_scoped3A_7[%swap3A_194, %swap3A_195] {strides = array<i32>} : memref<560x128xf32, #tpu.memory_space<vmem>>, vector<16xf32>,
            tpu.vector_store %run_scoped3A_7[%swap3A_194, %swap3A_195], %broadcast_in_dim3A_165 {strides = array<i32>} : memref<560x128xf32, #tpu.memory_space<vmem>>, vector<16xf32>,
            %scan3A_197 = arith.constant 0 : i32
            scf.yield %scan3A_197 : i32
          }
          %scan3A_171 = arith.constant 560 : i32
        } else {
        }
        %dma_wait3A = arith.constant 0 : i32
        %dma_wait3A_142 = tpu.memref_slice %arg2[%dma_wait3A, %multiple_of3A_114] : memref<2x160000xi32, #tpu.memory_space<hbm>> -> memref<2x3456xi32, #tpu.memory_space<hbm>>
        %dma_wait3A_143 = arith.constant 0 : i32
        %dma_wait3A_144 = tpu.memref_slice %arg2[%dma_wait3A_143, %multiple_of3A_114] : memref<2x160000xi32, #tpu.memory_space<hbm>> -> memref<2x3456xi32, #tpu.memory_space<hbm>>
        tpu.wait_dma2 semaphore(%arg7 : memref<!tpu.dma_semaphore, #tpu.memory_space<semaphore_mem>>) src(%dma_wait3A_144 : memref<2x3456xi32, #tpu.memory_space<hbm>>) dst(%run_scoped3A : memref<2x3456xi32, #tpu.memory_space<vmem>>)
        %dma_wait3A_145 = tpu.memref_slice %arg3[%multiple_of3A_114] : memref<160000xf32, #tpu.memory_space<hbm>> -> memref<3456xf32, #tpu.memory_space<hbm>>
        %dma_wait3A_146 = tpu.memref_slice %arg3[%multiple_of3A_114] : memref<160000xf32, #tpu.memory_space<hbm>> -> memref<3456xf32, #tpu.memory_space<hbm>>
        tpu.wait_dma2 semaphore(%arg7 : memref<!tpu.dma_semaphore, #tpu.memory_space<semaphore_mem>>) src(%dma_wait3A_146 : memref<3456xf32, #tpu.memory_space<hbm>>) dst(%run_scoped3A_4 : memref<3456xf32, #tpu.memory_space<vmem>>)
        %dma_wait3A_147 = arith.constant 0 : i32
        %dma_wait3A_148 = tpu.memref_slice %arg4[%dma_wait3A_147, %multiple_of3A_114] : memref<5x160000xf32, #tpu.memory_space<hbm>> -> memref<5x3456xf32, #tpu.memory_space<hbm>>
        %dma_wait3A_149 = arith.constant 0 : i32
        %dma_wait3A_150 = tpu.memref_slice %arg4[%dma_wait3A_149, %multiple_of3A_114] : memref<5x160000xf32, #tpu.memory_space<hbm>> -> memref<5x3456xf32, #tpu.memory_space<hbm>>
        tpu.wait_dma2 semaphore(%arg7 : memref<!tpu.dma_semaphore, #tpu.memory_space<semaphore_mem>>) src(%dma_wait3A_150 : memref<5x3456xf32, #tpu.memory_space<hbm>>) dst(%run_scoped3A_5 : memref<5x3456xf32, #tpu.memory_space<vmem>>)
        %while3A_151 = arith.constant 0 : i32
        %while3A_152 = arith.constant 0 : i32
        %while3A_153 = arith.subi %reduce_max3A_137, %while3A_151 : i32
        %while3A_154 = arith.addi %while3A_151, %while3A_153 : i32
        %while3A_155 = arith.constant 1 : i32
        %while3A_156 = arith.divsi %while3A_153, %while3A_155 : i32
        %while3A_157 = arith.muli %while3A_156, %while3A_155 : i32
        %while3A_158 = arith.addi %while3A_151, %while3A_157 : i32
        %while3A_159 = arith.constant 1 : i32
        %while3A_160 = scf.for %while3A_165 = %while3A_151 to %while3A_158 step %while3A_159 iter_args(%while3A_166 = %while3A_152) -> (i32)  : i32 {
          %add3A_167 = vector.broadcast %while3A_165 : i32 to vector<16xi32>
          %add3A_168 = arith.addi %max3A_124, %add3A_167 : vector<16xi32>
          %lt3A = arith.cmpi slt, %add3A_168, %min3A_126 : vector<16xi32>
          %sub3A_169 = vector.broadcast %multiple_of3A_114 : i32 to vector<16xi32>
          %sub3A_170 = arith.subi %add3A_168, %sub3A_169 : vector<16xi32>
          %min3A_171 = arith.constant 3455 : i32
          %min3A_172 = vector.broadcast %min3A_171 : i32 to vector<16xi32>
          %min3A_173 = arith.minsi %sub3A_170, %min3A_172 : vector<16xi32>
          %broadcast_in_dim3A = arith.constant 0 : i32
          %broadcast_in_dim3A_174 = vector.broadcast %broadcast_in_dim3A : i32 to vector<16xi32>
          %gather3A_175 = tpu.vector_load_idx %run_scoped3A[%broadcast_in_dim3A_174, %min3A_173] : memref<2x3456xi32, #tpu.memory_space<vmem>>[vector<16xi32>, vector<16xi32>], vector<16xi32>,
          %broadcast_in_dim3A_176 = arith.constant 1 : i32
          %broadcast_in_dim3A_177 = vector.broadcast %broadcast_in_dim3A_176 : i32 to vector<16xi32>
          %gather3A_178 = tpu.vector_load_idx %run_scoped3A[%broadcast_in_dim3A_177, %min3A_173] : memref<2x3456xi32, #tpu.memory_space<vmem>>[vector<16xi32>, vector<16xi32>], vector<16xi32>,
          %gather3A_179 = tpu.vector_load_idx %run_scoped3A_4[%min3A_173] : memref<3456xf32, #tpu.memory_space<vmem>>[vector<16xi32>], vector<16xf32>,
          %sub3A_180 = vector.broadcast %mul3A_11 : i32 to vector<16xi32>
          %sub3A_181 = arith.subi %gather3A_175, %sub3A_180 : vector<16xi32>
          %mul3A_182 = arith.constant 5 : i32
          %mul3A_183 = vector.broadcast %mul3A_182 : i32 to vector<16xi32>
          %mul3A_184 = arith.muli %sub3A_181, %mul3A_183 : vector<16xi32>
          %broadcast_in_dim3A_185 = arith.constant 0 : i32
          %broadcast_in_dim3A_186 = vector.broadcast %broadcast_in_dim3A_185 : i32 to vector<16xi32>
          %gather3A_187 = tpu.vector_load_idx %run_scoped3A_5[%broadcast_in_dim3A_186, %min3A_173] : memref<5x3456xf32, #tpu.memory_space<vmem>>[vector<16xi32>, vector<16xi32>], vector<16xf32>,
          %add3A_188 = arith.constant 0 : i32
          %add3A_189 = vector.broadcast %add3A_188 : i32 to vector<16xi32>
          %add3A_190 = arith.addi %mul3A_184, %add3A_189 : vector<16xi32>
          %mul3A_191 = arith.mulf %gather3A_179, %gather3A_187 : vector<16xf32>
          tpu.vector_store_idx %run_scoped3A_7[%add3A_190, %gather3A_178], %mul3A_191 masked %lt3A {add = true} : memref<560x128xf32, #tpu.memory_space<vmem>>[vector<16xi32>, vector<16xi32>], vector<16xf32>, vector<16xi1>
          %broadcast_in_dim3A_192 = arith.constant 1 : i32
          %broadcast_in_dim3A_193 = vector.broadcast %broadcast_in_dim3A_192 : i32 to vector<16xi32>
          %gather3A_194 = tpu.vector_load_idx %run_scoped3A_5[%broadcast_in_dim3A_193, %min3A_173] : memref<5x3456xf32, #tpu.memory_space<vmem>>[vector<16xi32>, vector<16xi32>], vector<16xf32>,
          %add3A_195 = arith.constant 1 : i32
          %add3A_196 = vector.broadcast %add3A_195 : i32 to vector<16xi32>
          %add3A_197 = arith.addi %mul3A_184, %add3A_196 : vector<16xi32>
          %mul3A_198 = arith.mulf %gather3A_179, %gather3A_194 : vector<16xf32>
          tpu.vector_store_idx %run_scoped3A_7[%add3A_197, %gather3A_178], %mul3A_198 masked %lt3A {add = true} : memref<560x128xf32, #tpu.memory_space<vmem>>[vector<16xi32>, vector<16xi32>], vector<16xf32>, vector<16xi1>
          %broadcast_in_dim3A_199 = arith.constant 2 : i32
          %broadcast_in_dim3A_200 = vector.broadcast %broadcast_in_dim3A_199 : i32 to vector<16xi32>
          %gather3A_201 = tpu.vector_load_idx %run_scoped3A_5[%broadcast_in_dim3A_200, %min3A_173] : memref<5x3456xf32, #tpu.memory_space<vmem>>[vector<16xi32>, vector<16xi32>], vector<16xf32>,
          %add3A_202 = arith.constant 2 : i32
          %add3A_203 = vector.broadcast %add3A_202 : i32 to vector<16xi32>
          %add3A_204 = arith.addi %mul3A_184, %add3A_203 : vector<16xi32>
          %mul3A_205 = arith.mulf %gather3A_179, %gather3A_201 : vector<16xf32>
          tpu.vector_store_idx %run_scoped3A_7[%add3A_204, %gather3A_178], %mul3A_205 masked %lt3A {add = true} : memref<560x128xf32, #tpu.memory_space<vmem>>[vector<16xi32>, vector<16xi32>], vector<16xf32>, vector<16xi1>
          %broadcast_in_dim3A_206 = arith.constant 3 : i32
          %broadcast_in_dim3A_207 = vector.broadcast %broadcast_in_dim3A_206 : i32 to vector<16xi32>
          %gather3A_208 = tpu.vector_load_idx %run_scoped3A_5[%broadcast_in_dim3A_207, %min3A_173] : memref<5x3456xf32, #tpu.memory_space<vmem>>[vector<16xi32>, vector<16xi32>], vector<16xf32>,
          %add3A_209 = arith.constant 3 : i32
          %add3A_210 = vector.broadcast %add3A_209 : i32 to vector<16xi32>
          %add3A_211 = arith.addi %mul3A_184, %add3A_210 : vector<16xi32>
          %mul3A_212 = arith.mulf %gather3A_179, %gather3A_208 : vector<16xf32>
          tpu.vector_store_idx %run_scoped3A_7[%add3A_211, %gather3A_178], %mul3A_212 masked %lt3A {add = true} : memref<560x128xf32, #tpu.memory_space<vmem>>[vector<16xi32>, vector<16xi32>], vector<16xf32>, vector<16xi1>
          %broadcast_in_dim3A_213 = arith.constant 4 : i32
          %broadcast_in_dim3A_214 = vector.broadcast %broadcast_in_dim3A_213 : i32 to vector<16xi32>
          %gather3A_215 = tpu.vector_load_idx %run_scoped3A_5[%broadcast_in_dim3A_214, %min3A_173] : memref<5x3456xf32, #tpu.memory_space<vmem>>[vector<16xi32>, vector<16xi32>], vector<16xf32>,
          %add3A_216 = arith.constant 4 : i32
          %add3A_217 = vector.broadcast %add3A_216 : i32 to vector<16xi32>
          %add3A_218 = arith.addi %mul3A_184, %add3A_217 : vector<16xi32>
          %mul3A_219 = arith.mulf %gather3A_179, %gather3A_215 : vector<16xf32>
          tpu.vector_store_idx %run_scoped3A_7[%add3A_218, %gather3A_178], %mul3A_219 masked %lt3A {add = true} : memref<560x128xf32, #tpu.memory_space<vmem>>[vector<16xi32>, vector<16xi32>], vector<16xf32>, vector<16xi1>
          %while3A_220 = arith.constant 0 : i32
          scf.yield %while3A_220 : i32
        }
        %while3A_161 = arith.constant 1 : i32
        %while3A_162 = scf.for %while3A_165 = %while3A_158 to %while3A_154 step %while3A_161 iter_args(%while3A_166 = %while3A_160) -> (i32)  : i32 {
          %add3A_167 = vector.broadcast %while3A_165 : i32 to vector<16xi32>
          %add3A_168 = arith.addi %max3A_124, %add3A_167 : vector<16xi32>
          %lt3A = arith.cmpi slt, %add3A_168, %min3A_126 : vector<16xi32>
          %sub3A_169 = vector.broadcast %multiple_of3A_114 : i32 to vector<16xi32>
          %sub3A_170 = arith.subi %add3A_168, %sub3A_169 : vector<16xi32>
          %min3A_171 = arith.constant 3455 : i32
          %min3A_172 = vector.broadcast %min3A_171 : i32 to vector<16xi32>
          %min3A_173 = arith.minsi %sub3A_170, %min3A_172 : vector<16xi32>
          %broadcast_in_dim3A = arith.constant 0 : i32
          %broadcast_in_dim3A_174 = vector.broadcast %broadcast_in_dim3A : i32 to vector<16xi32>
          %gather3A_175 = tpu.vector_load_idx %run_scoped3A[%broadcast_in_dim3A_174, %min3A_173] : memref<2x3456xi32, #tpu.memory_space<vmem>>[vector<16xi32>, vector<16xi32>], vector<16xi32>,
          %broadcast_in_dim3A_176 = arith.constant 1 : i32
          %broadcast_in_dim3A_177 = vector.broadcast %broadcast_in_dim3A_176 : i32 to vector<16xi32>
          %gather3A_178 = tpu.vector_load_idx %run_scoped3A[%broadcast_in_dim3A_177, %min3A_173] : memref<2x3456xi32, #tpu.memory_space<vmem>>[vector<16xi32>, vector<16xi32>], vector<16xi32>,
          %gather3A_179 = tpu.vector_load_idx %run_scoped3A_4[%min3A_173] : memref<3456xf32, #tpu.memory_space<vmem>>[vector<16xi32>], vector<16xf32>,
          %sub3A_180 = vector.broadcast %mul3A_11 : i32 to vector<16xi32>
          %sub3A_181 = arith.subi %gather3A_175, %sub3A_180 : vector<16xi32>
          %mul3A_182 = arith.constant 5 : i32
          %mul3A_183 = vector.broadcast %mul3A_182 : i32 to vector<16xi32>
          %mul3A_184 = arith.muli %sub3A_181, %mul3A_183 : vector<16xi32>
          %broadcast_in_dim3A_185 = arith.constant 0 : i32
          %broadcast_in_dim3A_186 = vector.broadcast %broadcast_in_dim3A_185 : i32 to vector<16xi32>
          %gather3A_187 = tpu.vector_load_idx %run_scoped3A_5[%broadcast_in_dim3A_186, %min3A_173] : memref<5x3456xf32, #tpu.memory_space<vmem>>[vector<16xi32>, vector<16xi32>], vector<16xf32>,
          %add3A_188 = arith.constant 0 : i32
          %add3A_189 = vector.broadcast %add3A_188 : i32 to vector<16xi32>
          %add3A_190 = arith.addi %mul3A_184, %add3A_189 : vector<16xi32>
          %mul3A_191 = arith.mulf %gather3A_179, %gather3A_187 : vector<16xf32>
          tpu.vector_store_idx %run_scoped3A_7[%add3A_190, %gather3A_178], %mul3A_191 masked %lt3A {add = true} : memref<560x128xf32, #tpu.memory_space<vmem>>[vector<16xi32>, vector<16xi32>], vector<16xf32>, vector<16xi1>
          %broadcast_in_dim3A_192 = arith.constant 1 : i32
          %broadcast_in_dim3A_193 = vector.broadcast %broadcast_in_dim3A_192 : i32 to vector<16xi32>
          %gather3A_194 = tpu.vector_load_idx %run_scoped3A_5[%broadcast_in_dim3A_193, %min3A_173] : memref<5x3456xf32, #tpu.memory_space<vmem>>[vector<16xi32>, vector<16xi32>], vector<16xf32>,
          %add3A_195 = arith.constant 1 : i32
          %add3A_196 = vector.broadcast %add3A_195 : i32 to vector<16xi32>
          %add3A_197 = arith.addi %mul3A_184, %add3A_196 : vector<16xi32>
          %mul3A_198 = arith.mulf %gather3A_179, %gather3A_194 : vector<16xf32>
          tpu.vector_store_idx %run_scoped3A_7[%add3A_197, %gather3A_178], %mul3A_198 masked %lt3A {add = true} : memref<560x128xf32, #tpu.memory_space<vmem>>[vector<16xi32>, vector<16xi32>], vector<16xf32>, vector<16xi1>
          %broadcast_in_dim3A_199 = arith.constant 2 : i32
          %broadcast_in_dim3A_200 = vector.broadcast %broadcast_in_dim3A_199 : i32 to vector<16xi32>
          %gather3A_201 = tpu.vector_load_idx %run_scoped3A_5[%broadcast_in_dim3A_200, %min3A_173] : memref<5x3456xf32, #tpu.memory_space<vmem>>[vector<16xi32>, vector<16xi32>], vector<16xf32>,
          %add3A_202 = arith.constant 2 : i32
          %add3A_203 = vector.broadcast %add3A_202 : i32 to vector<16xi32>
          %add3A_204 = arith.addi %mul3A_184, %add3A_203 : vector<16xi32>
          %mul3A_205 = arith.mulf %gather3A_179, %gather3A_201 : vector<16xf32>
          tpu.vector_store_idx %run_scoped3A_7[%add3A_204, %gather3A_178], %mul3A_205 masked %lt3A {add = true} : memref<560x128xf32, #tpu.memory_space<vmem>>[vector<16xi32>, vector<16xi32>], vector<16xf32>, vector<16xi1>
          %broadcast_in_dim3A_206 = arith.constant 3 : i32
          %broadcast_in_dim3A_207 = vector.broadcast %broadcast_in_dim3A_206 : i32 to vector<16xi32>
          %gather3A_208 = tpu.vector_load_idx %run_scoped3A_5[%broadcast_in_dim3A_207, %min3A_173] : memref<5x3456xf32, #tpu.memory_space<vmem>>[vector<16xi32>, vector<16xi32>], vector<16xf32>,
          %add3A_209 = arith.constant 3 : i32
          %add3A_210 = vector.broadcast %add3A_209 : i32 to vector<16xi32>
          %add3A_211 = arith.addi %mul3A_184, %add3A_210 : vector<16xi32>
          %mul3A_212 = arith.mulf %gather3A_179, %gather3A_208 : vector<16xf32>
          tpu.vector_store_idx %run_scoped3A_7[%add3A_211, %gather3A_178], %mul3A_212 masked %lt3A {add = true} : memref<560x128xf32, #tpu.memory_space<vmem>>[vector<16xi32>, vector<16xi32>], vector<16xf32>, vector<16xi1>
          %broadcast_in_dim3A_213 = arith.constant 4 : i32
          %broadcast_in_dim3A_214 = vector.broadcast %broadcast_in_dim3A_213 : i32 to vector<16xi32>
          %gather3A_215 = tpu.vector_load_idx %run_scoped3A_5[%broadcast_in_dim3A_214, %min3A_173] : memref<5x3456xf32, #tpu.memory_space<vmem>>[vector<16xi32>, vector<16xi32>], vector<16xf32>,
          %add3A_216 = arith.constant 4 : i32
          %add3A_217 = vector.broadcast %add3A_216 : i32 to vector<16xi32>
          %add3A_218 = arith.addi %mul3A_184, %add3A_217 : vector<16xi32>
          %mul3A_219 = arith.mulf %gather3A_179, %gather3A_215 : vector<16xf32>
          tpu.vector_store_idx %run_scoped3A_7[%add3A_218, %gather3A_178], %mul3A_219 masked %lt3A {add = true} : memref<560x128xf32, #tpu.memory_space<vmem>>[vector<16xi32>, vector<16xi32>], vector<16xf32>, vector<16xi1>
          %while3A_220 = arith.constant 0 : i32
          scf.yield %while3A_220 : i32
        }
        %add3A_163 = arith.constant 3456 : i32
        %add3A_164 = arith.addi %multiple_of3A_110, %add3A_163 : i32
        scf.yield %add3A_164 : i32
      }
      %mul3A_34 = arith.constant 560 : i32
      %mul3A_35 = arith.muli %add3A_9, %mul3A_34 : i32
      %multiple_of3A_36 = tpu.assume_multiple %mul3A_35, 8 : i32
      "tpu.region"() ({
        %run_scoped3A_109 = tpu.sem_alloc : memref<!tpu.dma_semaphore, #tpu.memory_space<semaphore_mem>>
        %dma_start3A = arith.constant 0 : i32
        %dma_start3A_110 = tpu.memref_slice %arg5[%multiple_of3A_36, %dma_start3A] : memref<53760x128xf32, #tpu.memory_space<hbm>> -> memref<560x128xf32, #tpu.memory_space<hbm>>
        %dma_start3A_111 = arith.constant 0 : i32
        %dma_start3A_112 = tpu.memref_slice %arg5[%multiple_of3A_36, %dma_start3A_111] : memref<53760x128xf32, #tpu.memory_space<hbm>> -> memref<560x128xf32, #tpu.memory_space<hbm>>
        tpu.enqueue_dma source(%run_scoped3A_7 : memref<560x128xf32, #tpu.memory_space<vmem>>) target(%dma_start3A_112 : memref<560x128xf32, #tpu.memory_space<hbm>>) target_semaphore(%run_scoped3A_109 : memref<!tpu.dma_semaphore, #tpu.memory_space<semaphore_mem>>)
        %dma_wait3A = arith.constant 0 : i32
        %dma_wait3A_113 = tpu.memref_slice %arg5[%multiple_of3A_36, %dma_wait3A] : memref<53760x128xf32, #tpu.memory_space<hbm>> -> memref<560x128xf32, #tpu.memory_space<hbm>>
        %dma_wait3A_114 = arith.constant 0 : i32
        %dma_wait3A_115 = tpu.memref_slice %arg5[%multiple_of3A_36, %dma_wait3A_114] : memref<53760x128xf32, #tpu.memory_space<hbm>> -> memref<560x128xf32, #tpu.memory_space<hbm>>
        tpu.wait_dma2 semaphore(%run_scoped3A_109 : memref<!tpu.dma_semaphore, #tpu.memory_space<semaphore_mem>>) src(%run_scoped3A_7 : memref<560x128xf32, #tpu.memory_space<vmem>>) dst(%dma_wait3A_115 : memref<560x128xf32, #tpu.memory_space<hbm>>)
        tpu.yield
      }) : () -> ()
      %add3A_37 = arith.constant 32 : i32
      %add3A_38 = arith.addi %add3A, %add3A_37 : i32
      %mul3A_39 = arith.constant 112 : i32
      %mul3A_40 = arith.muli %add3A_38, %mul3A_39 : i32
      %mul3A_41 = arith.constant 16 : i32
      %mul3A_42 = arith.muli %add3A_38, %mul3A_41 : i32
      %multiple_of3A_43 = tpu.assume_multiple %mul3A_42, 8 : i32
      "tpu.region"() ({
        %run_scoped3A_109 = tpu.sem_alloc : memref<!tpu.dma_semaphore, #tpu.memory_space<semaphore_mem>>
        %dma_start3A = tpu.memref_slice %arg6[%multiple_of3A_43] : memref<24832xi32, #tpu.memory_space<vmem_shared>> -> memref<24xi32, #tpu.memory_space<vmem_shared>>
        %dma_start3A_110 = tpu.memref_slice %arg6[%multiple_of3A_43] : memref<24832xi32, #tpu.memory_space<vmem_shared>> -> memref<24xi32, #tpu.memory_space<vmem_shared>>
        tpu.enqueue_dma source(%dma_start3A_110 : memref<24xi32, #tpu.memory_space<vmem_shared>>) target(%run_scoped3A_6 : memref<24xi32, #tpu.memory_space<vmem>>) target_semaphore(%run_scoped3A_109 : memref<!tpu.dma_semaphore, #tpu.memory_space<semaphore_mem>>)
        %dma_wait3A = tpu.memref_slice %arg6[%multiple_of3A_43] : memref<24832xi32, #tpu.memory_space<vmem_shared>> -> memref<24xi32, #tpu.memory_space<vmem_shared>>
        %dma_wait3A_111 = tpu.memref_slice %arg6[%multiple_of3A_43] : memref<24832xi32, #tpu.memory_space<vmem_shared>> -> memref<24xi32, #tpu.memory_space<vmem_shared>>
        tpu.wait_dma2 semaphore(%run_scoped3A_109 : memref<!tpu.dma_semaphore, #tpu.memory_space<semaphore_mem>>) src(%dma_wait3A_111 : memref<24xi32, #tpu.memory_space<vmem_shared>>) dst(%run_scoped3A_6 : memref<24xi32, #tpu.memory_space<vmem>>)
        tpu.yield
      }) : () -> ()
      %gather3A_44 = tpu.vector_load_idx %run_scoped3A_6[%iota3A] : memref<24xi32, #tpu.memory_space<vmem>>[vector<16xi32>], vector<16xi32>,
      %add3A_45 = arith.constant 1 : i32
      %add3A_46 = vector.broadcast %add3A_45 : i32 to vector<16xi32>
      %add3A_47 = arith.addi %iota3A, %add3A_46 : vector<16xi32>
      %gather3A_48 = tpu.vector_load_idx %run_scoped3A_6[%add3A_47] : memref<24xi32, #tpu.memory_space<vmem>>[vector<16xi32>], vector<16xi32>,
      %reduce_max3A_49 = arith.constant true
      %reduce_max3A_50 = vector.broadcast %reduce_max3A_49 : i1 to vector<16xi1>
      %reduce_max3A_51 = arith.constant -2147483648 : i32
      %reduce_max3A_52 = vector.broadcast %reduce_max3A_51 : i32 to vector<16xi32>
      %reduce_max3A_53 = arith.xori %gather3A_48, %reduce_max3A_52 : vector<16xi32>
      %reduce_max3A_54 = tpu.scan <max>, %reduce_max3A_53 masked %reduce_max3A_50 : vector<16xi32>, vector<16xi1> -> vector<16xi32>
      %reduce_max3A_55 = arith.xori %reduce_max3A_54, %reduce_max3A_52 : vector<16xi32>
      %reduce_max3A_56 = vector.extract %reduce_max3A_55[15] : i32 from vector<16xi32>
      %reduce_min3A_57 = arith.constant true
      %reduce_min3A_58 = vector.broadcast %reduce_min3A_57 : i1 to vector<16xi1>
      %reduce_min3A_59 = arith.constant -2147483648 : i32
      %reduce_min3A_60 = vector.broadcast %reduce_min3A_59 : i32 to vector<16xi32>
      %reduce_min3A_61 = arith.xori %gather3A_44, %reduce_min3A_60 : vector<16xi32>
      %reduce_min3A_62 = tpu.scan <min>, %reduce_min3A_61 masked %reduce_min3A_58 : vector<16xi32>, vector<16xi1> -> vector<16xi32>
      %reduce_min3A_63 = arith.xori %reduce_min3A_62, %reduce_min3A_60 : vector<16xi32>
      %reduce_min3A_64 = vector.extract %reduce_min3A_63[15] : i32 from vector<16xi32>
      %not3A_65 = arith.constant 127 : i32
      %not3A_66 = arith.constant -1 : i32
      %not3A_67 = arith.xori %not3A_65, %not3A_66 : i32
      %and3A_68 = arith.andi %reduce_min3A_64, %not3A_67 : i32
      %while3A_69 = scf.while (%while3A_109 = %and3A_68) : (i32) -> i32 {
        %lt3A = arith.cmpi slt, %while3A_109, %reduce_max3A_56 : i32
        scf.condition(%lt3A) %while3A_109 : i32
      } do {
      ^bb0(%while3A_109: i32):
        %multiple_of3A_110 = tpu.assume_multiple %while3A_109, 128 : i32
        %add3A_111 = arith.constant 3456 : i32
        %add3A_112 = arith.addi %multiple_of3A_110, %add3A_111 : i32
        %min3A = arith.constant 156544 : i32
        %min3A_113 = arith.minsi %multiple_of3A_110, %min3A : i32
        %multiple_of3A_114 = tpu.assume_multiple %min3A_113, 128 : i32
        %dma_start3A = arith.constant 0 : i32
        %dma_start3A_115 = tpu.memref_slice %arg2[%dma_start3A, %multiple_of3A_114] : memref<2x160000xi32, #tpu.memory_space<hbm>> -> memref<2x3456xi32, #tpu.memory_space<hbm>>
        %dma_start3A_116 = arith.constant 0 : i32
        %dma_start3A_117 = tpu.memref_slice %arg2[%dma_start3A_116, %multiple_of3A_114] : memref<2x160000xi32, #tpu.memory_space<hbm>> -> memref<2x3456xi32, #tpu.memory_space<hbm>>
        tpu.enqueue_dma source(%dma_start3A_117 : memref<2x3456xi32, #tpu.memory_space<hbm>>) target(%run_scoped3A : memref<2x3456xi32, #tpu.memory_space<vmem>>) target_semaphore(%arg7 : memref<!tpu.dma_semaphore, #tpu.memory_space<semaphore_mem>>)
        %dma_start3A_118 = tpu.memref_slice %arg3[%multiple_of3A_114] : memref<160000xf32, #tpu.memory_space<hbm>> -> memref<3456xf32, #tpu.memory_space<hbm>>
        %dma_start3A_119 = tpu.memref_slice %arg3[%multiple_of3A_114] : memref<160000xf32, #tpu.memory_space<hbm>> -> memref<3456xf32, #tpu.memory_space<hbm>>
        tpu.enqueue_dma source(%dma_start3A_119 : memref<3456xf32, #tpu.memory_space<hbm>>) target(%run_scoped3A_4 : memref<3456xf32, #tpu.memory_space<vmem>>) target_semaphore(%arg7 : memref<!tpu.dma_semaphore, #tpu.memory_space<semaphore_mem>>)
        %dma_start3A_120 = arith.constant 0 : i32
        %dma_start3A_121 = tpu.memref_slice %arg4[%dma_start3A_120, %multiple_of3A_114] : memref<5x160000xf32, #tpu.memory_space<hbm>> -> memref<5x3456xf32, #tpu.memory_space<hbm>>
        %dma_start3A_122 = arith.constant 0 : i32
        %dma_start3A_123 = tpu.memref_slice %arg4[%dma_start3A_122, %multiple_of3A_114] : memref<5x160000xf32, #tpu.memory_space<hbm>> -> memref<5x3456xf32, #tpu.memory_space<hbm>>
        tpu.enqueue_dma source(%dma_start3A_123 : memref<5x3456xf32, #tpu.memory_space<hbm>>) target(%run_scoped3A_5 : memref<5x3456xf32, #tpu.memory_space<vmem>>) target_semaphore(%arg7 : memref<!tpu.dma_semaphore, #tpu.memory_space<semaphore_mem>>)
        %max3A = vector.broadcast %multiple_of3A_110 : i32 to vector<16xi32>
        %max3A_124 = arith.maxsi %gather3A_44, %max3A : vector<16xi32>
        %min3A_125 = vector.broadcast %add3A_112 : i32 to vector<16xi32>
        %min3A_126 = arith.minsi %gather3A_48, %min3A_125 : vector<16xi32>
        %sub3A = arith.subi %min3A_126, %max3A_124 : vector<16xi32>
        %max3A_127 = arith.constant 0 : i32
        %max3A_128 = vector.broadcast %max3A_127 : i32 to vector<16xi32>
        %max3A_129 = arith.maxsi %sub3A, %max3A_128 : vector<16xi32>
        %reduce_max3A_130 = arith.constant true
        %reduce_max3A_131 = vector.broadcast %reduce_max3A_130 : i1 to vector<16xi1>
        %reduce_max3A_132 = arith.constant -2147483648 : i32
        %reduce_max3A_133 = vector.broadcast %reduce_max3A_132 : i32 to vector<16xi32>
        %reduce_max3A_134 = arith.xori %max3A_129, %reduce_max3A_133 : vector<16xi32>
        %reduce_max3A_135 = tpu.scan <max>, %reduce_max3A_134 masked %reduce_max3A_131 : vector<16xi32>, vector<16xi1> -> vector<16xi32>
        %reduce_max3A_136 = arith.xori %reduce_max3A_135, %reduce_max3A_133 : vector<16xi32>
        %reduce_max3A_137 = vector.extract %reduce_max3A_136[15] : i32 from vector<16xi32>
        %eq3A_138 = arith.cmpi eq, %multiple_of3A_110, %and3A_68 : i32
        %convert_element_type3A_139 = arith.extui %eq3A_138 : i1 to i32
        %cond3A_140 = arith.constant 0 : i32
        %cond3A_141 = arith.cmpi ne, %convert_element_type3A_139, %cond3A_140 : i32
        scf.if %cond3A_141 {
          %broadcast_in_dim3A = arith.constant 0.000000e+00 : f32
          %broadcast_in_dim3A_165 = vector.broadcast %broadcast_in_dim3A : f32 to vector<16xf32>
          %scan3A = arith.constant 0 : i32
          %scan3A_166 = arith.constant 0 : i32
          %scan3A_167 = arith.constant 560 : i32
          %scan3A_168 = arith.addi %scan3A_166, %scan3A_167 : i32
          %scan3A_169 = arith.constant 1 : i32
          %scan3A_170 = scf.for %scan3A_172 = %scan3A_166 to %scan3A_168 step %scan3A_169 iter_args(%scan3A_173 = %scan3A) -> (i32)  : i32 {
            %swap3A = arith.index_cast %scan3A_172 : i32 to index
            %swap3A_174 = arith.constant 0 : index
            %swap3A_175 = tpu.vector_load %run_scoped3A_7[%swap3A, %swap3A_174] {strides = array<i32>} : memref<560x128xf32, #tpu.memory_space<vmem>>, vector<16xf32>,
            tpu.vector_store %run_scoped3A_7[%swap3A, %swap3A_174], %broadcast_in_dim3A_165 {strides = array<i32>} : memref<560x128xf32, #tpu.memory_space<vmem>>, vector<16xf32>,
            %swap3A_176 = arith.index_cast %scan3A_172 : i32 to index
            %swap3A_177 = arith.constant 16 : index
            %swap3A_178 = tpu.vector_load %run_scoped3A_7[%swap3A_176, %swap3A_177] {strides = array<i32>} : memref<560x128xf32, #tpu.memory_space<vmem>>, vector<16xf32>,
            tpu.vector_store %run_scoped3A_7[%swap3A_176, %swap3A_177], %broadcast_in_dim3A_165 {strides = array<i32>} : memref<560x128xf32, #tpu.memory_space<vmem>>, vector<16xf32>,
            %swap3A_179 = arith.index_cast %scan3A_172 : i32 to index
            %swap3A_180 = arith.constant 32 : index
            %swap3A_181 = tpu.vector_load %run_scoped3A_7[%swap3A_179, %swap3A_180] {strides = array<i32>} : memref<560x128xf32, #tpu.memory_space<vmem>>, vector<16xf32>,
            tpu.vector_store %run_scoped3A_7[%swap3A_179, %swap3A_180], %broadcast_in_dim3A_165 {strides = array<i32>} : memref<560x128xf32, #tpu.memory_space<vmem>>, vector<16xf32>,
            %swap3A_182 = arith.index_cast %scan3A_172 : i32 to index
            %swap3A_183 = arith.constant 48 : index
            %swap3A_184 = tpu.vector_load %run_scoped3A_7[%swap3A_182, %swap3A_183] {strides = array<i32>} : memref<560x128xf32, #tpu.memory_space<vmem>>, vector<16xf32>,
            tpu.vector_store %run_scoped3A_7[%swap3A_182, %swap3A_183], %broadcast_in_dim3A_165 {strides = array<i32>} : memref<560x128xf32, #tpu.memory_space<vmem>>, vector<16xf32>,
            %swap3A_185 = arith.index_cast %scan3A_172 : i32 to index
            %swap3A_186 = arith.constant 64 : index
            %swap3A_187 = tpu.vector_load %run_scoped3A_7[%swap3A_185, %swap3A_186] {strides = array<i32>} : memref<560x128xf32, #tpu.memory_space<vmem>>, vector<16xf32>,
            tpu.vector_store %run_scoped3A_7[%swap3A_185, %swap3A_186], %broadcast_in_dim3A_165 {strides = array<i32>} : memref<560x128xf32, #tpu.memory_space<vmem>>, vector<16xf32>,
            %swap3A_188 = arith.index_cast %scan3A_172 : i32 to index
            %swap3A_189 = arith.constant 80 : index
            %swap3A_190 = tpu.vector_load %run_scoped3A_7[%swap3A_188, %swap3A_189] {strides = array<i32>} : memref<560x128xf32, #tpu.memory_space<vmem>>, vector<16xf32>,
            tpu.vector_store %run_scoped3A_7[%swap3A_188, %swap3A_189], %broadcast_in_dim3A_165 {strides = array<i32>} : memref<560x128xf32, #tpu.memory_space<vmem>>, vector<16xf32>,
            %swap3A_191 = arith.index_cast %scan3A_172 : i32 to index
            %swap3A_192 = arith.constant 96 : index
            %swap3A_193 = tpu.vector_load %run_scoped3A_7[%swap3A_191, %swap3A_192] {strides = array<i32>} : memref<560x128xf32, #tpu.memory_space<vmem>>, vector<16xf32>,
            tpu.vector_store %run_scoped3A_7[%swap3A_191, %swap3A_192], %broadcast_in_dim3A_165 {strides = array<i32>} : memref<560x128xf32, #tpu.memory_space<vmem>>, vector<16xf32>,
            %swap3A_194 = arith.index_cast %scan3A_172 : i32 to index
            %swap3A_195 = arith.constant 112 : index
            %swap3A_196 = tpu.vector_load %run_scoped3A_7[%swap3A_194, %swap3A_195] {strides = array<i32>} : memref<560x128xf32, #tpu.memory_space<vmem>>, vector<16xf32>,
            tpu.vector_store %run_scoped3A_7[%swap3A_194, %swap3A_195], %broadcast_in_dim3A_165 {strides = array<i32>} : memref<560x128xf32, #tpu.memory_space<vmem>>, vector<16xf32>,
            %scan3A_197 = arith.constant 0 : i32
            scf.yield %scan3A_197 : i32
          }
          %scan3A_171 = arith.constant 560 : i32
        } else {
        }
        %dma_wait3A = arith.constant 0 : i32
        %dma_wait3A_142 = tpu.memref_slice %arg2[%dma_wait3A, %multiple_of3A_114] : memref<2x160000xi32, #tpu.memory_space<hbm>> -> memref<2x3456xi32, #tpu.memory_space<hbm>>
        %dma_wait3A_143 = arith.constant 0 : i32
        %dma_wait3A_144 = tpu.memref_slice %arg2[%dma_wait3A_143, %multiple_of3A_114] : memref<2x160000xi32, #tpu.memory_space<hbm>> -> memref<2x3456xi32, #tpu.memory_space<hbm>>
        tpu.wait_dma2 semaphore(%arg7 : memref<!tpu.dma_semaphore, #tpu.memory_space<semaphore_mem>>) src(%dma_wait3A_144 : memref<2x3456xi32, #tpu.memory_space<hbm>>) dst(%run_scoped3A : memref<2x3456xi32, #tpu.memory_space<vmem>>)
        %dma_wait3A_145 = tpu.memref_slice %arg3[%multiple_of3A_114] : memref<160000xf32, #tpu.memory_space<hbm>> -> memref<3456xf32, #tpu.memory_space<hbm>>
        %dma_wait3A_146 = tpu.memref_slice %arg3[%multiple_of3A_114] : memref<160000xf32, #tpu.memory_space<hbm>> -> memref<3456xf32, #tpu.memory_space<hbm>>
        tpu.wait_dma2 semaphore(%arg7 : memref<!tpu.dma_semaphore, #tpu.memory_space<semaphore_mem>>) src(%dma_wait3A_146 : memref<3456xf32, #tpu.memory_space<hbm>>) dst(%run_scoped3A_4 : memref<3456xf32, #tpu.memory_space<vmem>>)
        %dma_wait3A_147 = arith.constant 0 : i32
        %dma_wait3A_148 = tpu.memref_slice %arg4[%dma_wait3A_147, %multiple_of3A_114] : memref<5x160000xf32, #tpu.memory_space<hbm>> -> memref<5x3456xf32, #tpu.memory_space<hbm>>
        %dma_wait3A_149 = arith.constant 0 : i32
        %dma_wait3A_150 = tpu.memref_slice %arg4[%dma_wait3A_149, %multiple_of3A_114] : memref<5x160000xf32, #tpu.memory_space<hbm>> -> memref<5x3456xf32, #tpu.memory_space<hbm>>
        tpu.wait_dma2 semaphore(%arg7 : memref<!tpu.dma_semaphore, #tpu.memory_space<semaphore_mem>>) src(%dma_wait3A_150 : memref<5x3456xf32, #tpu.memory_space<hbm>>) dst(%run_scoped3A_5 : memref<5x3456xf32, #tpu.memory_space<vmem>>)
        %while3A_151 = arith.constant 0 : i32
        %while3A_152 = arith.constant 0 : i32
        %while3A_153 = arith.subi %reduce_max3A_137, %while3A_151 : i32
        %while3A_154 = arith.addi %while3A_151, %while3A_153 : i32
        %while3A_155 = arith.constant 1 : i32
        %while3A_156 = arith.divsi %while3A_153, %while3A_155 : i32
        %while3A_157 = arith.muli %while3A_156, %while3A_155 : i32
        %while3A_158 = arith.addi %while3A_151, %while3A_157 : i32
        %while3A_159 = arith.constant 1 : i32
        %while3A_160 = scf.for %while3A_165 = %while3A_151 to %while3A_158 step %while3A_159 iter_args(%while3A_166 = %while3A_152) -> (i32)  : i32 {
          %add3A_167 = vector.broadcast %while3A_165 : i32 to vector<16xi32>
          %add3A_168 = arith.addi %max3A_124, %add3A_167 : vector<16xi32>
          %lt3A = arith.cmpi slt, %add3A_168, %min3A_126 : vector<16xi32>
          %sub3A_169 = vector.broadcast %multiple_of3A_114 : i32 to vector<16xi32>
          %sub3A_170 = arith.subi %add3A_168, %sub3A_169 : vector<16xi32>
          %min3A_171 = arith.constant 3455 : i32
          %min3A_172 = vector.broadcast %min3A_171 : i32 to vector<16xi32>
          %min3A_173 = arith.minsi %sub3A_170, %min3A_172 : vector<16xi32>
          %broadcast_in_dim3A = arith.constant 0 : i32
          %broadcast_in_dim3A_174 = vector.broadcast %broadcast_in_dim3A : i32 to vector<16xi32>
          %gather3A_175 = tpu.vector_load_idx %run_scoped3A[%broadcast_in_dim3A_174, %min3A_173] : memref<2x3456xi32, #tpu.memory_space<vmem>>[vector<16xi32>, vector<16xi32>], vector<16xi32>,
          %broadcast_in_dim3A_176 = arith.constant 1 : i32
          %broadcast_in_dim3A_177 = vector.broadcast %broadcast_in_dim3A_176 : i32 to vector<16xi32>
          %gather3A_178 = tpu.vector_load_idx %run_scoped3A[%broadcast_in_dim3A_177, %min3A_173] : memref<2x3456xi32, #tpu.memory_space<vmem>>[vector<16xi32>, vector<16xi32>], vector<16xi32>,
          %gather3A_179 = tpu.vector_load_idx %run_scoped3A_4[%min3A_173] : memref<3456xf32, #tpu.memory_space<vmem>>[vector<16xi32>], vector<16xf32>,
          %sub3A_180 = vector.broadcast %mul3A_40 : i32 to vector<16xi32>
          %sub3A_181 = arith.subi %gather3A_175, %sub3A_180 : vector<16xi32>
          %mul3A_182 = arith.constant 5 : i32
          %mul3A_183 = vector.broadcast %mul3A_182 : i32 to vector<16xi32>
          %mul3A_184 = arith.muli %sub3A_181, %mul3A_183 : vector<16xi32>
          %broadcast_in_dim3A_185 = arith.constant 0 : i32
          %broadcast_in_dim3A_186 = vector.broadcast %broadcast_in_dim3A_185 : i32 to vector<16xi32>
          %gather3A_187 = tpu.vector_load_idx %run_scoped3A_5[%broadcast_in_dim3A_186, %min3A_173] : memref<5x3456xf32, #tpu.memory_space<vmem>>[vector<16xi32>, vector<16xi32>], vector<16xf32>,
          %add3A_188 = arith.constant 0 : i32
          %add3A_189 = vector.broadcast %add3A_188 : i32 to vector<16xi32>
          %add3A_190 = arith.addi %mul3A_184, %add3A_189 : vector<16xi32>
          %mul3A_191 = arith.mulf %gather3A_179, %gather3A_187 : vector<16xf32>
          tpu.vector_store_idx %run_scoped3A_7[%add3A_190, %gather3A_178], %mul3A_191 masked %lt3A {add = true} : memref<560x128xf32, #tpu.memory_space<vmem>>[vector<16xi32>, vector<16xi32>], vector<16xf32>, vector<16xi1>
          %broadcast_in_dim3A_192 = arith.constant 1 : i32
          %broadcast_in_dim3A_193 = vector.broadcast %broadcast_in_dim3A_192 : i32 to vector<16xi32>
          %gather3A_194 = tpu.vector_load_idx %run_scoped3A_5[%broadcast_in_dim3A_193, %min3A_173] : memref<5x3456xf32, #tpu.memory_space<vmem>>[vector<16xi32>, vector<16xi32>], vector<16xf32>,
          %add3A_195 = arith.constant 1 : i32
          %add3A_196 = vector.broadcast %add3A_195 : i32 to vector<16xi32>
          %add3A_197 = arith.addi %mul3A_184, %add3A_196 : vector<16xi32>
          %mul3A_198 = arith.mulf %gather3A_179, %gather3A_194 : vector<16xf32>
          tpu.vector_store_idx %run_scoped3A_7[%add3A_197, %gather3A_178], %mul3A_198 masked %lt3A {add = true} : memref<560x128xf32, #tpu.memory_space<vmem>>[vector<16xi32>, vector<16xi32>], vector<16xf32>, vector<16xi1>
          %broadcast_in_dim3A_199 = arith.constant 2 : i32
          %broadcast_in_dim3A_200 = vector.broadcast %broadcast_in_dim3A_199 : i32 to vector<16xi32>
          %gather3A_201 = tpu.vector_load_idx %run_scoped3A_5[%broadcast_in_dim3A_200, %min3A_173] : memref<5x3456xf32, #tpu.memory_space<vmem>>[vector<16xi32>, vector<16xi32>], vector<16xf32>,
          %add3A_202 = arith.constant 2 : i32
          %add3A_203 = vector.broadcast %add3A_202 : i32 to vector<16xi32>
          %add3A_204 = arith.addi %mul3A_184, %add3A_203 : vector<16xi32>
          %mul3A_205 = arith.mulf %gather3A_179, %gather3A_201 : vector<16xf32>
          tpu.vector_store_idx %run_scoped3A_7[%add3A_204, %gather3A_178], %mul3A_205 masked %lt3A {add = true} : memref<560x128xf32, #tpu.memory_space<vmem>>[vector<16xi32>, vector<16xi32>], vector<16xf32>, vector<16xi1>
          %broadcast_in_dim3A_206 = arith.constant 3 : i32
          %broadcast_in_dim3A_207 = vector.broadcast %broadcast_in_dim3A_206 : i32 to vector<16xi32>
          %gather3A_208 = tpu.vector_load_idx %run_scoped3A_5[%broadcast_in_dim3A_207, %min3A_173] : memref<5x3456xf32, #tpu.memory_space<vmem>>[vector<16xi32>, vector<16xi32>], vector<16xf32>,
          %add3A_209 = arith.constant 3 : i32
          %add3A_210 = vector.broadcast %add3A_209 : i32 to vector<16xi32>
          %add3A_211 = arith.addi %mul3A_184, %add3A_210 : vector<16xi32>
          %mul3A_212 = arith.mulf %gather3A_179, %gather3A_208 : vector<16xf32>
          tpu.vector_store_idx %run_scoped3A_7[%add3A_211, %gather3A_178], %mul3A_212 masked %lt3A {add = true} : memref<560x128xf32, #tpu.memory_space<vmem>>[vector<16xi32>, vector<16xi32>], vector<16xf32>, vector<16xi1>
          %broadcast_in_dim3A_213 = arith.constant 4 : i32
          %broadcast_in_dim3A_214 = vector.broadcast %broadcast_in_dim3A_213 : i32 to vector<16xi32>
          %gather3A_215 = tpu.vector_load_idx %run_scoped3A_5[%broadcast_in_dim3A_214, %min3A_173] : memref<5x3456xf32, #tpu.memory_space<vmem>>[vector<16xi32>, vector<16xi32>], vector<16xf32>,
          %add3A_216 = arith.constant 4 : i32
          %add3A_217 = vector.broadcast %add3A_216 : i32 to vector<16xi32>
          %add3A_218 = arith.addi %mul3A_184, %add3A_217 : vector<16xi32>
          %mul3A_219 = arith.mulf %gather3A_179, %gather3A_215 : vector<16xf32>
          tpu.vector_store_idx %run_scoped3A_7[%add3A_218, %gather3A_178], %mul3A_219 masked %lt3A {add = true} : memref<560x128xf32, #tpu.memory_space<vmem>>[vector<16xi32>, vector<16xi32>], vector<16xf32>, vector<16xi1>
          %while3A_220 = arith.constant 0 : i32
          scf.yield %while3A_220 : i32
        }
        %while3A_161 = arith.constant 1 : i32
        %while3A_162 = scf.for %while3A_165 = %while3A_158 to %while3A_154 step %while3A_161 iter_args(%while3A_166 = %while3A_160) -> (i32)  : i32 {
          %add3A_167 = vector.broadcast %while3A_165 : i32 to vector<16xi32>
          %add3A_168 = arith.addi %max3A_124, %add3A_167 : vector<16xi32>
          %lt3A = arith.cmpi slt, %add3A_168, %min3A_126 : vector<16xi32>
          %sub3A_169 = vector.broadcast %multiple_of3A_114 : i32 to vector<16xi32>
          %sub3A_170 = arith.subi %add3A_168, %sub3A_169 : vector<16xi32>
          %min3A_171 = arith.constant 3455 : i32
          %min3A_172 = vector.broadcast %min3A_171 : i32 to vector<16xi32>
          %min3A_173 = arith.minsi %sub3A_170, %min3A_172 : vector<16xi32>
          %broadcast_in_dim3A = arith.constant 0 : i32
          %broadcast_in_dim3A_174 = vector.broadcast %broadcast_in_dim3A : i32 to vector<16xi32>
          %gather3A_175 = tpu.vector_load_idx %run_scoped3A[%broadcast_in_dim3A_174, %min3A_173] : memref<2x3456xi32, #tpu.memory_space<vmem>>[vector<16xi32>, vector<16xi32>], vector<16xi32>,
          %broadcast_in_dim3A_176 = arith.constant 1 : i32
          %broadcast_in_dim3A_177 = vector.broadcast %broadcast_in_dim3A_176 : i32 to vector<16xi32>
          %gather3A_178 = tpu.vector_load_idx %run_scoped3A[%broadcast_in_dim3A_177, %min3A_173] : memref<2x3456xi32, #tpu.memory_space<vmem>>[vector<16xi32>, vector<16xi32>], vector<16xi32>,
          %gather3A_179 = tpu.vector_load_idx %run_scoped3A_4[%min3A_173] : memref<3456xf32, #tpu.memory_space<vmem>>[vector<16xi32>], vector<16xf32>,
          %sub3A_180 = vector.broadcast %mul3A_40 : i32 to vector<16xi32>
          %sub3A_181 = arith.subi %gather3A_175, %sub3A_180 : vector<16xi32>
          %mul3A_182 = arith.constant 5 : i32
          %mul3A_183 = vector.broadcast %mul3A_182 : i32 to vector<16xi32>
          %mul3A_184 = arith.muli %sub3A_181, %mul3A_183 : vector<16xi32>
          %broadcast_in_dim3A_185 = arith.constant 0 : i32
          %broadcast_in_dim3A_186 = vector.broadcast %broadcast_in_dim3A_185 : i32 to vector<16xi32>
          %gather3A_187 = tpu.vector_load_idx %run_scoped3A_5[%broadcast_in_dim3A_186, %min3A_173] : memref<5x3456xf32, #tpu.memory_space<vmem>>[vector<16xi32>, vector<16xi32>], vector<16xf32>,
          %add3A_188 = arith.constant 0 : i32
          %add3A_189 = vector.broadcast %add3A_188 : i32 to vector<16xi32>
          %add3A_190 = arith.addi %mul3A_184, %add3A_189 : vector<16xi32>
          %mul3A_191 = arith.mulf %gather3A_179, %gather3A_187 : vector<16xf32>
          tpu.vector_store_idx %run_scoped3A_7[%add3A_190, %gather3A_178], %mul3A_191 masked %lt3A {add = true} : memref<560x128xf32, #tpu.memory_space<vmem>>[vector<16xi32>, vector<16xi32>], vector<16xf32>, vector<16xi1>
          %broadcast_in_dim3A_192 = arith.constant 1 : i32
          %broadcast_in_dim3A_193 = vector.broadcast %broadcast_in_dim3A_192 : i32 to vector<16xi32>
          %gather3A_194 = tpu.vector_load_idx %run_scoped3A_5[%broadcast_in_dim3A_193, %min3A_173] : memref<5x3456xf32, #tpu.memory_space<vmem>>[vector<16xi32>, vector<16xi32>], vector<16xf32>,
          %add3A_195 = arith.constant 1 : i32
          %add3A_196 = vector.broadcast %add3A_195 : i32 to vector<16xi32>
          %add3A_197 = arith.addi %mul3A_184, %add3A_196 : vector<16xi32>
          %mul3A_198 = arith.mulf %gather3A_179, %gather3A_194 : vector<16xf32>
          tpu.vector_store_idx %run_scoped3A_7[%add3A_197, %gather3A_178], %mul3A_198 masked %lt3A {add = true} : memref<560x128xf32, #tpu.memory_space<vmem>>[vector<16xi32>, vector<16xi32>], vector<16xf32>, vector<16xi1>
          %broadcast_in_dim3A_199 = arith.constant 2 : i32
          %broadcast_in_dim3A_200 = vector.broadcast %broadcast_in_dim3A_199 : i32 to vector<16xi32>
          %gather3A_201 = tpu.vector_load_idx %run_scoped3A_5[%broadcast_in_dim3A_200, %min3A_173] : memref<5x3456xf32, #tpu.memory_space<vmem>>[vector<16xi32>, vector<16xi32>], vector<16xf32>,
          %add3A_202 = arith.constant 2 : i32
          %add3A_203 = vector.broadcast %add3A_202 : i32 to vector<16xi32>
          %add3A_204 = arith.addi %mul3A_184, %add3A_203 : vector<16xi32>
          %mul3A_205 = arith.mulf %gather3A_179, %gather3A_201 : vector<16xf32>
          tpu.vector_store_idx %run_scoped3A_7[%add3A_204, %gather3A_178], %mul3A_205 masked %lt3A {add = true} : memref<560x128xf32, #tpu.memory_space<vmem>>[vector<16xi32>, vector<16xi32>], vector<16xf32>, vector<16xi1>
          %broadcast_in_dim3A_206 = arith.constant 3 : i32
          %broadcast_in_dim3A_207 = vector.broadcast %broadcast_in_dim3A_206 : i32 to vector<16xi32>
          %gather3A_208 = tpu.vector_load_idx %run_scoped3A_5[%broadcast_in_dim3A_207, %min3A_173] : memref<5x3456xf32, #tpu.memory_space<vmem>>[vector<16xi32>, vector<16xi32>], vector<16xf32>,
          %add3A_209 = arith.constant 3 : i32
          %add3A_210 = vector.broadcast %add3A_209 : i32 to vector<16xi32>
          %add3A_211 = arith.addi %mul3A_184, %add3A_210 : vector<16xi32>
          %mul3A_212 = arith.mulf %gather3A_179, %gather3A_208 : vector<16xf32>
          tpu.vector_store_idx %run_scoped3A_7[%add3A_211, %gather3A_178], %mul3A_212 masked %lt3A {add = true} : memref<560x128xf32, #tpu.memory_space<vmem>>[vector<16xi32>, vector<16xi32>], vector<16xf32>, vector<16xi1>
          %broadcast_in_dim3A_213 = arith.constant 4 : i32
          %broadcast_in_dim3A_214 = vector.broadcast %broadcast_in_dim3A_213 : i32 to vector<16xi32>
          %gather3A_215 = tpu.vector_load_idx %run_scoped3A_5[%broadcast_in_dim3A_214, %min3A_173] : memref<5x3456xf32, #tpu.memory_space<vmem>>[vector<16xi32>, vector<16xi32>], vector<16xf32>,
          %add3A_216 = arith.constant 4 : i32
          %add3A_217 = vector.broadcast %add3A_216 : i32 to vector<16xi32>
          %add3A_218 = arith.addi %mul3A_184, %add3A_217 : vector<16xi32>
          %mul3A_219 = arith.mulf %gather3A_179, %gather3A_215 : vector<16xf32>
          tpu.vector_store_idx %run_scoped3A_7[%add3A_218, %gather3A_178], %mul3A_219 masked %lt3A {add = true} : memref<560x128xf32, #tpu.memory_space<vmem>>[vector<16xi32>, vector<16xi32>], vector<16xf32>, vector<16xi1>
          %while3A_220 = arith.constant 0 : i32
          scf.yield %while3A_220 : i32
        }
        %add3A_163 = arith.constant 3456 : i32
        %add3A_164 = arith.addi %multiple_of3A_110, %add3A_163 : i32
        scf.yield %add3A_164 : i32
      }
      %mul3A_70 = arith.constant 560 : i32
      %mul3A_71 = arith.muli %add3A_38, %mul3A_70 : i32
      %multiple_of3A_72 = tpu.assume_multiple %mul3A_71, 8 : i32
      "tpu.region"() ({
        %run_scoped3A_109 = tpu.sem_alloc : memref<!tpu.dma_semaphore, #tpu.memory_space<semaphore_mem>>
        %dma_start3A = arith.constant 0 : i32
        %dma_start3A_110 = tpu.memref_slice %arg5[%multiple_of3A_72, %dma_start3A] : memref<53760x128xf32, #tpu.memory_space<hbm>> -> memref<560x128xf32, #tpu.memory_space<hbm>>
        %dma_start3A_111 = arith.constant 0 : i32
        %dma_start3A_112 = tpu.memref_slice %arg5[%multiple_of3A_72, %dma_start3A_111] : memref<53760x128xf32, #tpu.memory_space<hbm>> -> memref<560x128xf32, #tpu.memory_space<hbm>>
        tpu.enqueue_dma source(%run_scoped3A_7 : memref<560x128xf32, #tpu.memory_space<vmem>>) target(%dma_start3A_112 : memref<560x128xf32, #tpu.memory_space<hbm>>) target_semaphore(%run_scoped3A_109 : memref<!tpu.dma_semaphore, #tpu.memory_space<semaphore_mem>>)
        %dma_wait3A = arith.constant 0 : i32
        %dma_wait3A_113 = tpu.memref_slice %arg5[%multiple_of3A_72, %dma_wait3A] : memref<53760x128xf32, #tpu.memory_space<hbm>> -> memref<560x128xf32, #tpu.memory_space<hbm>>
        %dma_wait3A_114 = arith.constant 0 : i32
        %dma_wait3A_115 = tpu.memref_slice %arg5[%multiple_of3A_72, %dma_wait3A_114] : memref<53760x128xf32, #tpu.memory_space<hbm>> -> memref<560x128xf32, #tpu.memory_space<hbm>>
        tpu.wait_dma2 semaphore(%run_scoped3A_109 : memref<!tpu.dma_semaphore, #tpu.memory_space<semaphore_mem>>) src(%run_scoped3A_7 : memref<560x128xf32, #tpu.memory_space<vmem>>) dst(%dma_wait3A_115 : memref<560x128xf32, #tpu.memory_space<hbm>>)
        tpu.yield
      }) : () -> ()
      %add3A_73 = arith.constant 64 : i32
      %add3A_74 = arith.addi %add3A, %add3A_73 : i32
      %mul3A_75 = arith.constant 112 : i32
      %mul3A_76 = arith.muli %add3A_74, %mul3A_75 : i32
      %mul3A_77 = arith.constant 16 : i32
      %mul3A_78 = arith.muli %add3A_74, %mul3A_77 : i32
      %multiple_of3A_79 = tpu.assume_multiple %mul3A_78, 8 : i32
      "tpu.region"() ({
        %run_scoped3A_109 = tpu.sem_alloc : memref<!tpu.dma_semaphore, #tpu.memory_space<semaphore_mem>>
        %dma_start3A = tpu.memref_slice %arg6[%multiple_of3A_79] : memref<24832xi32, #tpu.memory_space<vmem_shared>> -> memref<24xi32, #tpu.memory_space<vmem_shared>>
        %dma_start3A_110 = tpu.memref_slice %arg6[%multiple_of3A_79] : memref<24832xi32, #tpu.memory_space<vmem_shared>> -> memref<24xi32, #tpu.memory_space<vmem_shared>>
        tpu.enqueue_dma source(%dma_start3A_110 : memref<24xi32, #tpu.memory_space<vmem_shared>>) target(%run_scoped3A_6 : memref<24xi32, #tpu.memory_space<vmem>>) target_semaphore(%run_scoped3A_109 : memref<!tpu.dma_semaphore, #tpu.memory_space<semaphore_mem>>)
        %dma_wait3A = tpu.memref_slice %arg6[%multiple_of3A_79] : memref<24832xi32, #tpu.memory_space<vmem_shared>> -> memref<24xi32, #tpu.memory_space<vmem_shared>>
        %dma_wait3A_111 = tpu.memref_slice %arg6[%multiple_of3A_79] : memref<24832xi32, #tpu.memory_space<vmem_shared>> -> memref<24xi32, #tpu.memory_space<vmem_shared>>
        tpu.wait_dma2 semaphore(%run_scoped3A_109 : memref<!tpu.dma_semaphore, #tpu.memory_space<semaphore_mem>>) src(%dma_wait3A_111 : memref<24xi32, #tpu.memory_space<vmem_shared>>) dst(%run_scoped3A_6 : memref<24xi32, #tpu.memory_space<vmem>>)
        tpu.yield
      }) : () -> ()
      %gather3A_80 = tpu.vector_load_idx %run_scoped3A_6[%iota3A] : memref<24xi32, #tpu.memory_space<vmem>>[vector<16xi32>], vector<16xi32>,
      %add3A_81 = arith.constant 1 : i32
      %add3A_82 = vector.broadcast %add3A_81 : i32 to vector<16xi32>
      %add3A_83 = arith.addi %iota3A, %add3A_82 : vector<16xi32>
      %gather3A_84 = tpu.vector_load_idx %run_scoped3A_6[%add3A_83] : memref<24xi32, #tpu.memory_space<vmem>>[vector<16xi32>], vector<16xi32>,
      %reduce_max3A_85 = arith.constant true
      %reduce_max3A_86 = vector.broadcast %reduce_max3A_85 : i1 to vector<16xi1>
      %reduce_max3A_87 = arith.constant -2147483648 : i32
      %reduce_max3A_88 = vector.broadcast %reduce_max3A_87 : i32 to vector<16xi32>
      %reduce_max3A_89 = arith.xori %gather3A_84, %reduce_max3A_88 : vector<16xi32>
      %reduce_max3A_90 = tpu.scan <max>, %reduce_max3A_89 masked %reduce_max3A_86 : vector<16xi32>, vector<16xi1> -> vector<16xi32>
      %reduce_max3A_91 = arith.xori %reduce_max3A_90, %reduce_max3A_88 : vector<16xi32>
      %reduce_max3A_92 = vector.extract %reduce_max3A_91[15] : i32 from vector<16xi32>
      %reduce_min3A_93 = arith.constant true
      %reduce_min3A_94 = vector.broadcast %reduce_min3A_93 : i1 to vector<16xi1>
      %reduce_min3A_95 = arith.constant -2147483648 : i32
      %reduce_min3A_96 = vector.broadcast %reduce_min3A_95 : i32 to vector<16xi32>
      %reduce_min3A_97 = arith.xori %gather3A_80, %reduce_min3A_96 : vector<16xi32>
      %reduce_min3A_98 = tpu.scan <min>, %reduce_min3A_97 masked %reduce_min3A_94 : vector<16xi32>, vector<16xi1> -> vector<16xi32>
      %reduce_min3A_99 = arith.xori %reduce_min3A_98, %reduce_min3A_96 : vector<16xi32>
      %reduce_min3A_100 = vector.extract %reduce_min3A_99[15] : i32 from vector<16xi32>
      %not3A_101 = arith.constant 127 : i32
      %not3A_102 = arith.constant -1 : i32
      %not3A_103 = arith.xori %not3A_101, %not3A_102 : i32
      %and3A_104 = arith.andi %reduce_min3A_100, %not3A_103 : i32
      %while3A_105 = scf.while (%while3A_109 = %and3A_104) : (i32) -> i32 {
        %lt3A = arith.cmpi slt, %while3A_109, %reduce_max3A_92 : i32
        scf.condition(%lt3A) %while3A_109 : i32
      } do {
      ^bb0(%while3A_109: i32):
        %multiple_of3A_110 = tpu.assume_multiple %while3A_109, 128 : i32
        %add3A_111 = arith.constant 3456 : i32
        %add3A_112 = arith.addi %multiple_of3A_110, %add3A_111 : i32
        %min3A = arith.constant 156544 : i32
        %min3A_113 = arith.minsi %multiple_of3A_110, %min3A : i32
        %multiple_of3A_114 = tpu.assume_multiple %min3A_113, 128 : i32
        %dma_start3A = arith.constant 0 : i32
        %dma_start3A_115 = tpu.memref_slice %arg2[%dma_start3A, %multiple_of3A_114] : memref<2x160000xi32, #tpu.memory_space<hbm>> -> memref<2x3456xi32, #tpu.memory_space<hbm>>
        %dma_start3A_116 = arith.constant 0 : i32
        %dma_start3A_117 = tpu.memref_slice %arg2[%dma_start3A_116, %multiple_of3A_114] : memref<2x160000xi32, #tpu.memory_space<hbm>> -> memref<2x3456xi32, #tpu.memory_space<hbm>>
        tpu.enqueue_dma source(%dma_start3A_117 : memref<2x3456xi32, #tpu.memory_space<hbm>>) target(%run_scoped3A : memref<2x3456xi32, #tpu.memory_space<vmem>>) target_semaphore(%arg7 : memref<!tpu.dma_semaphore, #tpu.memory_space<semaphore_mem>>)
        %dma_start3A_118 = tpu.memref_slice %arg3[%multiple_of3A_114] : memref<160000xf32, #tpu.memory_space<hbm>> -> memref<3456xf32, #tpu.memory_space<hbm>>
        %dma_start3A_119 = tpu.memref_slice %arg3[%multiple_of3A_114] : memref<160000xf32, #tpu.memory_space<hbm>> -> memref<3456xf32, #tpu.memory_space<hbm>>
        tpu.enqueue_dma source(%dma_start3A_119 : memref<3456xf32, #tpu.memory_space<hbm>>) target(%run_scoped3A_4 : memref<3456xf32, #tpu.memory_space<vmem>>) target_semaphore(%arg7 : memref<!tpu.dma_semaphore, #tpu.memory_space<semaphore_mem>>)
        %dma_start3A_120 = arith.constant 0 : i32
        %dma_start3A_121 = tpu.memref_slice %arg4[%dma_start3A_120, %multiple_of3A_114] : memref<5x160000xf32, #tpu.memory_space<hbm>> -> memref<5x3456xf32, #tpu.memory_space<hbm>>
        %dma_start3A_122 = arith.constant 0 : i32
        %dma_start3A_123 = tpu.memref_slice %arg4[%dma_start3A_122, %multiple_of3A_114] : memref<5x160000xf32, #tpu.memory_space<hbm>> -> memref<5x3456xf32, #tpu.memory_space<hbm>>
        tpu.enqueue_dma source(%dma_start3A_123 : memref<5x3456xf32, #tpu.memory_space<hbm>>) target(%run_scoped3A_5 : memref<5x3456xf32, #tpu.memory_space<vmem>>) target_semaphore(%arg7 : memref<!tpu.dma_semaphore, #tpu.memory_space<semaphore_mem>>)
        %max3A = vector.broadcast %multiple_of3A_110 : i32 to vector<16xi32>
        %max3A_124 = arith.maxsi %gather3A_80, %max3A : vector<16xi32>
        %min3A_125 = vector.broadcast %add3A_112 : i32 to vector<16xi32>
        %min3A_126 = arith.minsi %gather3A_84, %min3A_125 : vector<16xi32>
        %sub3A = arith.subi %min3A_126, %max3A_124 : vector<16xi32>
        %max3A_127 = arith.constant 0 : i32
        %max3A_128 = vector.broadcast %max3A_127 : i32 to vector<16xi32>
        %max3A_129 = arith.maxsi %sub3A, %max3A_128 : vector<16xi32>
        %reduce_max3A_130 = arith.constant true
        %reduce_max3A_131 = vector.broadcast %reduce_max3A_130 : i1 to vector<16xi1>
        %reduce_max3A_132 = arith.constant -2147483648 : i32
        %reduce_max3A_133 = vector.broadcast %reduce_max3A_132 : i32 to vector<16xi32>
        %reduce_max3A_134 = arith.xori %max3A_129, %reduce_max3A_133 : vector<16xi32>
        %reduce_max3A_135 = tpu.scan <max>, %reduce_max3A_134 masked %reduce_max3A_131 : vector<16xi32>, vector<16xi1> -> vector<16xi32>
        %reduce_max3A_136 = arith.xori %reduce_max3A_135, %reduce_max3A_133 : vector<16xi32>
        %reduce_max3A_137 = vector.extract %reduce_max3A_136[15] : i32 from vector<16xi32>
        %eq3A_138 = arith.cmpi eq, %multiple_of3A_110, %and3A_104 : i32
        %convert_element_type3A_139 = arith.extui %eq3A_138 : i1 to i32
        %cond3A_140 = arith.constant 0 : i32
        %cond3A_141 = arith.cmpi ne, %convert_element_type3A_139, %cond3A_140 : i32
        scf.if %cond3A_141 {
          %broadcast_in_dim3A = arith.constant 0.000000e+00 : f32
          %broadcast_in_dim3A_165 = vector.broadcast %broadcast_in_dim3A : f32 to vector<16xf32>
          %scan3A = arith.constant 0 : i32
          %scan3A_166 = arith.constant 0 : i32
          %scan3A_167 = arith.constant 560 : i32
          %scan3A_168 = arith.addi %scan3A_166, %scan3A_167 : i32
          %scan3A_169 = arith.constant 1 : i32
          %scan3A_170 = scf.for %scan3A_172 = %scan3A_166 to %scan3A_168 step %scan3A_169 iter_args(%scan3A_173 = %scan3A) -> (i32)  : i32 {
            %swap3A = arith.index_cast %scan3A_172 : i32 to index
            %swap3A_174 = arith.constant 0 : index
            %swap3A_175 = tpu.vector_load %run_scoped3A_7[%swap3A, %swap3A_174] {strides = array<i32>} : memref<560x128xf32, #tpu.memory_space<vmem>>, vector<16xf32>,
            tpu.vector_store %run_scoped3A_7[%swap3A, %swap3A_174], %broadcast_in_dim3A_165 {strides = array<i32>} : memref<560x128xf32, #tpu.memory_space<vmem>>, vector<16xf32>,
            %swap3A_176 = arith.index_cast %scan3A_172 : i32 to index
            %swap3A_177 = arith.constant 16 : index
            %swap3A_178 = tpu.vector_load %run_scoped3A_7[%swap3A_176, %swap3A_177] {strides = array<i32>} : memref<560x128xf32, #tpu.memory_space<vmem>>, vector<16xf32>,
            tpu.vector_store %run_scoped3A_7[%swap3A_176, %swap3A_177], %broadcast_in_dim3A_165 {strides = array<i32>} : memref<560x128xf32, #tpu.memory_space<vmem>>, vector<16xf32>,
            %swap3A_179 = arith.index_cast %scan3A_172 : i32 to index
            %swap3A_180 = arith.constant 32 : index
            %swap3A_181 = tpu.vector_load %run_scoped3A_7[%swap3A_179, %swap3A_180] {strides = array<i32>} : memref<560x128xf32, #tpu.memory_space<vmem>>, vector<16xf32>,
            tpu.vector_store %run_scoped3A_7[%swap3A_179, %swap3A_180], %broadcast_in_dim3A_165 {strides = array<i32>} : memref<560x128xf32, #tpu.memory_space<vmem>>, vector<16xf32>,
            %swap3A_182 = arith.index_cast %scan3A_172 : i32 to index
            %swap3A_183 = arith.constant 48 : index
            %swap3A_184 = tpu.vector_load %run_scoped3A_7[%swap3A_182, %swap3A_183] {strides = array<i32>} : memref<560x128xf32, #tpu.memory_space<vmem>>, vector<16xf32>,
            tpu.vector_store %run_scoped3A_7[%swap3A_182, %swap3A_183], %broadcast_in_dim3A_165 {strides = array<i32>} : memref<560x128xf32, #tpu.memory_space<vmem>>, vector<16xf32>,
            %swap3A_185 = arith.index_cast %scan3A_172 : i32 to index
            %swap3A_186 = arith.constant 64 : index
            %swap3A_187 = tpu.vector_load %run_scoped3A_7[%swap3A_185, %swap3A_186] {strides = array<i32>} : memref<560x128xf32, #tpu.memory_space<vmem>>, vector<16xf32>,
            tpu.vector_store %run_scoped3A_7[%swap3A_185, %swap3A_186], %broadcast_in_dim3A_165 {strides = array<i32>} : memref<560x128xf32, #tpu.memory_space<vmem>>, vector<16xf32>,
            %swap3A_188 = arith.index_cast %scan3A_172 : i32 to index
            %swap3A_189 = arith.constant 80 : index
            %swap3A_190 = tpu.vector_load %run_scoped3A_7[%swap3A_188, %swap3A_189] {strides = array<i32>} : memref<560x128xf32, #tpu.memory_space<vmem>>, vector<16xf32>,
            tpu.vector_store %run_scoped3A_7[%swap3A_188, %swap3A_189], %broadcast_in_dim3A_165 {strides = array<i32>} : memref<560x128xf32, #tpu.memory_space<vmem>>, vector<16xf32>,
            %swap3A_191 = arith.index_cast %scan3A_172 : i32 to index
            %swap3A_192 = arith.constant 96 : index
            %swap3A_193 = tpu.vector_load %run_scoped3A_7[%swap3A_191, %swap3A_192] {strides = array<i32>} : memref<560x128xf32, #tpu.memory_space<vmem>>, vector<16xf32>,
            tpu.vector_store %run_scoped3A_7[%swap3A_191, %swap3A_192], %broadcast_in_dim3A_165 {strides = array<i32>} : memref<560x128xf32, #tpu.memory_space<vmem>>, vector<16xf32>,
            %swap3A_194 = arith.index_cast %scan3A_172 : i32 to index
            %swap3A_195 = arith.constant 112 : index
            %swap3A_196 = tpu.vector_load %run_scoped3A_7[%swap3A_194, %swap3A_195] {strides = array<i32>} : memref<560x128xf32, #tpu.memory_space<vmem>>, vector<16xf32>,
            tpu.vector_store %run_scoped3A_7[%swap3A_194, %swap3A_195], %broadcast_in_dim3A_165 {strides = array<i32>} : memref<560x128xf32, #tpu.memory_space<vmem>>, vector<16xf32>,
            %scan3A_197 = arith.constant 0 : i32
            scf.yield %scan3A_197 : i32
          }
          %scan3A_171 = arith.constant 560 : i32
        } else {
        }
        %dma_wait3A = arith.constant 0 : i32
        %dma_wait3A_142 = tpu.memref_slice %arg2[%dma_wait3A, %multiple_of3A_114] : memref<2x160000xi32, #tpu.memory_space<hbm>> -> memref<2x3456xi32, #tpu.memory_space<hbm>>
        %dma_wait3A_143 = arith.constant 0 : i32
        %dma_wait3A_144 = tpu.memref_slice %arg2[%dma_wait3A_143, %multiple_of3A_114] : memref<2x160000xi32, #tpu.memory_space<hbm>> -> memref<2x3456xi32, #tpu.memory_space<hbm>>
        tpu.wait_dma2 semaphore(%arg7 : memref<!tpu.dma_semaphore, #tpu.memory_space<semaphore_mem>>) src(%dma_wait3A_144 : memref<2x3456xi32, #tpu.memory_space<hbm>>) dst(%run_scoped3A : memref<2x3456xi32, #tpu.memory_space<vmem>>)
        %dma_wait3A_145 = tpu.memref_slice %arg3[%multiple_of3A_114] : memref<160000xf32, #tpu.memory_space<hbm>> -> memref<3456xf32, #tpu.memory_space<hbm>>
        %dma_wait3A_146 = tpu.memref_slice %arg3[%multiple_of3A_114] : memref<160000xf32, #tpu.memory_space<hbm>> -> memref<3456xf32, #tpu.memory_space<hbm>>
        tpu.wait_dma2 semaphore(%arg7 : memref<!tpu.dma_semaphore, #tpu.memory_space<semaphore_mem>>) src(%dma_wait3A_146 : memref<3456xf32, #tpu.memory_space<hbm>>) dst(%run_scoped3A_4 : memref<3456xf32, #tpu.memory_space<vmem>>)
        %dma_wait3A_147 = arith.constant 0 : i32
        %dma_wait3A_148 = tpu.memref_slice %arg4[%dma_wait3A_147, %multiple_of3A_114] : memref<5x160000xf32, #tpu.memory_space<hbm>> -> memref<5x3456xf32, #tpu.memory_space<hbm>>
        %dma_wait3A_149 = arith.constant 0 : i32
        %dma_wait3A_150 = tpu.memref_slice %arg4[%dma_wait3A_149, %multiple_of3A_114] : memref<5x160000xf32, #tpu.memory_space<hbm>> -> memref<5x3456xf32, #tpu.memory_space<hbm>>
        tpu.wait_dma2 semaphore(%arg7 : memref<!tpu.dma_semaphore, #tpu.memory_space<semaphore_mem>>) src(%dma_wait3A_150 : memref<5x3456xf32, #tpu.memory_space<hbm>>) dst(%run_scoped3A_5 : memref<5x3456xf32, #tpu.memory_space<vmem>>)
        %while3A_151 = arith.constant 0 : i32
        %while3A_152 = arith.constant 0 : i32
        %while3A_153 = arith.subi %reduce_max3A_137, %while3A_151 : i32
        %while3A_154 = arith.addi %while3A_151, %while3A_153 : i32
        %while3A_155 = arith.constant 1 : i32
        %while3A_156 = arith.divsi %while3A_153, %while3A_155 : i32
        %while3A_157 = arith.muli %while3A_156, %while3A_155 : i32
        %while3A_158 = arith.addi %while3A_151, %while3A_157 : i32
        %while3A_159 = arith.constant 1 : i32
        %while3A_160 = scf.for %while3A_165 = %while3A_151 to %while3A_158 step %while3A_159 iter_args(%while3A_166 = %while3A_152) -> (i32)  : i32 {
          %add3A_167 = vector.broadcast %while3A_165 : i32 to vector<16xi32>
          %add3A_168 = arith.addi %max3A_124, %add3A_167 : vector<16xi32>
          %lt3A = arith.cmpi slt, %add3A_168, %min3A_126 : vector<16xi32>
          %sub3A_169 = vector.broadcast %multiple_of3A_114 : i32 to vector<16xi32>
          %sub3A_170 = arith.subi %add3A_168, %sub3A_169 : vector<16xi32>
          %min3A_171 = arith.constant 3455 : i32
          %min3A_172 = vector.broadcast %min3A_171 : i32 to vector<16xi32>
          %min3A_173 = arith.minsi %sub3A_170, %min3A_172 : vector<16xi32>
          %broadcast_in_dim3A = arith.constant 0 : i32
          %broadcast_in_dim3A_174 = vector.broadcast %broadcast_in_dim3A : i32 to vector<16xi32>
          %gather3A_175 = tpu.vector_load_idx %run_scoped3A[%broadcast_in_dim3A_174, %min3A_173] : memref<2x3456xi32, #tpu.memory_space<vmem>>[vector<16xi32>, vector<16xi32>], vector<16xi32>,
          %broadcast_in_dim3A_176 = arith.constant 1 : i32
          %broadcast_in_dim3A_177 = vector.broadcast %broadcast_in_dim3A_176 : i32 to vector<16xi32>
          %gather3A_178 = tpu.vector_load_idx %run_scoped3A[%broadcast_in_dim3A_177, %min3A_173] : memref<2x3456xi32, #tpu.memory_space<vmem>>[vector<16xi32>, vector<16xi32>], vector<16xi32>,
          %gather3A_179 = tpu.vector_load_idx %run_scoped3A_4[%min3A_173] : memref<3456xf32, #tpu.memory_space<vmem>>[vector<16xi32>], vector<16xf32>,
          %sub3A_180 = vector.broadcast %mul3A_76 : i32 to vector<16xi32>
          %sub3A_181 = arith.subi %gather3A_175, %sub3A_180 : vector<16xi32>
          %mul3A_182 = arith.constant 5 : i32
          %mul3A_183 = vector.broadcast %mul3A_182 : i32 to vector<16xi32>
          %mul3A_184 = arith.muli %sub3A_181, %mul3A_183 : vector<16xi32>
          %broadcast_in_dim3A_185 = arith.constant 0 : i32
          %broadcast_in_dim3A_186 = vector.broadcast %broadcast_in_dim3A_185 : i32 to vector<16xi32>
          %gather3A_187 = tpu.vector_load_idx %run_scoped3A_5[%broadcast_in_dim3A_186, %min3A_173] : memref<5x3456xf32, #tpu.memory_space<vmem>>[vector<16xi32>, vector<16xi32>], vector<16xf32>,
          %add3A_188 = arith.constant 0 : i32
          %add3A_189 = vector.broadcast %add3A_188 : i32 to vector<16xi32>
          %add3A_190 = arith.addi %mul3A_184, %add3A_189 : vector<16xi32>
          %mul3A_191 = arith.mulf %gather3A_179, %gather3A_187 : vector<16xf32>
          tpu.vector_store_idx %run_scoped3A_7[%add3A_190, %gather3A_178], %mul3A_191 masked %lt3A {add = true} : memref<560x128xf32, #tpu.memory_space<vmem>>[vector<16xi32>, vector<16xi32>], vector<16xf32>, vector<16xi1>
          %broadcast_in_dim3A_192 = arith.constant 1 : i32
          %broadcast_in_dim3A_193 = vector.broadcast %broadcast_in_dim3A_192 : i32 to vector<16xi32>
          %gather3A_194 = tpu.vector_load_idx %run_scoped3A_5[%broadcast_in_dim3A_193, %min3A_173] : memref<5x3456xf32, #tpu.memory_space<vmem>>[vector<16xi32>, vector<16xi32>], vector<16xf32>,
          %add3A_195 = arith.constant 1 : i32
          %add3A_196 = vector.broadcast %add3A_195 : i32 to vector<16xi32>
          %add3A_197 = arith.addi %mul3A_184, %add3A_196 : vector<16xi32>
          %mul3A_198 = arith.mulf %gather3A_179, %gather3A_194 : vector<16xf32>
          tpu.vector_store_idx %run_scoped3A_7[%add3A_197, %gather3A_178], %mul3A_198 masked %lt3A {add = true} : memref<560x128xf32, #tpu.memory_space<vmem>>[vector<16xi32>, vector<16xi32>], vector<16xf32>, vector<16xi1>
          %broadcast_in_dim3A_199 = arith.constant 2 : i32
          %broadcast_in_dim3A_200 = vector.broadcast %broadcast_in_dim3A_199 : i32 to vector<16xi32>
          %gather3A_201 = tpu.vector_load_idx %run_scoped3A_5[%broadcast_in_dim3A_200, %min3A_173] : memref<5x3456xf32, #tpu.memory_space<vmem>>[vector<16xi32>, vector<16xi32>], vector<16xf32>,
          %add3A_202 = arith.constant 2 : i32
          %add3A_203 = vector.broadcast %add3A_202 : i32 to vector<16xi32>
          %add3A_204 = arith.addi %mul3A_184, %add3A_203 : vector<16xi32>
          %mul3A_205 = arith.mulf %gather3A_179, %gather3A_201 : vector<16xf32>
          tpu.vector_store_idx %run_scoped3A_7[%add3A_204, %gather3A_178], %mul3A_205 masked %lt3A {add = true} : memref<560x128xf32, #tpu.memory_space<vmem>>[vector<16xi32>, vector<16xi32>], vector<16xf32>, vector<16xi1>
          %broadcast_in_dim3A_206 = arith.constant 3 : i32
          %broadcast_in_dim3A_207 = vector.broadcast %broadcast_in_dim3A_206 : i32 to vector<16xi32>
          %gather3A_208 = tpu.vector_load_idx %run_scoped3A_5[%broadcast_in_dim3A_207, %min3A_173] : memref<5x3456xf32, #tpu.memory_space<vmem>>[vector<16xi32>, vector<16xi32>], vector<16xf32>,
          %add3A_209 = arith.constant 3 : i32
          %add3A_210 = vector.broadcast %add3A_209 : i32 to vector<16xi32>
          %add3A_211 = arith.addi %mul3A_184, %add3A_210 : vector<16xi32>
          %mul3A_212 = arith.mulf %gather3A_179, %gather3A_208 : vector<16xf32>
          tpu.vector_store_idx %run_scoped3A_7[%add3A_211, %gather3A_178], %mul3A_212 masked %lt3A {add = true} : memref<560x128xf32, #tpu.memory_space<vmem>>[vector<16xi32>, vector<16xi32>], vector<16xf32>, vector<16xi1>
          %broadcast_in_dim3A_213 = arith.constant 4 : i32
          %broadcast_in_dim3A_214 = vector.broadcast %broadcast_in_dim3A_213 : i32 to vector<16xi32>
          %gather3A_215 = tpu.vector_load_idx %run_scoped3A_5[%broadcast_in_dim3A_214, %min3A_173] : memref<5x3456xf32, #tpu.memory_space<vmem>>[vector<16xi32>, vector<16xi32>], vector<16xf32>,
          %add3A_216 = arith.constant 4 : i32
          %add3A_217 = vector.broadcast %add3A_216 : i32 to vector<16xi32>
          %add3A_218 = arith.addi %mul3A_184, %add3A_217 : vector<16xi32>
          %mul3A_219 = arith.mulf %gather3A_179, %gather3A_215 : vector<16xf32>
          tpu.vector_store_idx %run_scoped3A_7[%add3A_218, %gather3A_178], %mul3A_219 masked %lt3A {add = true} : memref<560x128xf32, #tpu.memory_space<vmem>>[vector<16xi32>, vector<16xi32>], vector<16xf32>, vector<16xi1>
          %while3A_220 = arith.constant 0 : i32
          scf.yield %while3A_220 : i32
        }
        %while3A_161 = arith.constant 1 : i32
        %while3A_162 = scf.for %while3A_165 = %while3A_158 to %while3A_154 step %while3A_161 iter_args(%while3A_166 = %while3A_160) -> (i32)  : i32 {
          %add3A_167 = vector.broadcast %while3A_165 : i32 to vector<16xi32>
          %add3A_168 = arith.addi %max3A_124, %add3A_167 : vector<16xi32>
          %lt3A = arith.cmpi slt, %add3A_168, %min3A_126 : vector<16xi32>
          %sub3A_169 = vector.broadcast %multiple_of3A_114 : i32 to vector<16xi32>
          %sub3A_170 = arith.subi %add3A_168, %sub3A_169 : vector<16xi32>
          %min3A_171 = arith.constant 3455 : i32
          %min3A_172 = vector.broadcast %min3A_171 : i32 to vector<16xi32>
          %min3A_173 = arith.minsi %sub3A_170, %min3A_172 : vector<16xi32>
          %broadcast_in_dim3A = arith.constant 0 : i32
          %broadcast_in_dim3A_174 = vector.broadcast %broadcast_in_dim3A : i32 to vector<16xi32>
          %gather3A_175 = tpu.vector_load_idx %run_scoped3A[%broadcast_in_dim3A_174, %min3A_173] : memref<2x3456xi32, #tpu.memory_space<vmem>>[vector<16xi32>, vector<16xi32>], vector<16xi32>,
          %broadcast_in_dim3A_176 = arith.constant 1 : i32
          %broadcast_in_dim3A_177 = vector.broadcast %broadcast_in_dim3A_176 : i32 to vector<16xi32>
          %gather3A_178 = tpu.vector_load_idx %run_scoped3A[%broadcast_in_dim3A_177, %min3A_173] : memref<2x3456xi32, #tpu.memory_space<vmem>>[vector<16xi32>, vector<16xi32>], vector<16xi32>,
          %gather3A_179 = tpu.vector_load_idx %run_scoped3A_4[%min3A_173] : memref<3456xf32, #tpu.memory_space<vmem>>[vector<16xi32>], vector<16xf32>,
          %sub3A_180 = vector.broadcast %mul3A_76 : i32 to vector<16xi32>
          %sub3A_181 = arith.subi %gather3A_175, %sub3A_180 : vector<16xi32>
          %mul3A_182 = arith.constant 5 : i32
          %mul3A_183 = vector.broadcast %mul3A_182 : i32 to vector<16xi32>
          %mul3A_184 = arith.muli %sub3A_181, %mul3A_183 : vector<16xi32>
          %broadcast_in_dim3A_185 = arith.constant 0 : i32
          %broadcast_in_dim3A_186 = vector.broadcast %broadcast_in_dim3A_185 : i32 to vector<16xi32>
          %gather3A_187 = tpu.vector_load_idx %run_scoped3A_5[%broadcast_in_dim3A_186, %min3A_173] : memref<5x3456xf32, #tpu.memory_space<vmem>>[vector<16xi32>, vector<16xi32>], vector<16xf32>,
          %add3A_188 = arith.constant 0 : i32
          %add3A_189 = vector.broadcast %add3A_188 : i32 to vector<16xi32>
          %add3A_190 = arith.addi %mul3A_184, %add3A_189 : vector<16xi32>
          %mul3A_191 = arith.mulf %gather3A_179, %gather3A_187 : vector<16xf32>
          tpu.vector_store_idx %run_scoped3A_7[%add3A_190, %gather3A_178], %mul3A_191 masked %lt3A {add = true} : memref<560x128xf32, #tpu.memory_space<vmem>>[vector<16xi32>, vector<16xi32>], vector<16xf32>, vector<16xi1>
          %broadcast_in_dim3A_192 = arith.constant 1 : i32
          %broadcast_in_dim3A_193 = vector.broadcast %broadcast_in_dim3A_192 : i32 to vector<16xi32>
          %gather3A_194 = tpu.vector_load_idx %run_scoped3A_5[%broadcast_in_dim3A_193, %min3A_173] : memref<5x3456xf32, #tpu.memory_space<vmem>>[vector<16xi32>, vector<16xi32>], vector<16xf32>,
          %add3A_195 = arith.constant 1 : i32
          %add3A_196 = vector.broadcast %add3A_195 : i32 to vector<16xi32>
          %add3A_197 = arith.addi %mul3A_184, %add3A_196 : vector<16xi32>
          %mul3A_198 = arith.mulf %gather3A_179, %gather3A_194 : vector<16xf32>
          tpu.vector_store_idx %run_scoped3A_7[%add3A_197, %gather3A_178], %mul3A_198 masked %lt3A {add = true} : memref<560x128xf32, #tpu.memory_space<vmem>>[vector<16xi32>, vector<16xi32>], vector<16xf32>, vector<16xi1>
          %broadcast_in_dim3A_199 = arith.constant 2 : i32
          %broadcast_in_dim3A_200 = vector.broadcast %broadcast_in_dim3A_199 : i32 to vector<16xi32>
          %gather3A_201 = tpu.vector_load_idx %run_scoped3A_5[%broadcast_in_dim3A_200, %min3A_173] : memref<5x3456xf32, #tpu.memory_space<vmem>>[vector<16xi32>, vector<16xi32>], vector<16xf32>,
          %add3A_202 = arith.constant 2 : i32
          %add3A_203 = vector.broadcast %add3A_202 : i32 to vector<16xi32>
          %add3A_204 = arith.addi %mul3A_184, %add3A_203 : vector<16xi32>
          %mul3A_205 = arith.mulf %gather3A_179, %gather3A_201 : vector<16xf32>
          tpu.vector_store_idx %run_scoped3A_7[%add3A_204, %gather3A_178], %mul3A_205 masked %lt3A {add = true} : memref<560x128xf32, #tpu.memory_space<vmem>>[vector<16xi32>, vector<16xi32>], vector<16xf32>, vector<16xi1>
          %broadcast_in_dim3A_206 = arith.constant 3 : i32
          %broadcast_in_dim3A_207 = vector.broadcast %broadcast_in_dim3A_206 : i32 to vector<16xi32>
          %gather3A_208 = tpu.vector_load_idx %run_scoped3A_5[%broadcast_in_dim3A_207, %min3A_173] : memref<5x3456xf32, #tpu.memory_space<vmem>>[vector<16xi32>, vector<16xi32>], vector<16xf32>,
          %add3A_209 = arith.constant 3 : i32
          %add3A_210 = vector.broadcast %add3A_209 : i32 to vector<16xi32>
          %add3A_211 = arith.addi %mul3A_184, %add3A_210 : vector<16xi32>
          %mul3A_212 = arith.mulf %gather3A_179, %gather3A_208 : vector<16xf32>
          tpu.vector_store_idx %run_scoped3A_7[%add3A_211, %gather3A_178], %mul3A_212 masked %lt3A {add = true} : memref<560x128xf32, #tpu.memory_space<vmem>>[vector<16xi32>, vector<16xi32>], vector<16xf32>, vector<16xi1>
          %broadcast_in_dim3A_213 = arith.constant 4 : i32
          %broadcast_in_dim3A_214 = vector.broadcast %broadcast_in_dim3A_213 : i32 to vector<16xi32>
          %gather3A_215 = tpu.vector_load_idx %run_scoped3A_5[%broadcast_in_dim3A_214, %min3A_173] : memref<5x3456xf32, #tpu.memory_space<vmem>>[vector<16xi32>, vector<16xi32>], vector<16xf32>,
          %add3A_216 = arith.constant 4 : i32
          %add3A_217 = vector.broadcast %add3A_216 : i32 to vector<16xi32>
          %add3A_218 = arith.addi %mul3A_184, %add3A_217 : vector<16xi32>
          %mul3A_219 = arith.mulf %gather3A_179, %gather3A_215 : vector<16xf32>
          tpu.vector_store_idx %run_scoped3A_7[%add3A_218, %gather3A_178], %mul3A_219 masked %lt3A {add = true} : memref<560x128xf32, #tpu.memory_space<vmem>>[vector<16xi32>, vector<16xi32>], vector<16xf32>, vector<16xi1>
          %while3A_220 = arith.constant 0 : i32
          scf.yield %while3A_220 : i32
        }
        %add3A_163 = arith.constant 3456 : i32
        %add3A_164 = arith.addi %multiple_of3A_110, %add3A_163 : i32
        scf.yield %add3A_164 : i32
      }
      %mul3A_106 = arith.constant 560 : i32
      %mul3A_107 = arith.muli %add3A_74, %mul3A_106 : i32
      %multiple_of3A_108 = tpu.assume_multiple %mul3A_107, 8 : i32
      "tpu.region"() ({
        %run_scoped3A_109 = tpu.sem_alloc : memref<!tpu.dma_semaphore, #tpu.memory_space<semaphore_mem>>
        %dma_start3A = arith.constant 0 : i32
        %dma_start3A_110 = tpu.memref_slice %arg5[%multiple_of3A_108, %dma_start3A] : memref<53760x128xf32, #tpu.memory_space<hbm>> -> memref<560x128xf32, #tpu.memory_space<hbm>>
        %dma_start3A_111 = arith.constant 0 : i32
        %dma_start3A_112 = tpu.memref_slice %arg5[%multiple_of3A_108, %dma_start3A_111] : memref<53760x128xf32, #tpu.memory_space<hbm>> -> memref<560x128xf32, #tpu.memory_space<hbm>>
        tpu.enqueue_dma source(%run_scoped3A_7 : memref<560x128xf32, #tpu.memory_space<vmem>>) target(%dma_start3A_112 : memref<560x128xf32, #tpu.memory_space<hbm>>) target_semaphore(%run_scoped3A_109 : memref<!tpu.dma_semaphore, #tpu.memory_space<semaphore_mem>>)
        %dma_wait3A = arith.constant 0 : i32
        %dma_wait3A_113 = tpu.memref_slice %arg5[%multiple_of3A_108, %dma_wait3A] : memref<53760x128xf32, #tpu.memory_space<hbm>> -> memref<560x128xf32, #tpu.memory_space<hbm>>
        %dma_wait3A_114 = arith.constant 0 : i32
        %dma_wait3A_115 = tpu.memref_slice %arg5[%multiple_of3A_108, %dma_wait3A_114] : memref<53760x128xf32, #tpu.memory_space<hbm>> -> memref<560x128xf32, #tpu.memory_space<hbm>>
        tpu.wait_dma2 semaphore(%run_scoped3A_109 : memref<!tpu.dma_semaphore, #tpu.memory_space<semaphore_mem>>) src(%run_scoped3A_7 : memref<560x128xf32, #tpu.memory_space<vmem>>) dst(%dma_wait3A_115 : memref<560x128xf32, #tpu.memory_space<hbm>>)
        tpu.yield
      }) : () -> ()
      tpu.yield
    }) : () -> ()
    return
  }
}

module attributes {stable_mosaic.version = 14 : i64} {
  func.func @_mm_body(%arg0: i32, %arg1: memref<256x128xf32, #tpu.memory_space<vmem>>, %arg2: memref<2048x128xf32, #tpu.memory_space<vmem>>, %arg3: memref<2048x256xf32, #tpu.memory_space<vmem>>) attributes {dimension_semantics = [#tpu.dimension_semantics<arbitrary>], iteration_bounds = array<i64: 25>, scalar_prefetch = 0 : i64, scratch_operands = 0 : i64, tpu.core_type = #tpu.core_type<tc>, window_params = [{pipeline_mode = #tpu.pipeline_mode<synchronous>, transform_indices = @transform_0, window_bounds = array<i64: 256, 128>}, {transform_indices = @transform_1, window_bounds = array<i64: 2048, 128>}, {transform_indices = @transform_2, window_bounds = array<i64: 2048, 256>}]} {
    %get3A = arith.constant 0 : index
    %get3A_0 = arith.constant 0 : index
    %get3A_1 = vector.load %arg2[%get3A, %get3A_0] : memref<2048x128xf32, #tpu.memory_space<vmem>>, vector<2048x128xf32>
    %get3A_2 = arith.constant 0 : index
    %get3A_3 = arith.constant 0 : index
    %get3A_4 = vector.load %arg1[%get3A_2, %get3A_3] : memref<256x128xf32, #tpu.memory_space<vmem>>, vector<256x128xf32>
    %dot_general3A = arith.constant dense<0.000000e+00> : vector<2048x256xf32>
    %dot_general3A_5 = tpu.matmul %get3A_1, %get3A_4, %dot_general3A {dimension_numbers = #tpu.dot_dimension_numbers<[1], [1], [0], [0], [0, 0, 1, 0], [], []>, transpose_lhs_hint = false} : vector<2048x128xf32>, vector<256x128xf32>, vector<2048x256xf32> -> vector<2048x256xf32>
    %swap3A = arith.constant 0 : index
    %swap3A_6 = arith.constant 0 : index
    %swap3A_7 = vector.load %arg3[%swap3A, %swap3A_6] : memref<2048x256xf32, #tpu.memory_space<vmem>>, vector<2048x256xf32>
    tpu.vector_store %arg3[%swap3A, %swap3A_6], %dot_general3A_5 {strides = array<i32>} : memref<2048x256xf32, #tpu.memory_space<vmem>>, vector<2048x256xf32>,
    return
  }
  func.func @transform_0(%arg0: i32) -> (i32, i32) {
    %c0_i32 = arith.constant 0 : i32
    %c0_i32_0 = arith.constant 0 : i32
    %c0_i32_1 = arith.constant 0 : i32
    return %c0_i32, %c0_i32_0 : i32, i32
  }
  func.func @transform_1(%arg0: i32) -> (i32, i32) {
    %c0_i32 = arith.constant 0 : i32
    %c0_i32_0 = arith.constant 0 : i32
    return %arg0, %c0_i32 : i32, i32
  }
  func.func @transform_2(%arg0: i32) -> (i32, i32) {
    %c0_i32 = arith.constant 0 : i32
    %c0_i32_0 = arith.constant 0 : i32
    return %arg0, %c0_i32 : i32, i32
  }
}

</mosaic_0001>

<sc_bundles>
// kernel: kernel.4.cloned.1.call-start
scs
__scs_entry_jumppad:
0x0: {  	(pc) =	sbr.rel $0x88, $3  }
0x1: {  	(tag) =	ssettag $0x0;
	lr =	simm.s32 $0x1  }
0x2: {  	[smem:$0x3F9E] =	sst lr;
	_ =	strace $0xD0000000  }
0x3: {  	_ = 	snop  }
0x4: {  	_ = 	snop  }
0x5: {  	_ = 	snop  }
0x6: {  	_ = 	snop  }
0x7: {  	_ = 	snop  }
__scs_overlays_trampoline_lowered:
0x8: {  	[smem:$0x3FAD] =	sst s0  }
0x9: {  	[smem:$0x3FAE] =	sst s1  }
0xa: {  	[smem:$0x3FAF] =	sst s2  }
0xb: {  	[smem:$0x3FB0] =	sst s3  }
0xc: {  	[smem:$0x3FB1] =	sst s4  }
0xd: {  	[smem:$0x3FB2] =	sst s5  }
0xe: {  	[smem:$0x3FB3] =	sst s6  }
0xf: {  	[smem:$0x3FB4] =	sst s7  }
0x10: {  	[smem:$0x3FB5] =	sst s8  }
0x11: {  	[smem:$0x3FB6] =	sst s9;
	s0 =	simm.s32 @!p0 $0x0  }
0x12: {  	s1 =	sld [smem:$0x3F9C];
	s0 =	simm.s32 @p0 $0x1  }
0x13: {  	[smem:$0x3FB7] =	sst s0;
	s0 =	simm.s32 @!p1 $0x0  }
0x14: {  	s2 =	sld [smem:$0x3F9B];
	s0 =	simm.s32 @p1 $0x1  }
0x15: {  	[smem:$0x3FB8] =	sst s0;
	s0 =	simm.s32 @!p2 $0x0  }
0x16: {  	s3 =	sld [smem:$0x3FDB];
	s0 =	simm.s32 @p2 $0x1  }
0x17: {  	s4 =	simm.s32 $0x1BF5;
	[smem:$0x3FBA] =	sst s0  }
0x18: {  	s0 =	sld [smem:$0x3F9D];
	_ =	swait.ge [sflag:s4], $0x0  }
0x19: {  	s7 =	sld [smem:$0x3F9E]  }
0x1a: {  	s8 =	sadd.s32 $0xFFFFE003, lr  }
0x1b: {  	s9 =	sadd.s32 $0xFFFFFEF7, lr;
	s5 =	simm.s32 $0xFFFFFFFF;
	p2 =	slt.u32 s8, $0xFFFFF086  }
0x1c: {  	p1 =	slt.u32 s9, $0xF7A;
	s5 =	simm.s32 @!p2 $0x0  }
0x1d: {  	s5 =	simm.s32 @p1 $0x1;
	p0 =	seq.s32 s7, s2  }
0x1e: {  	s7 =	smul.u32 @!p0 $0xF7A, s2;
	p2 =	seq.s32 @!p0 s5, $0x0  }
0x1f: {  	s9 =	smul.u32 $0xF7A, s1;
	s8 =	simm.s32 @!p0 $0x1BF5;
	p2 =	por !p2, p0  }
0x20: {  	[sflag:s8] =	ssyncset.s32 @!p0 $0xFFFFF086;
	s6 =	sadd.s32 @!p0 s3, s7;
	s7 =	simm.s32 @!p0 $0x108  }
0x21: {  	s3 =	sadd.s32 s3, s9;
	s6 =	sadd.s32 @!p0 $0x88, s6;
	s7 =	simm.s32 @p2 $0x1082  }
0x22: {  	[simem:s7], [sflag:s8] =	dma.local @!p0 [hbm:s6], $0xF7A  }
0x23: {  	s9 =	sor.u32 $0xD0000000, s2;
	s6 =	simm.s32 $0x108;
	_ =	swait.ge @!p0 [sflag:s8], $0x0  }
0x24: {  	s3 =	sadd.s32 $0x88, s3;
	s6 =	simm.s32 @!p1 $0x1082;
	[sflag:s4] =	ssyncset.s32 $0xFFFFF086  }
0x25: {  	[simem:s6], [sflag:s4] =	dma.local [hbm:s3], $0xF7A  }
0x26: {  	[smem:$0x3F9E] =	sst s1;
	(tag) =	ssettag s2;
	_ =	strace s9  }
0x27: {  	s1 =	sld [smem:$0x3FAE]  }
0x28: {  	s2 =	sld [smem:$0x3FAF]  }
0x29: {  	s4 =	sld [smem:$0x3FB1]  }
0x2a: {  	p0 =	seq.s32 s5, $0x0;
	s5 =	sld [smem:$0x3FB2]  }
0x2b: {  	s6 =	sld [smem:$0x3FB3]  }
0x2c: {  	s7 =	sld [smem:$0x3FB4]  }
0x2d: {  	s3 =	simm.s32 $0x108;
	s8 =	sld [smem:$0x3FB5]  }
0x2e: {  	s3 =	simm.s32 @!p0 $0x1082;
	s9 =	sld [smem:$0x3FB6]  }
0x2f: {  	lr =	sadd.s32 s0, s3;
	s0 =	sld [smem:$0x3FAD]  }
0x30: {  	s3 =	sld [smem:$0x3FB0]  }
0x31: {  	[smem:$0x3FB9] =	sst s10  }
0x32: {  	s10 =	sld [smem:$0x3FB7];
	_ =	sdelay $0x3  }
0x33: {  	p0 =	seq.s32 s10, $0x1;
	s10 =	sld [smem:$0x3FB9];
	_ =	sdelay $0x3  }
0x34: {  	[smem:$0x3FB9] =	sst s10  }
0x35: {  	s10 =	sld [smem:$0x3FB8];
	_ =	sdelay $0x3  }
0x36: {  	p1 =	seq.s32 s10, $0x1;
	s10 =	sld [smem:$0x3FB9];
	_ =	sdelay $0x3  }
0x37: {  	[smem:$0x3FB9] =	sst s10  }
0x38: {  	s10 =	sld [smem:$0x3FBA]  }
0x39: {  	_ = 	snop;
	(pc) =	sbr.ind lr, $3  }
0x3a: {  	_ = 	snop  }
0x3b: {  	_ = 	snop  }
0x3c: {  	p2 =	seq.s32 s10, $0x1;
	s10 =	sld [smem:$0x3FB9]  }
0x3d: {  	_ =	shalt  }
0x3e: {  	_ =	shalt  }
0x3f: {  	_ =	shalt  }
0x40: {  	_ =	shalt  }
0x41: {  	_ =	shalt  }
0x42: {  	_ =	shalt  }
0x43: {  	_ =	shalt  }
0x44: {  	_ =	shalt  }
0x45: {  	_ =	shalt  }
0x46: {  	_ =	shalt  }
0x47: {  	_ =	shalt  }
0x48: {  	_ =	shalt  }
0x49: {  	_ =	shalt  }
0x4a: {  	_ =	shalt  }
0x4b: {  	_ =	shalt  }
0x4c: {  	_ =	shalt  }
0x4d: {  	_ =	shalt  }
0x4e: {  	_ =	shalt  }
0x4f: {  	_ =	shalt  }
0x50: {  	_ =	shalt  }
0x51: {  	_ =	shalt  }
0x52: {  	_ =	shalt  }
0x53: {  	_ =	shalt  }
0x54: {  	_ =	shalt  }
0x55: {  	_ =	shalt  }
0x56: {  	_ =	shalt  }
0x57: {  	_ =	shalt  }
0x58: {  	_ =	shalt  }
0x59: {  	_ =	shalt  }
0x5a: {  	_ =	shalt  }
0x5b: {  	_ =	shalt  }
0x5c: {  	_ =	shalt  }
0x5d: {  	_ =	shalt  }
0x5e: {  	_ =	shalt  }
0x5f: {  	_ =	shalt  }
0x60: {  	_ =	shalt  }
0x61: {  	_ =	shalt  }
0x62: {  	_ =	shalt  }
0x63: {  	_ =	shalt  }
0x64: {  	_ =	shalt  }
0x65: {  	_ =	shalt  }
0x66: {  	_ =	shalt  }
0x67: {  	_ =	shalt  }
0x68: {  	_ =	shalt  }
0x69: {  	_ =	shalt  }
0x6a: {  	_ =	shalt  }
0x6b: {  	_ =	shalt  }
0x6c: {  	_ =	shalt  }
0x6d: {  	_ =	shalt  }
0x6e: {  	_ =	shalt  }
0x6f: {  	_ =	shalt  }
0x70: {  	_ =	shalt  }
0x71: {  	_ =	shalt  }
0x72: {  	_ =	shalt  }
0x73: {  	_ =	shalt  }
0x74: {  	_ =	shalt  }
0x75: {  	_ =	shalt  }
0x76: {  	_ =	shalt  }
0x77: {  	_ =	shalt  }
0x78: {  	_ =	shalt  }
0x79: {  	_ =	shalt  }
0x7a: {  	_ =	shalt  }
0x7b: {  	_ =	shalt  }
0x7c: {  	_ =	shalt  }
0x7d: {  	_ =	shalt  }
0x7e: {  	_ =	shalt  }
0x7f: {  	_ =	shalt  }
0x80: {  	_ =	shalt  }
0x81: {  	_ =	shalt  }
0x82: {  	_ =	shalt  }
0x83: {  	_ =	shalt  }
0x84: {  	_ =	shalt  }
0x85: {  	_ =	shalt  }
0x86: {  	_ =	shalt  }
0x87: {  	_ =	shalt  }
.Lfunc_end0:
.L_simem_size_0:
called_computation_lowered:
.L_overlay_start_0:
0x88: {  	s2 =	sld [smem:$0x3FD9]  }
0x89: {  	s3 =	sld [smem:$0x3FFE];
	_ =	sdelay $0x1  }
0x8a: {  	s1 =	srdreg.scid  }
0x8b: {  	s0 =	sand.u32 $0x1, s1  }
0x8c: {  	s17 =	sshll.u32 s0, $0xA;
	s2 =	sadd.s32 s3, s2  }
0x8d: {  	s2 =	sadd.s32 s2, s17  }
0x8e: {  	[smem:$0x3FC5] =	sst s2  }
0x8f: {  	_ = 	snop  }
0x90: {  	s2 =	sld [smem:$0x3FC9]  }
0x91: {  	s18 =	sld [smem:$0x3FC8]  }
0x92: {  	s4 =	sld [smem:$0x3FC7];
	(tm) =	ssettm $0x1  }
0x93: {  	s5 =	sld [smem:$0x3FFB];
	_ =	sdelay $0x3  }
0x94: {  	_ =	strace s5  }
0x95: {  	s5 =	sld [smem:$0x3FFC];
	_ =	sdelay $0x3  }
0x96: {  	_ =	strace s5  }
0x97: {  	s5 =	sld [smem:$0x3FFD];
	_ =	sdelay $0x3  }
0x98: {  	_ =	strace s5  }
0x99: {  	_ =	strace $0x8FFFFFFF  }
0x9a: {  	s19 =	sld [smem:$0x3FDB];
	_ =	sdelay $0x1  }
0x9b: {  	s6 =	simm.s32 $_scs_section_size  }
0x9c: {  	s7 =	simm.s32 $_size__tile_overlayer_lowered;
	s8 =	simm.s32 $_tile_overlayer_lowered  }
0x9d: {  	s22 =	simm.s32 $0x1BFF;
	s21 =	sshll.u32 s8, $0x1;
	s5 =	sadd.s32 s6, s19  }
0x9e: {  	s9 =	simm.s32 $0x0;
	s20 =	sshll.u32 s7, $0x1;
	s7 =	sadd.s32 s21, s5  }
0x9f: {  	[timem:s9], [sflag:s22] =	dma.local [hbm:s7], s20  }
0xa0: {  	_ =	swait.ge [sflag:s22], s20  }
0xa1: {  	s6 =	ssub.s32 $0x0, s20;
	[sflag:s22] =	ssyncset.done $0x0  }
0xa2: {  	[sflag:s22] =	ssyncadd.s32 s6;
	_ =	sdelay $0x1  }
0xa3: {  	s23 =	simm.s32 $0x1B8B  }
0xa4: {  	_ =	swait.ge [sflag:s23], $0x1  }
0xa5: {  	[sflag:s23] =	ssyncset.done $0x0  }
0xa6: {  	s25 =	simm.s32 $0x1B8E;
	s24 =	sld [smem:$0x3FFE];
	[sflag:s23] =	ssyncadd.s32 $0xFFFFFFFF  }
0xa7: {  	s26 =	simm.s32 $execute0_lowered;
	[smem:$0x3FD2] =	sst s25  }
0xa8: {  	s7 =	sshll.u32 s26, $0x1;
	_ =	strace $0x80000046;
	[dreg:$0x1] =	wrdreg $0xFFFFFFFF  }
0xa9: {  	s28 =	simm.s32 $_size_execute0_lowered;
	s5 =	sadd.s32 s5, s7;
	[dreg:$0x0] =	wrdreg $0x0  }
0xaa: {  	s7 =	sshll.u32 s28, $0x1;
	[dreg:$0x2] =	wrdreg s5  }
0xab: {  	[dreg:$0x3] =	wrdreg s7  }
0xac: {  	[dreg:$0x4] =	wrdreg $0xC0  }
0xad: {  	_ =	task [dreg:s9], $0x5FFFF  }
0xae: {  	[dreg:$0x1] =	wrdreg $0xFFFFFFFF  }
0xaf: {  	[dreg:$0x0] =	wrdreg $0x60  }
0xb0: {  	[dreg:$0x2] =	wrdreg s2  }
0xb1: {  	[dreg:$0x3] =	wrdreg s18  }
0xb2: {  	[dreg:$0x4] =	wrdreg s4  }
0xb3: {  	[dreg:$0x5] =	wrdreg s24  }
0xb4: {  	[dreg:$0x6] =	wrdreg $0x0  }
0xb5: {  	[dreg:$0x7] =	wrdreg $0x9  }
0xb6: {  	_ =	task.clear_ibuf [dreg:s9], $0x8FFFF;
	_ =	strace $0x90000046  }
0xb7: {  	s29 =	simm.s32 $0x9;
	_ =	strace $0x80000048  }
0xb8: {  	_ =	swait.ge [sflag:s29], $0x1  }
0xb9: {  	[sflag:s29] =	ssyncadd.s32 $0xFFFFFFFF  }
0xba: {  	_ =	strace $0x90000048  }
0xbb: {  	_ =	sfence  }
0xbc: {  	s30 =	sld [smem:$0x0];
	_ =	sdelay $0x2  }
0xbd: {  	s31 =	sshll.u32 s1, $0xD;
	s1 =	sshrl.u32 s1, $0x2  }
0xbe: {  	s3 =	sand.u32 $0x4000, s31;
	s1 =	sadd.s32 s1, s30  }
0xbf: {  	s0 =	sor.u32 s3, s0;
	s1 =	sshll.u32 s1, $0x11  }
0xc0: {  	s0 =	sor.u32 s1, s0  }
0xc1: {  	s0 =	sadd.s32 $0x8F2B, s0  }
0xc2: {  	[sflag:s0] =	ssyncadd.remote.s32 $0x1  }
0xc3: {  	_ =	sfence.sel $0xFFFF  }
0xc4: {  	[dreg:$0x0] =	wrdreg $0xFFFFFFFF;
	(pc) =	sbr.abs _section_cstart, $3  }
0xc5: {  	[dreg:$0x1] =	wrdreg $0xFFFFFFFF  }
0xc6: {  	_ =	task.clear_ibuf [dreg:s9], $0x2FFFF;
	_ =	strace $0x9FFFFFFF  }
0xc7: {  	(tm) =	ssettm $0x7FFFFFFF  }
tec
execute0_lowered:
.L_overlay_start_1:
0x0: {  	(tag) =	ssettag $0x1  }
0x1: {  	s1 =	rddreg [dreg:$0x0]  }
0x2: {  	s2 =	rddreg [dreg:$0x1]  }
0x3: {  	s3 =	rddreg [dreg:$0x2]  }
0x4: {  	s0 =	rddreg [dreg:$0x3]  }
0x5: {  	s23 =	rddreg [dreg:$0x4]  }
0x6: {  	s4 =	srdreg.scid;
	s8 =	stileid.u32  }
0x7: {  	s5 =	simm.s32 $0x0;
	s28 =	simm.s32 $0x0;
	s4 =	sand.u32 $0x1, s4  }
0x8: {  	s6 =	smul.u32 $0x2710, s8;
	[smem:$0x7FF] =	sst s5;
	s0 =	sadd.s32 $0x600, s0  }
0x9: {  	s22 =	sshll.u32 s8, $0x1;
	s31 =	smul.u32 $0x1840, s8;
	p0 =	sne.s32 s8, $0x0  }
0xa: {  	s7 =	ssub.s32 $0x2, s4;
	_ =	strace $0x80000047;
	s4 =	sor.u32 s4, s22  }
0xb: {  	s9 =	sshrl.u32 s7, $0x1;
	s10 =	smax.u32 s6, $0x80;
	s24 =	sadd.s32 $0x1300, s6  }
0xc: {  	s20 =	sadd.s32 $0x2710, s6;
	s12 =	smul.u32 $0x2300, s4;
	s13 =	sor.u32 $0x20, s4  }
0xd: {  	s11 =	sshll.u32 s4, $0x4;
	s17 =	ssub.s32 s7, s9;
	s21 =	sadd.s32 $0x7FFFFF80, s10  }
0xe: {  	s25 =	sand.u32 $0x7FF80, s24;
	s10 =	sshrl.u32 s31, $0x2;
	s22 =	smul.u32 $0xFFFFFF90, s13  }
0xf: {  	s11 =	sadd.s32 s11, s23;
	s14 =	smul.u32 $0x2300, s13;
	s13 =	sshll.u32 s13, $0x4  }
0x10: {  	v4 =	vmov s20;
	s20 =	simm.s32 $0x3010;
	s24 =	simm.s32 $0x2E90;
	s7 =	sand.u32 $0x7FFFFF80, s21  }
0x11: {  	s18 =	smin.u32 s25, $0x25C00;
	s21 =	smul.u32 $0xFFFFFF90, s4;
	s10 =	sadd.s32 s10, s23  }
0x12: {  	s4 =	sor.u32 $0x40, s4;
	s12 =	sadd.s32 s0, s12;
	s13 =	sadd.s32 s13, s23  }
0x13: {  	s17 =	smax.u32 s17, $0x1;
	s25 =	simm.s32 $0x1;
	s15 =	smin.u32 s7, $0x25C00  }
0x14: {  	s7 =	sadd.s32 $0x1388, s6;
	s30 =	sshrl.u32 s18, $0x2;
	s16 =	smul.u32 $0x2300, s4  }
.Ltmp0:
0x15: {  	v3 =	vlaneseq.u32;
	s14 =	sadd.s32 s0, s14;
	s19 =	sshll.u32 s4, $0x4;
	(pc) =	sbr.rel .LBB2_1-.Ltmp0, $4  }
0x16: {  	v9 =	vmul.u32 $0xFFFFFFFF, v3;
	s4 =	smul.u32 $0xFFFFFF90, s4;
	v2 =	vmov s18;
	s18 =	simm.s32 $0x610;
	v6 =	vmov s22;
	s22 =	simm.s32 $0x9A90  }
0x17: {  	v8 =	vimm.s32 $0x27100;
	s26 =	sshrl.u32 s15, $0x2;
	s9 =	sadd.s32 s1, s30;
	v0 =	vmov s15;
	s15 =	sadd.s32 s19, s23  }
0x18: {  	v11 =	vimm.f32 $0.0e+00;
	v10 =	vadd.s32 $0x1, v3;
	v9 =	vadd.s32 $0xF, v9;
	s19 =	simm.s32 $0x2;
	s23 =	simm.s32 $0x2110;
	s29 =	sadd.s32 s1, s26  }
0x19: {  	v1 =	vmov s7;
	v5 =	vmov s21;
	s16 =	sadd.s32 s0, s16;
	v7 =	vmov s4;
	s26 =	simm.s32 $0x9B10;
	[dreg:$0x6] =	wrdreg s29  }
.LBB2_16:
0x1a: {  	s28 =	sadd.s32 $0x1, s28  }
0x1b: {  	p1 =	sne.s32 s28, s17  }
.Ltmp1:
0x1c: {  	_ = 	snop;
	(pc) =	sbr.rel @!p1 .LBB2_17-.Ltmp1, $4  }
0x1d: {  	[hbm4b:s16+s5] =	stream.linear.scatter [tilespmem:s26], [sflag:$0x2], $0x11800, $0x38;
	[tilespmem:$0x1B310] =	vst v63  }
0x1e: {  	_ =	swait.ge [sflag:s19], $0x11800  }
0x1f: {  	[sflag:s19] =	ssyncset.done $0x0  }
0x20: {  	[sflag:s19] =	ssyncadd.s32 $0xFFFEE800  }
.LBB2_1:
0x21: {  	s4 =	simm.s32 $0x40;
	s0 =	simm.s32 $0x0  }
.LBB2_2:
0x22: {  	p1 =	sne.s32 s4, $0x1800;
	[tilespmem:s0+$0x3010] =	vst v8;
	s0 =	smov.u32 s4;
	s4 =	sadd.s32 $0x40, s4  }
.Ltmp2:
0x23: {  	(pc) =	sbr.rel @p1 .LBB2_2-.Ltmp2, $2  }
0x24: {  	_ =	sdelay $0x2  }
0x25: {  	s0 =	sshra.s32 s0, $0x2  }
0x26: {  	s4 =	sadd.s32 $0x0, s6  }
0x27: {  	v12 =	vor.u32 s4, v3  }
0x28: {  	v13 =	vsub.s32 v12, v0  }
0x29: {  	vm0 =	vlt.s32 v13, $0x14FF  }
0x2a: {  	v13 =	vnsel vm0, $0x14FF, v13  }
0x2b: {  	v14 =	vadd.s32 $0xFFFFFFFF, v13  }
0x2c: {  	vm0 =	vgt.s32 v14, $0x0  }
0x2d: {  	v15 =	vshll.u32 v13, $0x1;
	v14 =	vnsel vm0, $0x0, v14  }
0x2e: {  	v13 =	vand.u32 $0x7F, v13;
	v15 =	vand.u32 $0xFFFFFF00, v15;
	v16 =	vshll.u32 v14, $0x1  }
0x2f: {  	[tilespmem:s0+$0x3010] =	vst v8;
	s8 =	simm.s32 $0x0;
	s0 =	sadd.s32 $0x10, s6;
	s21 =	rddreg [dreg:$0x6];
	v13 =	vor.u32 v13, v15;
	v15 =	vand.u32 $0x7F, v14;
	v16 =	vand.u32 $0xFFFFFF00, v16  }
0x30: {  	[tilespmem:s18], [sflag:$0x2] =	stream.linear.gather [hbm4b:s21+s8], $0x2A00, $0x38;
	v14 =	vor.u32 s0, v3;
	v15 =	vor.u32 v15, v16;
	[tilespmem:$0x1B310] =	vst v63  }
0x31: {  	_ =	swait.ge [sflag:s19], $0x2A00;
	v16 =	vsub.s32 v14, v0  }
0x32: {  	[sflag:s19] =	ssyncset.done $0x0;
	vm0 =	vlt.s32 v16, $0x14FF  }
0x33: {  	[sflag:s19] =	ssyncadd.s32 $0xFFFFD600;
	v16 =	vnsel vm0, $0x14FF, v16  }
0x34: {  	v13 =	vld.idx.msk [tilespmem:v13+s18+$0x0], $0xffff;
	v17 =	vadd.s32 $0xFFFFFFFF, v16  }
0x35: {  	vm0 =	vgt.s32 v17, $0x0;
	v18 =	vld.idx.msk [tilespmem:v15+s18+$0x0], $0xffff;
	v15 =	vshll.u32 v16, $0x1  }
0x36: {  	v16 =	vand.u32 $0x7F, v16;
	v17 =	vnsel vm0, $0x0, v17;
	v15 =	vand.u32 $0xFFFFFF00, v15  }
0x37: {  	s29 =	sadd.s32 $0x20, s6;
	v19 =	vshll.u32 v17, $0x1;
	v20 =	vor.u32 v16, v15  }
0x38: {  	v16 =	vand.u32 $0x7F, v17;
	v17 =	vand.u32 $0xFFFFFF00, v19;
	v15 =	vor.u32 s29, v3  }
0x39: {  	v19 =	vmov s4;
	v17 =	vor.u32 v16, v17;
	v16 =	vsub.s32 v15, v0  }
0x3a: {  	v13 =	vmul.u32 $0x4925, v13;
	vm0 =	vlt.s32 v16, $0x14FF;
	v18 =	vmul.u32 $0x4925, v18  }
0x3b: {  	vm1 =	vlt.u32 v12, v1;
	v21 =	vnsel vm0, $0x14FF, v16;
	vm0 =	veq.s32 v19, v3  }
0x3c: {  	v16 =	vshrl.u32 v13, $0x11;
	v19 =	vadd.s32 $0xFFFFFFFF, v21;
	v13 =	vshrl.u32 v18, $0x11  }
0x3d: {  	v18 =	vand.u32 $0x7F, v21;
	vm2 =	vgt.s32 v19, $0x0;
	vm3 =	vne.s32 v13, v16;
	v13 =	vld.idx.msk [tilespmem:v20+s18+$0x0], $0xffff  }
0x3e: {  	v21 =	vshll.u32 v21, $0x1;
	v19 =	vnsel vm2, $0x0, v19;
	v17 =	vld.idx.msk [tilespmem:v17+s18+$0x0], $0xffff;
	vm0 =	vmor vm0, vm3  }
0x3f: {  	v20 =	vand.u32 $0xFFFFFF00, v21;
	v21 =	vshll.u32 v19, $0x1;
	vm0 =	vmand vm1, vm0  }
0x40: {  	s30 =	simm.s32 $0x40;
	s21 =	sadd.s32 $0x30, s6;
	v18 =	vor.u32 v18, v20;
	v19 =	vand.u32 $0x7F, v19;
	v20 =	vand.u32 $0xFFFFFF00, v21  }
.LBB2_4:
0x41: {  	p1 =	sne.s32 s30, $0x1380;
	v21 =	vor.u32 s21, v3;
	v19 =	vor.u32 v19, v20  }
0x42: {  	v22 =	vmov s0;
	s0 =	smov.u32 s29;
	s29 =	smov.u32 s21;
	v20 =	vsub.s32 v21, v0  }
0x43: {  	v23 =	vmul.u32 $0x4925, v13;
	v17 =	vmul.u32 $0x4925, v17;
	vm1 =	vlt.s32 v20, $0x14FF  }
0x44: {  	vm2 =	vlt.u32 v14, v1;
	v20 =	vnsel vm1, $0x14FF, v20;
	vm1 =	veq.s32 v22, v3  }
.Ltmp3:
0x45: {  	v22 =	vadd.s32 $0xFFFFFFFF, v20;
	v13 =	vld.idx.msk [tilespmem:v18+s18+$0x0], $0xffff;
	v18 =	vshrl.u32 v17, $0x11;
	[tilespmem:v16+s20+$0x0] =	vst.idx.msk vm0, v12;
	v16 =	vshrl.u32 v23, $0x11;
	v12 =	vmovc v14;
	(pc) =	sbr.rel @p1 .LBB2_4-.Ltmp3, $4  }
0x46: {  	v23 =	vand.u32 $0x7F, v20;
	v14 =	vmovc v15;
	v15 =	vmovc v21;
	vm0 =	vgt.s32 v22, $0x0;
	v17 =	vld.idx.msk [tilespmem:v19+s18+$0x0], $0xffff;
	vm3 =	vne.s32 v18, v16  }
0x47: {  	v18 =	vshll.u32 v20, $0x1;
	v19 =	vnsel vm0, $0x0, v22;
	vm0 =	vmor vm1, vm3  }
0x48: {  	v18 =	vand.u32 $0xFFFFFF00, v18;
	v20 =	vshll.u32 v19, $0x1;
	vm0 =	vmand vm2, vm0  }
0x49: {  	s21 =	sadd.s32 s30, s6;
	s30 =	sadd.s32 $0x10, s30;
	v18 =	vor.u32 v23, v18;
	v19 =	vand.u32 $0x7F, v19;
	v20 =	vand.u32 $0xFFFFFF00, v20  }
0x4a: {  	v21 =	vor.u32 s21, v3  }
0x4b: {  	v22 =	vsub.s32 v21, v0  }
0x4c: {  	vm1 =	vlt.s32 v22, $0x14FF  }
0x4d: {  	v22 =	vnsel vm1, $0x14FF, v22  }
0x4e: {  	v19 =	vor.u32 v19, v20;
	v20 =	vadd.s32 $0xFFFFFFFF, v22  }
0x4f: {  	vm1 =	vgt.s32 v20, $0x0  }
0x50: {  	v23 =	vshll.u32 v22, $0x1;
	v20 =	vnsel vm1, $0x0, v20  }
0x51: {  	v22 =	vand.u32 $0x7F, v22;
	v23 =	vand.u32 $0xFFFFFF00, v23;
	v24 =	vshll.u32 v20, $0x1  }
0x52: {  	v22 =	vor.u32 v22, v23;
	v20 =	vand.u32 $0x7F, v20;
	v23 =	vand.u32 $0xFFFFFF00, v24  }
0x53: {  	v18 =	vld.idx.msk [tilespmem:v18+s18+$0x0], $0xffff;
	v20 =	vor.u32 v20, v23  }
0x54: {  	v19 =	vld.idx.msk [tilespmem:v19+s18+$0x0], $0xffff;
	_ =	sdelay $0x2  }
0x55: {  	v13 =	vmul.u32 $0x4925, v13;
	v22 =	vld.idx.msk [tilespmem:v22+s18+$0x0], $0xffff  }
0x56: {  	vm12 =	vlt.u32 v15, v1;
	v17 =	vmul.u32 $0x4925, v17;
	v23 =	vmov s0;
	v20 =	vld.idx.msk [tilespmem:v20+s18+$0x0], $0xffff  }
0x57: {  	v18 =	vmul.u32 $0x4925, v18;
	v19 =	vmul.u32 $0x4925, v19;
	vm1 =	veq.s32 v23, v3  }
0x58: {  	v23 =	vshrl.u32 v13, $0x11;
	v13 =	vshrl.u32 v17, $0x11;
	v17 =	vmov s29  }
0x59: {  	v18 =	vshrl.u32 v18, $0x11;
	vm2 =	vne.s32 v13, v23;
	vm3 =	veq.s32 v17, v3  }
0x5a: {  	v19 =	vshrl.u32 v19, $0x11;
	vm1 =	vmor vm1, vm2;
	vm2 =	vlt.u32 v14, v1  }
0x5b: {  	vm4 =	vne.s32 v19, v18;
	v13 =	vmul.u32 $0x4925, v22;
	v17 =	vmul.u32 $0x4925, v20  }
0x5c: {  	vm1 =	vmand vm2, vm1;
	v19 =	vmov s21;
	vm3 =	vmor vm3, vm4  }
0x5d: {  	s8 =	sadd.s32 $0x0, s7;
	vm2 =	vmand vm12, vm3;
	v20 =	vshrl.u32 v13, $0x11;
	v13 =	vshrl.u32 v17, $0x11  }
0x5e: {  	vm3 =	veq.s32 v19, v3;
	vm13 =	vne.s32 v13, v20;
	v13 =	vadd.s32 s8, v3  }
0x5f: {  	vm14 =	vlt.u32 v21, v1;
	vm3 =	vmor vm3, vm13;
	v17 =	vsub.s32 v13, v2  }
0x60: {  	vm3 =	vmand vm14, vm3;
	vm15 =	vlt.s32 v17, $0x14FF  }
0x61: {  	v17 =	vnsel vm15, $0x14FF, v17  }
0x62: {  	v19 =	vadd.s32 $0xFFFFFFFF, v17  }
0x63: {  	[tilespmem:v16+s20+$0x0] =	vst.idx.msk vm0, v12;
	s21 =	sadd.s32 $0x10, s7;
	vm0 =	vgt.s32 v19, $0x0  }
0x64: {  	v12 =	vadd.s32 s21, v3;
	[tilespmem:v23+s20+$0x0] =	vst.idx.msk vm1, v14;
	v14 =	vshll.u32 v17, $0x1;
	v16 =	vnsel vm0, $0x0, v19  }
0x65: {  	[tilespmem:v18+s20+$0x0] =	vst.idx.msk vm2, v15;
	v15 =	vand.u32 $0x7F, v17;
	v14 =	vand.u32 $0xFFFFFF00, v14;
	v17 =	vshll.u32 v16, $0x1  }
0x66: {  	s29 =	simm.s32 $0x0;
	v15 =	vor.u32 v15, v14;
	v14 =	vand.u32 $0x7F, v16;
	[tilespmem:v20+s20+$0x0] =	vst.idx.msk vm3, v21;
	v16 =	vand.u32 $0xFFFFFF00, v17  }
0x67: {  	v17 =	vsub.s32 v12, v2;
	[tilespmem:s18], [sflag:$0x2] =	stream.linear.gather [hbm4b:s9+s29], $0x2A00, $0x38;
	v16 =	vor.u32 v14, v16;
	[tilespmem:$0x1B310] =	vst v63  }
0x68: {  	vm0 =	vlt.s32 v17, $0x14FF;
	_ =	swait.ge [sflag:s19], $0x2A00  }
0x69: {  	v17 =	vnsel vm0, $0x14FF, v17;
	[sflag:s19] =	ssyncset.done $0x0  }
0x6a: {  	s30 =	sadd.s32 $0x20, s7;
	v18 =	vadd.s32 $0xFFFFFFFF, v17;
	[sflag:s19] =	ssyncadd.s32 $0xFFFFD600  }
0x6b: {  	v14 =	vadd.s32 s30, v3;
	v19 =	vshll.u32 v17, $0x1;
	vm0 =	vgt.s32 v18, $0x0;
	v20 =	vld.idx.msk [tilespmem:v15+s18+$0x0], $0xffff  }
0x6c: {  	v15 =	vand.u32 $0x7F, v17;
	v17 =	vand.u32 $0xFFFFFF00, v19;
	v18 =	vnsel vm0, $0x0, v18;
	v16 =	vld.idx.msk [tilespmem:v16+s18+$0x0], $0xffff  }
0x6d: {  	v19 =	vsub.s32 v14, v2;
	v17 =	vor.u32 v15, v17;
	v15 =	vshll.u32 v18, $0x1  }
0x6e: {  	v18 =	vand.u32 $0x7F, v18;
	vm0 =	vlt.s32 v19, $0x14FF;
	v15 =	vand.u32 $0xFFFFFF00, v15  }
0x6f: {  	s31 =	sadd.s32 $0x30, s7;
	v21 =	vnsel vm0, $0x14FF, v19;
	vm0 =	vlt.u32 v13, v4;
	v18 =	vor.u32 v18, v15  }
0x70: {  	v15 =	vadd.s32 s31, v3;
	v22 =	vshll.u32 v21, $0x1;
	v23 =	vadd.s32 $0xFFFFFFFF, v21  }
0x71: {  	v25 =	vand.u32 $0x7F, v21;
	v20 =	vmul.u32 $0x4925, v20;
	v63 =	vmul.u32 $0x4925, v16  }
0x72: {  	v19 =	vsub.s32 v15, v2;
	v22 =	vand.u32 $0xFFFFFF00, v22;
	vm1 =	vgt.s32 v23, $0x0  }
0x73: {  	v21 =	vnsel vm1, $0x0, v23;
	v17 =	vld.idx.msk [tilespmem:v17+s18+$0x0], $0xffff;
	v16 =	vshrl.u32 v20, $0x11;
	v23 =	vshrl.u32 v63, $0x11  }
0x74: {  	s0 =	simm.s32 $0x40;
	v20 =	vor.u32 v25, v22;
	v22 =	vshll.u32 v21, $0x1;
	v18 =	vld.idx.msk [tilespmem:v18+s18+$0x0], $0xffff;
	vm1 =	vne.s32 v23, v16  }
.LBB2_6:
0x75: {  	p1 =	sne.s32 s0, $0x1380;
	v21 =	vand.u32 $0x7F, v21;
	v22 =	vand.u32 $0xFFFFFF00, v22;
	vm1 =	vmand vm0, vm1;
	v23 =	vmovc v15  }
0x76: {  	s4 =	sadd.s32 s0, s7;
	vm0 =	vlt.s32 v19, $0x14FF;
	v22 =	vor.u32 v21, v22  }
0x77: {  	v15 =	vadd.s32 s4, v3;
	v21 =	vnsel vm0, $0x14FF, v19  }
.Ltmp4:
0x78: {  	vm0 =	vlt.u32 v12, v4;
	v19 =	vsub.s32 v15, v2;
	v24 =	vshll.u32 v21, $0x1;
	(pc) =	sbr.rel @p1 .LBB2_6-.Ltmp4, $4  }
0x79: {  	v25 =	vadd.s32 $0xFFFFFFFF, v21;
	v26 =	vmul.u32 $0x4925, v17;
	v27 =	vmul.u32 $0x4925, v18  }
0x7a: {  	v28 =	vand.u32 $0x7F, v21;
	v24 =	vand.u32 $0xFFFFFF00, v24;
	vm2 =	vgt.s32 v25, $0x0;
	v17 =	vld.idx.msk [tilespmem:v20+s18+$0x0], $0xffff  }
0x7b: {  	v21 =	vnsel vm2, $0x0, v25;
	v25 =	vshrl.u32 v27, $0x11;
	v18 =	vld.idx.msk [tilespmem:v22+s18+$0x0], $0xffff;
	[tilespmem:v16+s20+$0x0] =	vst.idx.msk vm1, v13;
	v16 =	vshrl.u32 v26, $0x11;
	v13 =	vmovc v12  }
0x7c: {  	s0 =	sadd.s32 $0x10, s0;
	v20 =	vor.u32 v28, v24;
	v22 =	vshll.u32 v21, $0x1;
	v12 =	vmovc v14;
	v14 =	vmovc v23;
	vm1 =	vne.s32 v25, v16  }
0x7d: {  	vm2 =	vlt.s32 v19, $0x14FF  }
0x7e: {  	v19 =	vnsel vm2, $0x14FF, v19  }
0x7f: {  	v23 =	vadd.s32 $0xFFFFFFFF, v19  }
0x80: {  	v21 =	vand.u32 $0x7F, v21;
	v22 =	vand.u32 $0xFFFFFF00, v22;
	vm11 =	vgt.s32 v23, $0x0  }
0x81: {  	v21 =	vor.u32 v21, v22;
	v57 =	vshll.u32 v19, $0x1;
	v23 =	vnsel vm11, $0x0, v23  }
0x82: {  	v19 =	vand.u32 $0x7F, v19;
	v22 =	vand.u32 $0xFFFFFF00, v57;
	v24 =	vshll.u32 v23, $0x1  }
0x83: {  	v19 =	vor.u32 v19, v22;
	v58 =	vand.u32 $0x7F, v23;
	v59 =	vand.u32 $0xFFFFFF00, v24  }
0x84: {  	v22 =	vor.u32 v58, v59;
	_ =	sdelay $0x1  }
0x85: {  	v20 =	vld.idx.msk [tilespmem:v20+s18+$0x0], $0xffff  }
0x86: {  	v21 =	vld.idx.msk [tilespmem:v21+s18+$0x0], $0xffff  }
0x87: {  	v19 =	vld.idx.msk [tilespmem:v19+s18+$0x0], $0xffff  }
0x88: {  	v22 =	vld.idx.msk [tilespmem:v22+s18+$0x0], $0xffff  }
0x89: {  	v17 =	vmul.u32 $0x4925, v17  }
0x8a: {  	vm0 =	vmand vm0, vm1;
	v18 =	vmul.u32 $0x4925, v18  }
0x8b: {  	vm12 =	vlt.u32 v12, v4;
	vm14 =	vlt.u32 v14, v4;
	v17 =	vshrl.u32 v17, $0x11  }
0x8c: {  	v18 =	vshrl.u32 v18, $0x11;
	v60 =	vmul.u32 $0x4925, v20;
	v61 =	vmul.u32 $0x4925, v21  }
0x8d: {  	vm13 =	vne.s32 v18, v17;
	v19 =	vmul.u32 $0x4925, v19;
	v62 =	vmul.u32 $0x4925, v22  }
0x8e: {  	vm1 =	vmand vm12, vm13;
	v18 =	vshrl.u32 v60, $0x11;
	v20 =	vshrl.u32 v61, $0x11  }
0x8f: {  	vm3 =	vne.s32 v20, v18;
	v19 =	vshrl.u32 v19, $0x11;
	v63 =	vshrl.u32 v62, $0x11  }
0x90: {  	vm15 =	vlt.u32 v15, v4;
	vm2 =	vmand vm14, vm3;
	vm4 =	vne.s32 v63, v19  }
0x91: {  	vm3 =	vmand vm15, vm4;
	_ =	sdelay $0x2  }
0x92: {  	[tilespmem:v16+s20+$0x0] =	vst.idx.msk vm0, v13  }
0x93: {  	[tilespmem:v17+s20+$0x0] =	vst.idx.msk vm1, v12  }
0x94: {  	[tilespmem:v18+s20+$0x0] =	vst.idx.msk vm2, v14  }
0x95: {  	[tilespmem:v19+s20+$0x0] =	vst.idx.msk vm3, v15  }
0x96: {  	[spmem:s10] =	stream.linear.scatter [tilespmem:s20], [sflag:$0x2], $0x610, $0x38;
	[tilespmem:$0x1B310] =	vst v63  }
.Ltmp5:
0x97: {  	_ =	swait.ge [sflag:s19], $0x610;
	(pc) =	sbr.rel @p0 .LBB2_13-.Ltmp5, $3  }
0x98: {  	[sflag:s19] =	ssyncset.done $0x0  }
0x99: {  	[sflag:s19] =	ssyncadd.s32 $0xFFFFF9F0  }
0x9a: {  	[bflag:$0x0] =	sbarrier.arrive $0xFFFF;
	_ =	sdelay $0x1  }
0x9b: {  	s0 =	rddreg [dreg:$0x4]  }
0x9c: {  	[tilespmem:s18], [sflag:$0x2] =	stream.linear.gather [spmem:s0], $0x6100, $0x38;
	[tilespmem:$0x1B310] =	vst v63  }
0x9d: {  	_ =	swait.ge [sflag:s19], $0x6100  }
0x9e: {  	[sflag:s19] =	ssyncset.done $0x0  }
0x9f: {  	s29 =	simm.s32 $0x0;
	[sflag:s19] =	ssyncadd.s32 $0xFFFF9F00  }
0xa0: {  	v12 =	vld [tilespmem:s29+$0x610]  }
0xa1: {  	v13 =	vld [tilespmem:s29+$0xC20];
	_ =	sdelay $0x1  }
0xa2: {  	v14 =	vld [tilespmem:s29+$0x1230];
	_ =	sdelay $0x1  }
0xa3: {  	v15 =	vld [tilespmem:s29+$0x1840]  }
0xa4: {  	vm0 =	vlt.s32 v12, v13  }
0xa5: {  	v12 =	vsel vm0, v12, v13;
	v13 =	vld [tilespmem:s29+$0x1E50]  }
0xa6: {  	vm0 =	vlt.s32 v12, v14  }
0xa7: {  	v12 =	vsel vm0, v12, v14;
	v14 =	vld [tilespmem:s29+$0x2460]  }
0xa8: {  	vm0 =	vlt.s32 v12, v15  }
0xa9: {  	v12 =	vsel vm0, v12, v15;
	v15 =	vld [tilespmem:s29+$0x2A70]  }
0xaa: {  	vm0 =	vlt.s32 v12, v13  }
0xab: {  	s21 =	simm.s32 $0x0;
	v12 =	vsel vm0, v12, v13;
	v13 =	vld [tilespmem:s29+$0x3080]  }
0xac: {  	s0 =	sand.u32 $0x7F0, s21;
	v16 =	vld [tilespmem:s29+$0x3CA0];
	vm0 =	vlt.s32 v12, v14  }
0xad: {  	s30 =	simm.s32 $0x10;
	v12 =	vsel vm0, v12, v14;
	v14 =	vld [tilespmem:s0+$0x3690]  }
0xae: {  	v17 =	vld [tilespmem:s30+$0x610];
	vm0 =	vlt.s32 v12, v15  }
0xaf: {  	v18 =	vld [tilespmem:s30+$0xC20];
	v12 =	vsel vm0, v12, v15  }
0xb0: {  	v19 =	vld [tilespmem:s30+$0x1230];
	vm0 =	vlt.s32 v12, v13  }
0xb1: {  	v15 =	vld [tilespmem:s29+$0x42B0];
	v12 =	vsel vm0, v12, v13  }
0xb2: {  	v20 =	vld [tilespmem:s30+$0x1840];
	vm0 =	vlt.s32 v12, v14  }
0xb3: {  	v13 =	vld [tilespmem:s29+$0x48C0];
	v12 =	vsel vm0, v12, v14  }
0xb4: {  	vm0 =	vlt.s32 v17, v18;
	v14 =	vld [tilespmem:s29+$0x4ED0];
	vm1 =	vlt.s32 v12, v16  }
0xb5: {  	v17 =	vsel vm0, v17, v18;
	v18 =	vld [tilespmem:s30+$0x1E50];
	v12 =	vsel vm1, v12, v16  }
0xb6: {  	v21 =	vld [tilespmem:s29+$0x54E0];
	vm0 =	vlt.s32 v17, v19;
	vm1 =	vlt.s32 v12, v15  }
0xb7: {  	v16 =	vsel vm0, v17, v19;
	v19 =	vld [tilespmem:s30+$0x2460];
	v15 =	vsel vm1, v12, v15  }
0xb8: {  	vm0 =	vlt.s32 v16, v20;
	v12 =	vld [tilespmem:s29+$0x5AF0];
	vm1 =	vlt.s32 v15, v13  }
0xb9: {  	v17 =	vsel vm0, v16, v20;
	v16 =	vld [tilespmem:s30+$0x2A70];
	v15 =	vsel vm1, v15, v13  }
0xba: {  	vm0 =	vlt.s32 v17, v18;
	v13 =	vld [tilespmem:s29+$0x6100];
	vm1 =	vlt.s32 v15, v14  }
0xbb: {  	s31 =	simm.s32 $0x10;
	v18 =	vsel vm0, v17, v18;
	v17 =	vld [tilespmem:s30+$0x3080];
	v15 =	vsel vm1, v15, v14  }
0xbc: {  	s4 =	sand.u32 $0x7F0, s31;
	vm0 =	vlt.s32 v18, v19;
	v14 =	vld [tilespmem:s30+$0x3CA0];
	vm1 =	vlt.s32 v15, v21  }
0xbd: {  	s0 =	simm.s32 $0x20;
	v20 =	vsel vm0, v18, v19;
	v18 =	vld [tilespmem:s4+$0x3690];
	v15 =	vsel vm1, v15, v21  }
0xbe: {  	s21 =	simm.s32 $0xC0;
	v19 =	vld [tilespmem:s0+$0x610];
	vm1 =	vlt.s32 v20, v16;
	vm0 =	vlt.s32 v15, v12  }
.LBB2_9:
0xbf: {  	p1 =	sne.s32 s21, $0x1800;
	v21 =	vld [tilespmem:s0+$0xC20];
	v16 =	vsel vm1, v20, v16;
	v12 =	vsel vm0, v15, v12  }
0xc0: {  	vm0 =	vlt.s32 v16, v17;
	v15 =	vld [tilespmem:s30+$0x42B0];
	vm1 =	vlt.s32 v12, v13  }
0xc1: {  	v20 =	vld [tilespmem:s0+$0x1230];
	v16 =	vsel vm0, v16, v17;
	v12 =	vsel vm1, v12, v13  }
0xc2: {  	vm0 =	vlt.s32 v16, v18;
	v13 =	vld [tilespmem:s30+$0x48C0];
	[tilespmem:s29+$0x6710] =	vst v12;
	s29 =	smov.u32 s30;
	s30 =	smov.u32 s0  }
0xc3: {  	v17 =	vld [tilespmem:s30+$0x1840];
	v12 =	vsel vm0, v16, v18  }
0xc4: {  	vm0 =	vlt.s32 v19, v21;
	vm1 =	vlt.s32 v12, v14;
	v18 =	vld [tilespmem:s29+$0x4ED0]  }
0xc5: {  	v16 =	vsel vm0, v19, v21;
	v19 =	vld [tilespmem:s30+$0x1E50];
	v12 =	vsel vm1, v12, v14  }
0xc6: {  	vm0 =	vlt.s32 v16, v20;
	vm1 =	vlt.s32 v12, v15;
	v21 =	vld [tilespmem:s29+$0x54E0]  }
0xc7: {  	v14 =	vsel vm0, v16, v20;
	v20 =	vld [tilespmem:s30+$0x2460];
	v15 =	vsel vm1, v12, v15  }
0xc8: {  	vm0 =	vlt.s32 v14, v17;
	vm1 =	vlt.s32 v15, v13;
	v12 =	vld [tilespmem:s29+$0x5AF0]  }
0xc9: {  	v14 =	vsel vm0, v14, v17;
	v16 =	vld [tilespmem:s30+$0x2A70];
	v15 =	vsel vm1, v15, v13  }
.Ltmp6:
0xca: {  	vm0 =	vlt.s32 v14, v19;
	vm1 =	vlt.s32 v15, v18;
	v13 =	vld [tilespmem:s29+$0x6100];
	(pc) =	sbr.rel @p1 .LBB2_9-.Ltmp6, $4  }
0xcb: {  	s31 =	sadd.s32 $0x10, s31;
	v19 =	vsel vm0, v14, v19;
	v17 =	vld [tilespmem:s30+$0x3080];
	v15 =	vsel vm1, v15, v18  }
0xcc: {  	s4 =	sand.u32 $0x7F0, s31;
	vm0 =	vlt.s32 v19, v20;
	v14 =	vld [tilespmem:s30+$0x3CA0];
	vm1 =	vlt.s32 v15, v21  }
0xcd: {  	s0 =	sshra.s32 s21, $0x2;
	v20 =	vsel vm0, v19, v20;
	v18 =	vld [tilespmem:s4+$0x3690];
	v15 =	vsel vm1, v15, v21  }
0xce: {  	s21 =	sadd.s32 $0x40, s21;
	v19 =	vld [tilespmem:s0+$0x610];
	vm1 =	vlt.s32 v20, v16;
	vm0 =	vlt.s32 v15, v12  }
0xcf: {  	v21 =	vld [tilespmem:s0+$0xC20];
	_ =	sdelay $0x1  }
0xd0: {  	v22 =	vld [tilespmem:s0+$0x1230];
	_ =	sdelay $0x1  }
0xd1: {  	v23 =	vld [tilespmem:s0+$0x1840]  }
0xd2: {  	vm2 =	vlt.s32 v19, v21  }
0xd3: {  	v46 =	vld [tilespmem:s0+$0x1E50];
	v19 =	vsel vm2, v19, v21  }
0xd4: {  	vm2 =	vlt.s32 v19, v22  }
0xd5: {  	v47 =	vld [tilespmem:s0+$0x2460];
	v19 =	vsel vm2, v19, v22  }
0xd6: {  	vm2 =	vlt.s32 v19, v23  }
0xd7: {  	v48 =	vld [tilespmem:s0+$0x2A70];
	v19 =	vsel vm2, v19, v23  }
0xd8: {  	vm2 =	vlt.s32 v19, v46  }
0xd9: {  	v49 =	vld [tilespmem:s0+$0x3080];
	s4 =	sadd.s32 $0x10, s31;
	v19 =	vsel vm2, v19, v46  }
0xda: {  	s4 =	sand.u32 $0x7F0, s4;
	vm2 =	vlt.s32 v19, v47  }
0xdb: {  	v50 =	vld [tilespmem:s4+$0x3690];
	v19 =	vsel vm2, v19, v47  }
0xdc: {  	v16 =	vsel vm1, v20, v16;
	vm8 =	vlt.s32 v19, v48  }
0xdd: {  	v51 =	vld [tilespmem:s0+$0x3CA0];
	vm9 =	vlt.s32 v16, v17;
	v19 =	vsel vm8, v19, v48  }
0xde: {  	v52 =	vld [tilespmem:s30+$0x42B0];
	v16 =	vsel vm9, v16, v17;
	vm10 =	vlt.s32 v19, v49  }
0xdf: {  	v53 =	vld [tilespmem:s0+$0x42B0];
	vm11 =	vlt.s32 v16, v18;
	v19 =	vsel vm10, v19, v49  }
0xe0: {  	v54 =	vld [tilespmem:s30+$0x48C0];
	v16 =	vsel vm11, v16, v18;
	vm12 =	vlt.s32 v19, v50  }
0xe1: {  	v55 =	vld [tilespmem:s0+$0x48C0];
	vm13 =	vlt.s32 v16, v14;
	v19 =	vsel vm12, v19, v50  }
0xe2: {  	v56 =	vld [tilespmem:s30+$0x4ED0];
	v14 =	vsel vm13, v16, v14;
	vm14 =	vlt.s32 v19, v51  }
0xe3: {  	v57 =	vld [tilespmem:s0+$0x4ED0];
	vm15 =	vlt.s32 v14, v52;
	v19 =	vsel vm14, v19, v51  }
0xe4: {  	v58 =	vld [tilespmem:s30+$0x54E0];
	v14 =	vsel vm15, v14, v52;
	vm4 =	vlt.s32 v19, v53  }
0xe5: {  	v59 =	vld [tilespmem:s0+$0x54E0];
	vm5 =	vlt.s32 v14, v54;
	v19 =	vsel vm4, v19, v53  }
0xe6: {  	v60 =	vld [tilespmem:s30+$0x5AF0];
	v14 =	vsel vm5, v14, v54;
	vm6 =	vlt.s32 v19, v55  }
0xe7: {  	v61 =	vld [tilespmem:s0+$0x5AF0];
	vm7 =	vlt.s32 v14, v56;
	v19 =	vsel vm6, v19, v55  }
0xe8: {  	v62 =	vld [tilespmem:s30+$0x6100];
	v14 =	vsel vm7, v14, v56;
	vm8 =	vlt.s32 v19, v57  }
0xe9: {  	v63 =	vld [tilespmem:s0+$0x6100];
	vm9 =	vlt.s32 v14, v58;
	v19 =	vsel vm8, v19, v57  }
0xea: {  	v14 =	vsel vm9, v14, v58;
	vm10 =	vlt.s32 v19, v59  }
0xeb: {  	v12 =	vsel vm0, v15, v12;
	vm11 =	vlt.s32 v14, v60;
	v15 =	vsel vm10, v19, v59  }
0xec: {  	v14 =	vsel vm11, v14, v60;
	vm12 =	vlt.s32 v12, v13;
	vm13 =	vlt.s32 v15, v61  }
0xed: {  	v12 =	vsel vm12, v12, v13;
	vm14 =	vlt.s32 v14, v62;
	v13 =	vsel vm13, v15, v61  }
0xee: {  	[tilespmem:s29+$0x6710] =	vst v12;
	v12 =	vsel vm14, v14, v62;
	vm0 =	vlt.s32 v13, v63  }
0xef: {  	[tilespmem:s30+$0x6710] =	vst v12;
	v12 =	vsel vm0, v13, v63  }
0xf0: {  	s30 =	simm.s32 $0x600;
	[tilespmem:s0+$0x6710] =	vst v12  }
0xf1: {  	v12 =	vld [tilespmem:s30+$0x6710];
	_ =	sdelay $0x4  }
0xf2: {  	v12 =	vperm.xlane v12, v9;
	_ =	sdelay $0x1  }
0xf3: {  	v12 =	vsub.s32 $0x80000000, v12  }
0xf4: {  	(xrf0) =	vmax.scan.msk.u32 $0xffff, v12;
	_ =	sdelay $0x5  }
0xf5: {  	v12, _, _ =	vpop (xrf0)  }
0xf6: {  	v12 =	vxor.u32 $0x7FFFFFFF, v12  }
0xf7: {  	s31 =	simm.s32 $0x27100;
	v12 =	vadd.s32 $0x1, v12  }
0xf8: {  	vm15 =	vlt.s32 v12, s31  }
0xf9: {  	v12 =	vnsel vm15, s31, v12  }
0xfa: {  	v13 =	vxor.u32 $0x80000000, v12  }
0xfb: {  	(xrf0) =	vmin.scan.msk.u32 $0xffff, v13;
	_ =	sdelay $0x3  }
0xfc: {  	v12 =	vperm.xlane v12, v9;
	_ =	sdelay $0x1  }
0xfd: {  	s21 =	simm.s32 $0x5F0;
	[tilespmem:s30+$0x6710] =	vst v12;
	v13, _, _ =	vpop (xrf0)  }
0xfe: {  	v12 =	vld [tilespmem:s21+$0x6710];
	(v2sf) =	vpush v13, $0xF;
	_ =	sdelay $0x3  }
0xff: {  	s29 =	simm.s32 $0x1740;
	s0 =	simm.s32 $0x1780  }
.LBB2_11:
0x100: {  	p1 =	sne.s32 s29, $0x0;
	v12 =	vperm.xlane v12, v9;
	_ =	sdelay $0x1  }
0x101: {  	v12 =	vsub.s32 $0x80000000, v12  }
0x102: {  	(xrf0) =	vmax.scan.msk.u32 $0xffff, v12;
	_ =	sdelay $0x5  }
0x103: {  	v12, _, _ =	vpop (xrf0)  }
0x104: {  	v12 =	vxor.u32 $0x7FFFFFFF, v12;
	s4 =	spop (v2sf)  }
0x105: {  	v12 =	vadd.s32 $0x1, v12;
	s4 =	sxor.u32 $0x80000000, s4  }
0x106: {  	vm0 =	vlt.s32 v12, s4  }
0x107: {  	v12 =	vnsel vm0, s4, v12  }
0x108: {  	v13 =	vperm.xlane v12, v9;
	v12 =	vxor.u32 $0x80000000, v12  }
0x109: {  	(xrf0) =	vmin.scan.msk.u32 $0xffff, v12  }
0x10a: {  	[tilespmem:s21+$0x6710] =	vst v13;
	_ =	sdelay $0x4  }
0x10b: {  	s21 =	sshra.s32 s0, $0x2;
	s0 =	smov.u32 s29;
	v13, _, _ =	vpop (xrf0)  }
.Ltmp7:
0x10c: {  	v12 =	vld [tilespmem:s21+$0x6710];
	(v2sf) =	vpush v13, $0xF;
	(pc) =	sbr.rel @p1 .LBB2_11-.Ltmp7, $2  }
0x10d: {  	_ =	sdelay $0x2  }
0x10e: {  	s29 =	sadd.s32 $0xFFFFFFC0, s29  }
0x10f: {  	v12 =	vperm.xlane v12, v9;
	_ =	sdelay $0x1  }
0x110: {  	v12 =	vsub.s32 $0x80000000, v12  }
0x111: {  	(xrf0) =	vmax.scan.msk.u32 $0xffff, v12;
	_ =	sdelay $0x5  }
0x112: {  	v12, _, _ =	vpop (xrf0)  }
0x113: {  	v12 =	vxor.u32 $0x7FFFFFFF, v12;
	s4 =	spop (v2sf)  }
0x114: {  	v12 =	vadd.s32 $0x1, v12;
	s4 =	sxor.u32 $0x80000000, s4  }
0x115: {  	vm0 =	vlt.s32 v12, s4  }
0x116: {  	v12 =	vnsel vm0, s4, v12  }
0x117: {  	v13 =	vxor.u32 $0x80000000, v12  }
0x118: {  	(xrf0) =	vmin.scan.msk.u32 $0xffff, v13;
	_ =	sdelay $0x3  }
0x119: {  	v12 =	vperm.xlane v12, v9;
	_ =	sdelay $0x1  }
0x11a: {  	s0 =	sshra.s32 s0, $0x2;
	[tilespmem:s21+$0x6710] =	vst v12;
	v60, _, _ =	vpop (xrf0)  }
0x11b: {  	v61 =	vld [tilespmem:s0+$0x6710];
	(v2sf) =	vpush v60, $0xF;
	_ =	sdelay $0x4  }
0x11c: {  	v62 =	vperm.xlane v61, v9;
	_ =	sdelay $0x1  }
0x11d: {  	v12 =	vsub.s32 $0x80000000, v62  }
0x11e: {  	(xrf0) =	vmax.scan.msk.u32 $0xffff, v12;
	_ =	sdelay $0x5  }
0x11f: {  	v12, _, _ =	vpop (xrf0)  }
0x120: {  	v12 =	vxor.u32 $0x7FFFFFFF, v12;
	s29 =	spop (v2sf)  }
0x121: {  	v12 =	vadd.s32 $0x1, v12;
	s4 =	sxor.u32 $0x80000000, s29  }
0x122: {  	vm15 =	vlt.s32 v12, s4  }
0x123: {  	v12 =	vnsel vm15, s4, v12  }
0x124: {  	v63 =	vxor.u32 $0x80000000, v12  }
0x125: {  	(xrf0) =	vmin.scan.msk.u32 $0xffff, v63;
	_ =	sdelay $0x5  }
0x126: {  	v13, _, _ =	vpop (xrf0)  }
0x127: {  	(v2sf) =	vpush v13, $0xF;
	_ =	sdelay $0xa  }
0x128: {  	v12 =	vperm.xlane v12, v9;
	_ =	sdelay $0x1  }
0x129: {  	s31 =	simm.s32 $0x6710;
	[tilespmem:s0+$0x6710] =	vst v12;
	s0 =	rddreg [dreg:$0x4]  }
0x12a: {  	[spmem:s0] =	stream.linear.scatter [tilespmem:s31], [sflag:$0x2], $0x610, $0x38;
	[tilespmem:$0x1B310] =	vst v63  }
0x12b: {  	s30 =	spop (v2sf)  }
0x12c: {  	_ =	swait.ge [sflag:s19], $0x610  }
0x12d: {  	[sflag:s19] =	ssyncset.done $0x0  }
0x12e: {  	[sflag:s19] =	ssyncadd.s32 $0xFFFFF9F0  }
.LBB2_13:
0x12f: {  	[bflag:$0x0] =	sbarrier.arrive $0xFFFF  }
0x130: {  	[tilespmem:s22], [sflag:$0x2] =	stream.linear.gather [spmem:s11], $0x18, $0x38;
	[tilespmem:$0x1B310] =	vst v63  }
0x131: {  	_ =	swait.ge [sflag:s19], $0x18  }
0x132: {  	[sflag:s19] =	ssyncset.done $0x0  }
0x133: {  	[sflag:s19] =	ssyncadd.s32 $0xFFFFFFE8  }
0x134: {  	v12 =	vld.idx.msk [tilespmem:v10+s22+$0x0], $0xffff  }
0x135: {  	v13 =	vld.idx.msk [tilespmem:v3+s22+$0x0], $0xffff;
	_ =	sdelay $0x3  }
0x136: {  	v14 =	vxor.u32 $0x80000000, v12  }
0x137: {  	(xrf0) =	vmax.scan.msk.u32 $0xffff, v14;
	v14 =	vxor.u32 $0x80000000, v13  }
0x138: {  	(xrf0) =	vmin.scan.msk.u32 $0xffff, v14;
	_ =	sdelay $0x4  }
0x139: {  	v14, _, _ =	vpop (xrf0)  }
0x13a: {  	(v2sf) =	vpush v14, $0xF;
	v14, _, _ =	vpop (xrf0)  }
0x13b: {  	(v2sf) =	vpush v14, $0xF;
	_ =	sdelay $0xd  }
0x13c: {  	s0 =	spop (v2sf)  }
0x13d: {  	s4 =	spop (v2sf)  }
0x13e: {  	s4 =	sand.u32 $0xFFFFFF80, s4  }
0x13f: {  	s29 =	sxor.u32 $0x80000000, s0;
	s30 =	sxor.u32 $0x80000000, s4  }
0x140: {  	p1 =	sge.s32 s30, s29  }
.Ltmp8:
0x141: {  	_ = 	snop;
	(pc) =	sbr.rel @!p1 .LBB2_19-.Ltmp8, $2  }
0x142: {  	_ =	sdelay $0x2  }
0x143: {  	s31 =	smov.u32 s30  }
.LBB2_14:
0x144: {  	[hbm4b:s12+s5] =	stream.linear.scatter [tilespmem:s26], [sflag:$0x2], $0x11800, $0x38;
	[tilespmem:$0x1B310] =	vst v63  }
0x145: {  	_ =	swait.ge [sflag:s19], $0x11800  }
0x146: {  	[sflag:s19] =	ssyncset.done $0x0  }
0x147: {  	[sflag:s19] =	ssyncadd.s32 $0xFFFEE800  }
0x148: {  	[tilespmem:s22], [sflag:$0x2] =	stream.linear.gather [spmem:s13], $0x18, $0x38;
	[tilespmem:$0x1B310] =	vst v63  }
0x149: {  	_ =	swait.ge [sflag:s19], $0x18  }
0x14a: {  	[sflag:s19] =	ssyncset.done $0x0  }
0x14b: {  	[sflag:s19] =	ssyncadd.s32 $0xFFFFFFE8  }
0x14c: {  	v12 =	vld.idx.msk [tilespmem:v10+s22+$0x0], $0xffff  }
0x14d: {  	v13 =	vld.idx.msk [tilespmem:v3+s22+$0x0], $0xffff;
	_ =	sdelay $0x3  }
0x14e: {  	v14 =	vxor.u32 $0x80000000, v12  }
0x14f: {  	(xrf0) =	vmax.scan.msk.u32 $0xffff, v14;
	v14 =	vxor.u32 $0x80000000, v13  }
0x150: {  	(xrf0) =	vmin.scan.msk.u32 $0xffff, v14;
	_ =	sdelay $0x4  }
0x151: {  	v14, _, _ =	vpop (xrf0)  }
0x152: {  	(v2sf) =	vpush v14, $0xF;
	v14, _, _ =	vpop (xrf0)  }
0x153: {  	(v2sf) =	vpush v14, $0xF;
	_ =	sdelay $0xd  }
0x154: {  	s0 =	spop (v2sf)  }
0x155: {  	s4 =	spop (v2sf)  }
0x156: {  	s4 =	sand.u32 $0xFFFFFF80, s4  }
0x157: {  	s29 =	sxor.u32 $0x80000000, s0;
	s30 =	sxor.u32 $0x80000000, s4  }
0x158: {  	p1 =	sge.s32 s30, s29  }
.Ltmp9:
0x159: {  	_ = 	snop;
	(pc) =	sbr.rel @!p1 .LBB2_34-.Ltmp9, $2  }
0x15a: {  	_ =	sdelay $0x2  }
0x15b: {  	s31 =	smov.u32 s30  }
.LBB2_15:
0x15c: {  	[hbm4b:s14+s5] =	stream.linear.scatter [tilespmem:s26], [sflag:$0x2], $0x11800, $0x38;
	[tilespmem:$0x1B310] =	vst v63  }
0x15d: {  	_ =	swait.ge [sflag:s19], $0x11800  }
0x15e: {  	[sflag:s19] =	ssyncset.done $0x0  }
0x15f: {  	[sflag:s19] =	ssyncadd.s32 $0xFFFEE800  }
0x160: {  	[tilespmem:s22], [sflag:$0x2] =	stream.linear.gather [spmem:s15], $0x18, $0x38;
	[tilespmem:$0x1B310] =	vst v63  }
0x161: {  	_ =	swait.ge [sflag:s19], $0x18  }
0x162: {  	[sflag:s19] =	ssyncset.done $0x0  }
0x163: {  	[sflag:s19] =	ssyncadd.s32 $0xFFFFFFE8  }
0x164: {  	v12 =	vld.idx.msk [tilespmem:v10+s22+$0x0], $0xffff  }
0x165: {  	v13 =	vld.idx.msk [tilespmem:v3+s22+$0x0], $0xffff;
	_ =	sdelay $0x3  }
0x166: {  	v14 =	vxor.u32 $0x80000000, v12  }
0x167: {  	(xrf0) =	vmax.scan.msk.u32 $0xffff, v14;
	v14 =	vxor.u32 $0x80000000, v13  }
0x168: {  	(xrf0) =	vmin.scan.msk.u32 $0xffff, v14;
	_ =	sdelay $0x4  }
0x169: {  	v14, _, _ =	vpop (xrf0)  }
0x16a: {  	(v2sf) =	vpush v14, $0xF;
	v14, _, _ =	vpop (xrf0)  }
0x16b: {  	(v2sf) =	vpush v14, $0xF;
	_ =	sdelay $0xd  }
0x16c: {  	s0 =	spop (v2sf)  }
0x16d: {  	s4 =	spop (v2sf)  }
0x16e: {  	s4 =	sand.u32 $0xFFFFFF80, s4  }
0x16f: {  	s29 =	sxor.u32 $0x80000000, s0;
	s30 =	sxor.u32 $0x80000000, s4  }
0x170: {  	p1 =	sge.s32 s30, s29  }
.Ltmp10:
0x171: {  	_ = 	snop;
	(pc) =	sbr.rel @!p1 .LBB2_49-.Ltmp10, $4  }
.Ltmp11:
0x172: {  	_ = 	snop;
	(pc) =	sbr.rel @p1 .LBB2_16-.Ltmp11, $4  }
0x173: {  	_ = 	snop  }
0x174: {  	_ = 	snop  }
0x175: {  	s31 =	smov.u32 s30  }
0x176: {  	_ = 	snop  }
.LBB2_25:
0x177: {  	v16 =	vmov v34;
	v36 =	vmov v28  }
.LBB2_32:
0x178: {  	_ =	sdelay $0x3  }
0x179: {  	v15 =	vld.idx.msk [tilespmem:v29+s18+$0x0], $0xffff  }
0x17a: {  	v19 =	vld.idx.msk [tilespmem:v30+s18+$0x0], $0xffff  }
0x17b: {  	v28 =	vor.u32 $0x200, v26;
	[tilespmem:v35+s26+$0x0] =	vst.idx.add.f32.msk @p2 vm0, v25  }
0x17c: {  	vm1 =	vlt.s32 @p1 v34, v14;
	v53 =	vor.u32 $0x180, v26;
	v54 =	vld.idx.msk [tilespmem:v26+s24+$0x0], $0xffff;
	v29 =	vand.u32 @p1 $0x7F, v31  }
0x17d: {  	v27 =	vld.idx.msk [tilespmem:v27+s24+$0x0], $0xffff;
	v21 =	vmul.f32 @p1 v21, v23;
	vm15 =	vlt.s32 v16, v14;
	v29 =	vor.u32 @p1 v29, v32  }
0x17e: {  	v24 =	vld.idx.msk [tilespmem:v24+s24+$0x0], $0xffff;
	v14 =	vmul.f32 @p1 v17, v23;
	v30 =	vadd.s32 @p1 $0x80, v29;
	v15 =	vadd.s32 v5, v15  }
0x17f: {  	v56 =	vld.idx.msk [tilespmem:v36+s23+$0x0], $0xffff;
	vm2 =	vmmov @p1 vm1;
	v33 =	vadd.s32 @p1 $0x100, v29;
	v15 =	vmul.u32 $0x280, v15  }
0x180: {  	v32 =	vadd.s32 @p1 $0x200, v29;
	v31 =	vadd.s32 @p1 $0x180, v29;
	v55 =	vand.u32 $0xFFFFFF80, v19;
	v28 =	vld.idx.msk [tilespmem:v28+s24+$0x0], $0xffff  }
0x181: {  	v17 =	vpsel p1, v32, v0;
	v57 =	vld.idx.msk [tilespmem:v53+s24+$0x0], $0xffff;
	v19 =	vand.u32 $0x7F, v19;
	v15 =	vadd.s32 v55, v15  }
0x182: {  	v18 =	vmul.f32 @p1 v18, v23;
	[tilespmem:v29+s26+$0x0] =	vst.idx.add.f32.msk @p1 vm1, v21;
	v15 =	vor.u32 v19, v15  }
0x183: {  	v20 =	vmul.f32 @p1 v20, v23;
	[tilespmem:v30+s26+$0x0] =	vst.idx.add.f32.msk @p1 vm1, v14;
	v19 =	vmul.f32 @p1 v22, v23;
	v14 =	vadd.s32 $0x80, v15  }
0x184: {  	[tilespmem:v33+s26+$0x0] =	vst.idx.add.f32.msk @p1 vm1, v18;
	v58 =	vadd.s32 $0x100, v15  }
0x185: {  	v59 =	vmul.f32 v54, v56;
	v60 =	vadd.s32 $0x180, v15;
	[tilespmem:v31+s26+$0x0] =	vst.idx.add.f32.msk @p1 vm1, v19;
	v19 =	vpsel p1, v20, v0  }
0x186: {  	v61 =	vmul.f32 v27, v56;
	v62 =	vadd.s32 $0x200, v15;
	[tilespmem:v17+s26+$0x0] =	vst.idx.add.f32.msk @p1 vm2, v19  }
0x187: {  	v63 =	vmul.f32 v24, v56;
	[tilespmem:v15+s26+$0x0] =	vst.idx.add.f32.msk vm15, v59  }
0x188: {  	v15 =	vmul.f32 v57, v56;
	[tilespmem:v14+s26+$0x0] =	vst.idx.add.f32.msk vm15, v61  }
0x189: {  	v14 =	vmul.f32 v28, v56;
	[tilespmem:v58+s26+$0x0] =	vst.idx.add.f32.msk vm15, v63  }
0x18a: {  	[tilespmem:v60+s26+$0x0] =	vst.idx.add.f32.msk vm15, v15  }
0x18b: {  	[tilespmem:v62+s26+$0x0] =	vst.idx.add.f32.msk vm15, v14  }
.LBB2_18:
0x18c: {  	p1 =	sge.s32 s31, s29  }
.Ltmp12:
0x18d: {  	_ = 	snop;
	(pc) =	sbr.rel @p1 .LBB2_14-.Ltmp12, $1  }
0x18e: {  	_ =	sdelay $0x3  }
.LBB2_19:
0x18f: {  	s0 =	smov.u32 s31;
	s31 =	sadd.s32 $0xD80, s31  }
0x190: {  	vm0 =	vgt.s32 v13, s0;
	vm1 =	vlt.s32 v12, s31  }
0x191: {  	v15 =	vnsel vm0, s0, v13;
	v14 =	vnsel vm1, s31, v12  }
0x192: {  	v16 =	vsub.s32 v14, v15  }
0x193: {  	vm15 =	vgt.s32 v16, $0x0  }
0x194: {  	v16 =	vnsel vm15, $0x0, v16  }
0x195: {  	v16 =	vor.u32 $0x80000000, v16  }
0x196: {  	(xrf0) =	vmax.scan.msk.u32 $0xffff, v16;
	_ =	sdelay $0x5  }
0x197: {  	v16, _, _ =	vpop (xrf0)  }
0x198: {  	(v2sf) =	vpush v16, $0xF;
	_ =	sdelay $0x4  }
0x199: {  	p1 =	slt.s32 s0, $0x26380;
	s21 =	smov.u32 s0  }
0x19a: {  	s21 =	simm.s32 @!p1 $0x26380  }
0x19b: {  	s4 =	sshrl.u32 s21, $0x2  }
0x19c: {  	s8 =	simm.s32 $0x0;
	s4 =	sadd.s32 s1, s4  }
0x19d: {  	[tilespmem:s18], [sflag:$0x1] =	stream.linear.gather [hbm4b:s4+s8], $0x1B00, $0x38;
	[tilespmem:$0x1B310] =	vst v63  }
0x19e: {  	p1 =	sne.s32 s0, s30;
	s4 =	sshrl.u32 s21, $0x3  }
.Ltmp13:
0x19f: {  	s4 =	sadd.s32 s2, s4;
	(pc) =	sbr.rel @p1 .LBB2_23-.Ltmp13, $4  }
0x1a0: {  	[tilespmem:s23], [sflag:$0x1] =	stream.linear.gather [hbm4b:s4+s8], $0xD80, $0x38;
	[tilespmem:$0x1B310] =	vst v63  }
0x1a1: {  	s4 =	sadd.s32 s3, s21  }
0x1a2: {  	[tilespmem:s24], [sflag:$0x1] =	stream.linear.gather [hbm4b:s4+s8], $0x6C00, $0x38;
	[tilespmem:$0x1B310] =	vst v63  }
0x1a3: {  	s0 =	spop (v2sf)  }
0x1a4: {  	s4 =	sshra.s32 s8, $0x2;
	s8 =	sadd.s32 $0x200, s8  }
.LBB2_21:
0x1a5: {  	p1 =	sne.s32 s8, $0x45E00;
	[tilespmem:s4+$0x9B80] =	vst v11  }
0x1a6: {  	[tilespmem:s4+$0x9B10] =	vst v11  }
0x1a7: {  	[tilespmem:s4+$0x9B20] =	vst v11  }
.Ltmp14:
0x1a8: {  	[tilespmem:s4+$0x9B30] =	vst v11;
	(pc) =	sbr.rel @p1 .LBB2_21-.Ltmp14, $4  }
0x1a9: {  	[tilespmem:s4+$0x9B40] =	vst v11  }
0x1aa: {  	[tilespmem:s4+$0x9B50] =	vst v11  }
0x1ab: {  	[tilespmem:s4+$0x9B60] =	vst v11  }
0x1ac: {  	[tilespmem:s4+$0x9B70] =	vst v11;
	s4 =	sshra.s32 s8, $0x2;
	s8 =	sadd.s32 $0x200, s8  }
0x1ad: {  	[tilespmem:s4+$0x9B80] =	vst v11  }
0x1ae: {  	[tilespmem:s4+$0x9B10] =	vst v11  }
0x1af: {  	[tilespmem:s4+$0x9B20] =	vst v11  }
0x1b0: {  	[tilespmem:s4+$0x9B30] =	vst v11  }
0x1b1: {  	[tilespmem:s4+$0x9B40] =	vst v11  }
0x1b2: {  	[tilespmem:s4+$0x9B50] =	vst v11  }
0x1b3: {  	[tilespmem:s4+$0x9B60] =	vst v11  }
0x1b4: {  	[tilespmem:s4+$0x9B70] =	vst v11  }
.LBB2_23:
0x1b5: {  	_ =	swait.ge [sflag:s25], $0x1B00  }
0x1b6: {  	[sflag:s25] =	ssyncset.done $0x0  }
0x1b7: {  	s0 =	sxor.u32 $0x80000000, s0;
	[sflag:s25] =	ssyncadd.s32 $0xFFFFE500  }
0x1b8: {  	p1 =	slt.s32 s0, $0x1;
	_ =	swait.ge [sflag:s25], $0xD80  }
.Ltmp15:
0x1b9: {  	[sflag:s25] =	ssyncset.done $0x0;
	(pc) =	sbr.rel @p1 .LBB2_18-.Ltmp15, $4  }
0x1ba: {  	[sflag:s25] =	ssyncadd.s32 $0xFFFFF280  }
0x1bb: {  	_ =	swait.ge [sflag:s25], $0x6C00  }
0x1bc: {  	[sflag:s25] =	ssyncset.done $0x0  }
0x1bd: {  	[sflag:s25] =	ssyncadd.s32 $0xFFFF9400  }
0x1be: {  	s4 =	simm.s32 $0x0  }
0x1bf: {  	v19 =	vmov s21;
	v34 =	vadd.s32 s4, v15  }
0x1c0: {  	v16 =	vsub.s32 v34, v19  }
0x1c1: {  	p3 =	seq.s32 s0, $0x1;
	vm0 =	vlt.s32 v16, $0xD7F  }
.Ltmp16:
0x1c2: {  	v28 =	vnsel vm0, $0xD7F, v16;
	(pc) =	sbr.rel @p3 .LBB2_25-.Ltmp16, $4  }
0x1c3: {  	v16 =	vshrl.u32 v28, $0x7  }
0x1c4: {  	v17 =	vand.u32 $0x7F, v28;
	v18 =	vshll.u32 v16, $0x8;
	v16 =	vshll.u32 v16, $0xA  }
0x1c5: {  	v29 =	vor.u32 v17, v18;
	v26 =	vor.u32 v17, v16  }
0x1c6: {  	p1 =	por $0x0, $0x0;
	p2 =	por $0x0, $0x0;
	s4 =	simm.s32 $0x1;
	v30 =	vor.u32 $0x80, v29;
	v27 =	vor.u32 $0x80, v26;
	v24 =	vor.u32 $0x100, v26  }
0x1c7: {  	_ =	sdelay $0x3  }
0x1c8: {  	v20 =	vld.idx.msk [tilespmem:v29+s18+$0x0], $0xffff;
	v16 =	vadd.s32 s4, v15  }
0x1c9: {  	v22 =	vor.u32 $0x200, v26;
	v17 =	vsub.s32 v16, v19  }
0x1ca: {  	v31 =	vld.idx.msk [tilespmem:v30+s18+$0x0], $0xffff;
	v23 =	vor.u32 $0x180, v26;
	vm0 =	vlt.s32 v17, $0xD7F  }
0x1cb: {  	v21 =	vld.idx.msk [tilespmem:v26+s24+$0x0], $0xffff;
	p3 =	seq.s32 s0, $0x2;
	v36 =	vnsel vm0, $0xD7F, v17  }
.Ltmp17:
0x1cc: {  	v18 =	vld.idx.msk [tilespmem:v24+s24+$0x0], $0xffff;
	v25 =	vshrl.u32 v36, $0x7;
	(pc) =	sbr.rel @p3 .LBB2_27-.Ltmp17, $4  }
0x1cd: {  	v17 =	vld.idx.msk [tilespmem:v27+s24+$0x0], $0xffff;
	v24 =	vand.u32 $0x7F, v36;
	v26 =	vadd.s32 v5, v20;
	v27 =	vshll.u32 v25, $0x8  }
0x1ce: {  	v20 =	vld.idx.msk [tilespmem:v22+s24+$0x0], $0xffff;
	v25 =	vshll.u32 v25, $0xA;
	v32 =	vmul.u32 $0x280, v26;
	v29 =	vor.u32 v24, v27  }
0x1cf: {  	v22 =	vld.idx.msk [tilespmem:v23+s24+$0x0], $0xffff;
	v27 =	vand.u32 $0xFFFFFF80, v31;
	v26 =	vor.u32 v24, v25;
	v30 =	vor.u32 $0x80, v29  }
0x1d0: {  	s4 =	simm.s32 $0x2;
	p1 =	por $0x1, $0x1;
	v23 =	vld.idx.msk [tilespmem:v28+s23+$0x0], $0xffff;
	v24 =	vor.u32 $0x100, v26;
	v32 =	vadd.s32 v27, v32;
	v27 =	vor.u32 $0x80, v26  }
0x1d1: {  	_ =	sdelay $0x3  }
0x1d2: {  	v29 =	vld.idx.msk [tilespmem:v29+s18+$0x0], $0xffff;
	v28 =	vor.u32 $0x200, v26  }
0x1d3: {  	v33 =	vld.idx.msk [tilespmem:v30+s18+$0x0], $0xffff;
	v30 =	vor.u32 $0x180, v26;
	vm0 =	vlt.s32 v34, v14;
	v25 =	vand.u32 $0x7F, v31  }
0x1d4: {  	v31 =	vadd.s32 s4, v15;
	v37 =	vmul.f32 v21, v23;
	v62 =	vmul.f32 v17, v23;
	v21 =	vld.idx.msk [tilespmem:v26+s24+$0x0], $0xffff  }
0x1d5: {  	v38 =	vmul.f32 v18, v23;
	v17 =	vld.idx.msk [tilespmem:v27+s24+$0x0], $0xffff;
	v26 =	vor.u32 v25, v32;
	v27 =	vsub.s32 v31, v19  }
0x1d6: {  	v25 =	vmul.f32 v20, v23;
	v18 =	vld.idx.msk [tilespmem:v24+s24+$0x0], $0xffff;
	v24 =	vadd.s32 $0x80, v26;
	vm1 =	vlt.s32 v27, $0xD7F  }
0x1d7: {  	v39 =	vmul.f32 v22, v23;
	v20 =	vld.idx.msk [tilespmem:v28+s24+$0x0], $0xffff;
	v32 =	vadd.s32 $0x100, v26;
	v28 =	vnsel vm1, $0xD7F, v27  }
0x1d8: {  	p3 =	seq.s32 s0, $0x3;
	v23 =	vld.idx.msk [tilespmem:v36+s23+$0x0], $0xffff;
	v40 =	vadd.s32 $0x180, v26;
	v35 =	vadd.s32 $0x200, v26;
	v27 =	vshrl.u32 v28, $0x7  }
.Ltmp18:
0x1d9: {  	v22 =	vld.idx.msk [tilespmem:v30+s24+$0x0], $0xffff;
	v29 =	vadd.s32 v5, v29;
	v63 =	vand.u32 $0x7F, v28;
	v30 =	vshll.u32 v27, $0x8;
	(pc) =	sbr.rel @p3 .LBB2_29-.Ltmp18, $4  }
0x1da: {  	[tilespmem:v26+s26+$0x0] =	vst.idx.add.f32.msk vm0, v37;
	v26 =	vshll.u32 v27, $0xA;
	v27 =	vmul.u32 $0x280, v29;
	v29 =	vor.u32 v63, v30  }
0x1db: {  	[tilespmem:v24+s26+$0x0] =	vst.idx.add.f32.msk vm0, v62;
	v30 =	vor.u32 $0x80, v29  }
0x1dc: {  	v24 =	vand.u32 $0xFFFFFF80, v33;
	v26 =	vor.u32 v63, v26;
	[tilespmem:v32+s26+$0x0] =	vst.idx.add.f32.msk vm0, v38  }
0x1dd: {  	s21 =	simm.s32 $0x3;
	p2 =	por $0x1, $0x1;
	v32 =	vadd.s32 v24, v27;
	v27 =	vor.u32 $0x80, v26;
	v24 =	vor.u32 $0x100, v26;
	[tilespmem:v40+s26+$0x0] =	vst.idx.add.f32.msk vm0, v39  }
.LBB2_30:
0x1de: {  	[tilespmem:v35+s26+$0x0] =	vst.idx.add.f32.msk vm0, v25;
	vm0 =	vlt.s32 v16, v14;
	v16 =	vmov v31;
	s4 =	smov.u32 s21;
	s21 =	sadd.s32 $0x1, s21  }
0x1df: {  	v34 =	vor.u32 $0x200, v26;
	v36 =	vmul.f32 v21, v23;
	v37 =	vmul.f32 v17, v23;
	p3 =	seq.s32 s0, s21;
	v29 =	vld.idx.msk [tilespmem:v29+s18+$0x0], $0xffff  }
0x1e0: {  	v38 =	vor.u32 $0x180, v26;
	v39 =	vmul.f32 v18, v23;
	v40 =	vmul.f32 v22, v23;
	v30 =	vld.idx.msk [tilespmem:v30+s18+$0x0], $0xffff  }
0x1e1: {  	v18 =	vand.u32 $0x7F, v33;
	v25 =	vmul.f32 v20, v23;
	v31 =	vadd.s32 s4, v15;
	v21 =	vld.idx.msk [tilespmem:v26+s24+$0x0], $0xffff  }
0x1e2: {  	v20 =	vsub.s32 v31, v19;
	v26 =	vor.u32 v18, v32;
	v17 =	vld.idx.msk [tilespmem:v27+s24+$0x0], $0xffff  }
0x1e3: {  	vm1 =	vlt.s32 v20, $0xD7F;
	v35 =	vadd.s32 $0x200, v26;
	v18 =	vld.idx.msk [tilespmem:v24+s24+$0x0], $0xffff;
	v24 =	vadd.s32 $0x80, v26  }
0x1e4: {  	v27 =	vnsel vm1, $0xD7F, v20;
	v41 =	vadd.s32 $0x180, v26;
	v20 =	vld.idx.msk [tilespmem:v34+s24+$0x0], $0xffff;
	v34 =	vadd.s32 $0x100, v26  }
0x1e5: {  	v23 =	vshrl.u32 v27, $0x7;
	v42 =	vand.u32 $0x7F, v27;
	v29 =	vadd.s32 v5, v29;
	v22 =	vld.idx.msk [tilespmem:v38+s24+$0x0], $0xffff  }
.Ltmp19:
0x1e6: {  	v32 =	vshll.u32 v23, $0x8;
	v38 =	vshll.u32 v23, $0xA;
	v43 =	vmul.u32 $0x280, v29;
	v33 =	vmovc v30;
	v23 =	vld.idx.msk [tilespmem:v28+s23+$0x0], $0xffff;
	v28 =	vmovc v27;
	(pc) =	sbr.rel @!p3 .LBB2_30-.Ltmp19, $4  }
0x1e7: {  	v29 =	vor.u32 v42, v32;
	v27 =	vand.u32 $0xFFFFFF80, v33;
	[tilespmem:v26+s26+$0x0] =	vst.idx.add.f32.msk vm0, v36  }
0x1e8: {  	v30 =	vor.u32 $0x80, v29;
	v32 =	vadd.s32 v27, v43;
	[tilespmem:v24+s26+$0x0] =	vst.idx.add.f32.msk vm0, v37  }
0x1e9: {  	v26 =	vor.u32 v42, v38;
	[tilespmem:v34+s26+$0x0] =	vst.idx.add.f32.msk vm0, v39  }
0x1ea: {  	v27 =	vor.u32 $0x80, v26;
	v24 =	vor.u32 $0x100, v26;
	[tilespmem:v41+s26+$0x0] =	vst.idx.add.f32.msk vm0, v40  }
.Ltmp20:
0x1eb: {  	(pc) =	sbr.rel .LBB2_32-.Ltmp20, $2  }
0x1ec: {  	_ =	sdelay $0x2  }
0x1ed: {  	v34 =	vmovc v16;
	v16 =	vmov v31;
	v31 =	vmov v33;
	v36 =	vmov v28  }
.LBB2_27:
.Ltmp21:
0x1ee: {  	(pc) =	sbr.rel .LBB2_32-.Ltmp21, $2  }
0x1ef: {  	_ =	sdelay $0x2  }
0x1f0: {  	_ = 	snop  }
.LBB2_29:
.Ltmp22:
0x1f1: {  	(pc) =	sbr.rel .LBB2_32-.Ltmp22, $2  }
0x1f2: {  	_ =	sdelay $0x2  }
0x1f3: {  	v34 =	vmovc v16;
	v16 =	vmov v31;
	v31 =	vmov v33;
	v36 =	vmov v28  }
.LBB2_40:
0x1f4: {  	v16 =	vmov v34;
	v36 =	vmov v28  }
.LBB2_47:
0x1f5: {  	_ =	sdelay $0x3  }
0x1f6: {  	v15 =	vld.idx.msk [tilespmem:v29+s18+$0x0], $0xffff  }
0x1f7: {  	v19 =	vld.idx.msk [tilespmem:v30+s18+$0x0], $0xffff  }
0x1f8: {  	v28 =	vor.u32 $0x200, v26;
	[tilespmem:v35+s26+$0x0] =	vst.idx.add.f32.msk @p2 vm0, v25  }
0x1f9: {  	vm1 =	vlt.s32 @p1 v34, v14;
	v53 =	vor.u32 $0x180, v26;
	v54 =	vld.idx.msk [tilespmem:v26+s24+$0x0], $0xffff;
	v29 =	vand.u32 @p1 $0x7F, v31  }
0x1fa: {  	v27 =	vld.idx.msk [tilespmem:v27+s24+$0x0], $0xffff;
	v21 =	vmul.f32 @p1 v21, v23;
	vm15 =	vlt.s32 v16, v14;
	v29 =	vor.u32 @p1 v29, v32  }
0x1fb: {  	v24 =	vld.idx.msk [tilespmem:v24+s24+$0x0], $0xffff;
	v14 =	vmul.f32 @p1 v17, v23;
	v30 =	vadd.s32 @p1 $0x80, v29;
	v15 =	vadd.s32 v6, v15  }
0x1fc: {  	v56 =	vld.idx.msk [tilespmem:v36+s23+$0x0], $0xffff;
	vm2 =	vmmov @p1 vm1;
	v33 =	vadd.s32 @p1 $0x100, v29;
	v15 =	vmul.u32 $0x280, v15  }
0x1fd: {  	v32 =	vadd.s32 @p1 $0x200, v29;
	v31 =	vadd.s32 @p1 $0x180, v29;
	v55 =	vand.u32 $0xFFFFFF80, v19;
	v28 =	vld.idx.msk [tilespmem:v28+s24+$0x0], $0xffff  }
0x1fe: {  	v17 =	vpsel p1, v32, v0;
	v57 =	vld.idx.msk [tilespmem:v53+s24+$0x0], $0xffff;
	v19 =	vand.u32 $0x7F, v19;
	v15 =	vadd.s32 v55, v15  }
0x1ff: {  	v18 =	vmul.f32 @p1 v18, v23;
	[tilespmem:v29+s26+$0x0] =	vst.idx.add.f32.msk @p1 vm1, v21;
	v15 =	vor.u32 v19, v15  }
0x200: {  	v20 =	vmul.f32 @p1 v20, v23;
	[tilespmem:v30+s26+$0x0] =	vst.idx.add.f32.msk @p1 vm1, v14;
	v19 =	vmul.f32 @p1 v22, v23;
	v14 =	vadd.s32 $0x80, v15  }
0x201: {  	[tilespmem:v33+s26+$0x0] =	vst.idx.add.f32.msk @p1 vm1, v18;
	v58 =	vadd.s32 $0x100, v15  }
0x202: {  	v59 =	vmul.f32 v54, v56;
	v60 =	vadd.s32 $0x180, v15;
	[tilespmem:v31+s26+$0x0] =	vst.idx.add.f32.msk @p1 vm1, v19;
	v19 =	vpsel p1, v20, v0  }
0x203: {  	v61 =	vmul.f32 v27, v56;
	v62 =	vadd.s32 $0x200, v15;
	[tilespmem:v17+s26+$0x0] =	vst.idx.add.f32.msk @p1 vm2, v19  }
0x204: {  	v63 =	vmul.f32 v24, v56;
	[tilespmem:v15+s26+$0x0] =	vst.idx.add.f32.msk vm15, v59  }
0x205: {  	v15 =	vmul.f32 v57, v56;
	[tilespmem:v14+s26+$0x0] =	vst.idx.add.f32.msk vm15, v61  }
0x206: {  	v14 =	vmul.f32 v28, v56;
	[tilespmem:v58+s26+$0x0] =	vst.idx.add.f32.msk vm15, v63  }
0x207: {  	[tilespmem:v60+s26+$0x0] =	vst.idx.add.f32.msk vm15, v15  }
0x208: {  	[tilespmem:v62+s26+$0x0] =	vst.idx.add.f32.msk vm15, v14  }
.LBB2_33:
0x209: {  	p1 =	sge.s32 s31, s29  }
.Ltmp23:
0x20a: {  	_ = 	snop;
	(pc) =	sbr.rel @p1 .LBB2_15-.Ltmp23, $1  }
0x20b: {  	_ =	sdelay $0x3  }
.LBB2_34:
0x20c: {  	s0 =	smov.u32 s31;
	s31 =	sadd.s32 $0xD80, s31  }
0x20d: {  	vm0 =	vgt.s32 v13, s0;
	vm1 =	vlt.s32 v12, s31  }
0x20e: {  	v15 =	vnsel vm0, s0, v13;
	v14 =	vnsel vm1, s31, v12  }
0x20f: {  	v16 =	vsub.s32 v14, v15  }
0x210: {  	vm15 =	vgt.s32 v16, $0x0  }
0x211: {  	v16 =	vnsel vm15, $0x0, v16  }
0x212: {  	v16 =	vor.u32 $0x80000000, v16  }
0x213: {  	(xrf0) =	vmax.scan.msk.u32 $0xffff, v16;
	_ =	sdelay $0x5  }
0x214: {  	v16, _, _ =	vpop (xrf0)  }
0x215: {  	(v2sf) =	vpush v16, $0xF;
	_ =	sdelay $0x4  }
0x216: {  	p1 =	slt.s32 s0, $0x26380;
	s21 =	smov.u32 s0  }
0x217: {  	s21 =	simm.s32 @!p1 $0x26380  }
0x218: {  	s4 =	sshrl.u32 s21, $0x2  }
0x219: {  	s8 =	simm.s32 $0x0;
	s4 =	sadd.s32 s1, s4  }
0x21a: {  	[tilespmem:s18], [sflag:$0x1] =	stream.linear.gather [hbm4b:s4+s8], $0x1B00, $0x38;
	[tilespmem:$0x1B310] =	vst v63  }
0x21b: {  	p1 =	sne.s32 s0, s30;
	s4 =	sshrl.u32 s21, $0x3  }
.Ltmp24:
0x21c: {  	s4 =	sadd.s32 s2, s4;
	(pc) =	sbr.rel @p1 .LBB2_38-.Ltmp24, $4  }
0x21d: {  	[tilespmem:s23], [sflag:$0x1] =	stream.linear.gather [hbm4b:s4+s8], $0xD80, $0x38;
	[tilespmem:$0x1B310] =	vst v63  }
0x21e: {  	s4 =	sadd.s32 s3, s21  }
0x21f: {  	[tilespmem:s24], [sflag:$0x1] =	stream.linear.gather [hbm4b:s4+s8], $0x6C00, $0x38;
	[tilespmem:$0x1B310] =	vst v63  }
0x220: {  	s0 =	spop (v2sf)  }
0x221: {  	s4 =	sshra.s32 s8, $0x2;
	s8 =	sadd.s32 $0x200, s8  }
.LBB2_36:
0x222: {  	p1 =	sne.s32 s8, $0x45E00;
	[tilespmem:s4+$0x9B80] =	vst v11  }
0x223: {  	[tilespmem:s4+$0x9B10] =	vst v11  }
0x224: {  	[tilespmem:s4+$0x9B20] =	vst v11  }
.Ltmp25:
0x225: {  	[tilespmem:s4+$0x9B30] =	vst v11;
	(pc) =	sbr.rel @p1 .LBB2_36-.Ltmp25, $4  }
0x226: {  	[tilespmem:s4+$0x9B40] =	vst v11  }
0x227: {  	[tilespmem:s4+$0x9B50] =	vst v11  }
0x228: {  	[tilespmem:s4+$0x9B60] =	vst v11  }
0x229: {  	[tilespmem:s4+$0x9B70] =	vst v11;
	s4 =	sshra.s32 s8, $0x2;
	s8 =	sadd.s32 $0x200, s8  }
0x22a: {  	[tilespmem:s4+$0x9B80] =	vst v11  }
0x22b: {  	[tilespmem:s4+$0x9B10] =	vst v11  }
0x22c: {  	[tilespmem:s4+$0x9B20] =	vst v11  }
0x22d: {  	[tilespmem:s4+$0x9B30] =	vst v11  }
0x22e: {  	[tilespmem:s4+$0x9B40] =	vst v11  }
0x22f: {  	[tilespmem:s4+$0x9B50] =	vst v11  }
0x230: {  	[tilespmem:s4+$0x9B60] =	vst v11  }
0x231: {  	[tilespmem:s4+$0x9B70] =	vst v11  }
.LBB2_38:
0x232: {  	_ =	swait.ge [sflag:s25], $0x1B00  }
0x233: {  	[sflag:s25] =	ssyncset.done $0x0  }
0x234: {  	s0 =	sxor.u32 $0x80000000, s0;
	[sflag:s25] =	ssyncadd.s32 $0xFFFFE500  }
0x235: {  	p1 =	slt.s32 s0, $0x1;
	_ =	swait.ge [sflag:s25], $0xD80  }
.Ltmp26:
0x236: {  	[sflag:s25] =	ssyncset.done $0x0;
	(pc) =	sbr.rel @p1 .LBB2_33-.Ltmp26, $4  }
0x237: {  	[sflag:s25] =	ssyncadd.s32 $0xFFFFF280  }
0x238: {  	_ =	swait.ge [sflag:s25], $0x6C00  }
0x239: {  	[sflag:s25] =	ssyncset.done $0x0  }
0x23a: {  	[sflag:s25] =	ssyncadd.s32 $0xFFFF9400  }
0x23b: {  	s4 =	simm.s32 $0x0  }
0x23c: {  	v19 =	vmov s21;
	v34 =	vadd.s32 s4, v15  }
0x23d: {  	v16 =	vsub.s32 v34, v19  }
0x23e: {  	p3 =	seq.s32 s0, $0x1;
	vm0 =	vlt.s32 v16, $0xD7F  }
.Ltmp27:
0x23f: {  	v28 =	vnsel vm0, $0xD7F, v16;
	(pc) =	sbr.rel @p3 .LBB2_40-.Ltmp27, $4  }
0x240: {  	v16 =	vshrl.u32 v28, $0x7  }
0x241: {  	v17 =	vand.u32 $0x7F, v28;
	v18 =	vshll.u32 v16, $0x8;
	v16 =	vshll.u32 v16, $0xA  }
0x242: {  	v29 =	vor.u32 v17, v18;
	v26 =	vor.u32 v17, v16  }
0x243: {  	p1 =	por $0x0, $0x0;
	p2 =	por $0x0, $0x0;
	s4 =	simm.s32 $0x1;
	v30 =	vor.u32 $0x80, v29;
	v27 =	vor.u32 $0x80, v26;
	v24 =	vor.u32 $0x100, v26  }
0x244: {  	_ =	sdelay $0x3  }
0x245: {  	v20 =	vld.idx.msk [tilespmem:v29+s18+$0x0], $0xffff;
	v16 =	vadd.s32 s4, v15  }
0x246: {  	v22 =	vor.u32 $0x200, v26;
	v17 =	vsub.s32 v16, v19  }
0x247: {  	v31 =	vld.idx.msk [tilespmem:v30+s18+$0x0], $0xffff;
	v23 =	vor.u32 $0x180, v26;
	vm0 =	vlt.s32 v17, $0xD7F  }
0x248: {  	v21 =	vld.idx.msk [tilespmem:v26+s24+$0x0], $0xffff;
	p3 =	seq.s32 s0, $0x2;
	v36 =	vnsel vm0, $0xD7F, v17  }
.Ltmp28:
0x249: {  	v18 =	vld.idx.msk [tilespmem:v24+s24+$0x0], $0xffff;
	v25 =	vshrl.u32 v36, $0x7;
	(pc) =	sbr.rel @p3 .LBB2_42-.Ltmp28, $4  }
0x24a: {  	v17 =	vld.idx.msk [tilespmem:v27+s24+$0x0], $0xffff;
	v24 =	vand.u32 $0x7F, v36;
	v26 =	vadd.s32 v6, v20;
	v27 =	vshll.u32 v25, $0x8  }
0x24b: {  	v20 =	vld.idx.msk [tilespmem:v22+s24+$0x0], $0xffff;
	v25 =	vshll.u32 v25, $0xA;
	v32 =	vmul.u32 $0x280, v26;
	v29 =	vor.u32 v24, v27  }
0x24c: {  	v22 =	vld.idx.msk [tilespmem:v23+s24+$0x0], $0xffff;
	v27 =	vand.u32 $0xFFFFFF80, v31;
	v26 =	vor.u32 v24, v25;
	v30 =	vor.u32 $0x80, v29  }
0x24d: {  	s4 =	simm.s32 $0x2;
	p1 =	por $0x1, $0x1;
	v23 =	vld.idx.msk [tilespmem:v28+s23+$0x0], $0xffff;
	v24 =	vor.u32 $0x100, v26;
	v32 =	vadd.s32 v27, v32;
	v27 =	vor.u32 $0x80, v26  }
0x24e: {  	_ =	sdelay $0x3  }
0x24f: {  	v29 =	vld.idx.msk [tilespmem:v29+s18+$0x0], $0xffff;
	v28 =	vor.u32 $0x200, v26  }
0x250: {  	v33 =	vld.idx.msk [tilespmem:v30+s18+$0x0], $0xffff;
	v30 =	vor.u32 $0x180, v26;
	vm0 =	vlt.s32 v34, v14;
	v25 =	vand.u32 $0x7F, v31  }
0x251: {  	v31 =	vadd.s32 s4, v15;
	v37 =	vmul.f32 v21, v23;
	v62 =	vmul.f32 v17, v23;
	v21 =	vld.idx.msk [tilespmem:v26+s24+$0x0], $0xffff  }
0x252: {  	v38 =	vmul.f32 v18, v23;
	v17 =	vld.idx.msk [tilespmem:v27+s24+$0x0], $0xffff;
	v26 =	vor.u32 v25, v32;
	v27 =	vsub.s32 v31, v19  }
0x253: {  	v25 =	vmul.f32 v20, v23;
	v18 =	vld.idx.msk [tilespmem:v24+s24+$0x0], $0xffff;
	v24 =	vadd.s32 $0x80, v26;
	vm1 =	vlt.s32 v27, $0xD7F  }
0x254: {  	v39 =	vmul.f32 v22, v23;
	v20 =	vld.idx.msk [tilespmem:v28+s24+$0x0], $0xffff;
	v32 =	vadd.s32 $0x100, v26;
	v28 =	vnsel vm1, $0xD7F, v27  }
0x255: {  	p3 =	seq.s32 s0, $0x3;
	v23 =	vld.idx.msk [tilespmem:v36+s23+$0x0], $0xffff;
	v40 =	vadd.s32 $0x180, v26;
	v35 =	vadd.s32 $0x200, v26;
	v27 =	vshrl.u32 v28, $0x7  }
.Ltmp29:
0x256: {  	v22 =	vld.idx.msk [tilespmem:v30+s24+$0x0], $0xffff;
	v29 =	vadd.s32 v6, v29;
	v63 =	vand.u32 $0x7F, v28;
	v30 =	vshll.u32 v27, $0x8;
	(pc) =	sbr.rel @p3 .LBB2_44-.Ltmp29, $4  }
0x257: {  	[tilespmem:v26+s26+$0x0] =	vst.idx.add.f32.msk vm0, v37;
	v26 =	vshll.u32 v27, $0xA;
	v27 =	vmul.u32 $0x280, v29;
	v29 =	vor.u32 v63, v30  }
0x258: {  	[tilespmem:v24+s26+$0x0] =	vst.idx.add.f32.msk vm0, v62;
	v30 =	vor.u32 $0x80, v29  }
0x259: {  	v24 =	vand.u32 $0xFFFFFF80, v33;
	v26 =	vor.u32 v63, v26;
	[tilespmem:v32+s26+$0x0] =	vst.idx.add.f32.msk vm0, v38  }
0x25a: {  	s21 =	simm.s32 $0x3;
	p2 =	por $0x1, $0x1;
	v32 =	vadd.s32 v24, v27;
	v27 =	vor.u32 $0x80, v26;
	v24 =	vor.u32 $0x100, v26;
	[tilespmem:v40+s26+$0x0] =	vst.idx.add.f32.msk vm0, v39  }
.LBB2_45:
0x25b: {  	[tilespmem:v35+s26+$0x0] =	vst.idx.add.f32.msk vm0, v25;
	vm0 =	vlt.s32 v16, v14;
	v16 =	vmov v31;
	s4 =	smov.u32 s21;
	s21 =	sadd.s32 $0x1, s21  }
0x25c: {  	v34 =	vor.u32 $0x200, v26;
	v36 =	vmul.f32 v21, v23;
	v37 =	vmul.f32 v17, v23;
	p3 =	seq.s32 s0, s21;
	v29 =	vld.idx.msk [tilespmem:v29+s18+$0x0], $0xffff  }
0x25d: {  	v38 =	vor.u32 $0x180, v26;
	v39 =	vmul.f32 v18, v23;
	v40 =	vmul.f32 v22, v23;
	v30 =	vld.idx.msk [tilespmem:v30+s18+$0x0], $0xffff  }
0x25e: {  	v18 =	vand.u32 $0x7F, v33;
	v25 =	vmul.f32 v20, v23;
	v31 =	vadd.s32 s4, v15;
	v21 =	vld.idx.msk [tilespmem:v26+s24+$0x0], $0xffff  }
0x25f: {  	v20 =	vsub.s32 v31, v19;
	v26 =	vor.u32 v18, v32;
	v17 =	vld.idx.msk [tilespmem:v27+s24+$0x0], $0xffff  }
0x260: {  	vm1 =	vlt.s32 v20, $0xD7F;
	v35 =	vadd.s32 $0x200, v26;
	v18 =	vld.idx.msk [tilespmem:v24+s24+$0x0], $0xffff;
	v24 =	vadd.s32 $0x80, v26  }
0x261: {  	v27 =	vnsel vm1, $0xD7F, v20;
	v41 =	vadd.s32 $0x180, v26;
	v20 =	vld.idx.msk [tilespmem:v34+s24+$0x0], $0xffff;
	v34 =	vadd.s32 $0x100, v26  }
0x262: {  	v23 =	vshrl.u32 v27, $0x7;
	v42 =	vand.u32 $0x7F, v27;
	v29 =	vadd.s32 v6, v29;
	v22 =	vld.idx.msk [tilespmem:v38+s24+$0x0], $0xffff  }
.Ltmp30:
0x263: {  	v32 =	vshll.u32 v23, $0x8;
	v38 =	vshll.u32 v23, $0xA;
	v43 =	vmul.u32 $0x280, v29;
	v33 =	vmovc v30;
	v23 =	vld.idx.msk [tilespmem:v28+s23+$0x0], $0xffff;
	v28 =	vmovc v27;
	(pc) =	sbr.rel @!p3 .LBB2_45-.Ltmp30, $4  }
0x264: {  	v29 =	vor.u32 v42, v32;
	v27 =	vand.u32 $0xFFFFFF80, v33;
	[tilespmem:v26+s26+$0x0] =	vst.idx.add.f32.msk vm0, v36  }
0x265: {  	v30 =	vor.u32 $0x80, v29;
	v32 =	vadd.s32 v27, v43;
	[tilespmem:v24+s26+$0x0] =	vst.idx.add.f32.msk vm0, v37  }
0x266: {  	v26 =	vor.u32 v42, v38;
	[tilespmem:v34+s26+$0x0] =	vst.idx.add.f32.msk vm0, v39  }
0x267: {  	v27 =	vor.u32 $0x80, v26;
	v24 =	vor.u32 $0x100, v26;
	[tilespmem:v41+s26+$0x0] =	vst.idx.add.f32.msk vm0, v40  }
.Ltmp31:
0x268: {  	(pc) =	sbr.rel .LBB2_47-.Ltmp31, $2  }
0x269: {  	_ =	sdelay $0x2  }
0x26a: {  	v34 =	vmovc v16;
	v16 =	vmov v31;
	v31 =	vmov v33;
	v36 =	vmov v28  }
.LBB2_42:
.Ltmp32:
0x26b: {  	(pc) =	sbr.rel .LBB2_47-.Ltmp32, $2  }
0x26c: {  	_ =	sdelay $0x2  }
0x26d: {  	_ = 	snop  }
.LBB2_44:
.Ltmp33:
0x26e: {  	(pc) =	sbr.rel .LBB2_47-.Ltmp33, $2  }
0x26f: {  	_ =	sdelay $0x2  }
0x270: {  	v34 =	vmovc v16;
	v16 =	vmov v31;
	v31 =	vmov v33;
	v36 =	vmov v28  }
.LBB2_55:
0x271: {  	v16 =	vmov v34;
	v36 =	vmov v28  }
.LBB2_62:
0x272: {  	_ =	sdelay $0x3  }
0x273: {  	v15 =	vld.idx.msk [tilespmem:v29+s18+$0x0], $0xffff  }
0x274: {  	v19 =	vld.idx.msk [tilespmem:v30+s18+$0x0], $0xffff  }
0x275: {  	v28 =	vor.u32 $0x200, v26;
	[tilespmem:v35+s26+$0x0] =	vst.idx.add.f32.msk @p2 vm0, v25  }
0x276: {  	vm1 =	vlt.s32 @p1 v34, v14;
	v53 =	vor.u32 $0x180, v26;
	v54 =	vld.idx.msk [tilespmem:v26+s24+$0x0], $0xffff;
	v29 =	vand.u32 @p1 $0x7F, v31  }
0x277: {  	v27 =	vld.idx.msk [tilespmem:v27+s24+$0x0], $0xffff;
	v21 =	vmul.f32 @p1 v21, v23;
	vm15 =	vlt.s32 v16, v14;
	v29 =	vor.u32 @p1 v29, v32  }
0x278: {  	v24 =	vld.idx.msk [tilespmem:v24+s24+$0x0], $0xffff;
	v14 =	vmul.f32 @p1 v17, v23;
	v30 =	vadd.s32 @p1 $0x80, v29;
	v15 =	vadd.s32 v7, v15  }
0x279: {  	v56 =	vld.idx.msk [tilespmem:v36+s23+$0x0], $0xffff;
	vm2 =	vmmov @p1 vm1;
	v33 =	vadd.s32 @p1 $0x100, v29;
	v15 =	vmul.u32 $0x280, v15  }
0x27a: {  	v32 =	vadd.s32 @p1 $0x200, v29;
	v31 =	vadd.s32 @p1 $0x180, v29;
	v55 =	vand.u32 $0xFFFFFF80, v19;
	v28 =	vld.idx.msk [tilespmem:v28+s24+$0x0], $0xffff  }
0x27b: {  	v17 =	vpsel p1, v32, v0;
	v57 =	vld.idx.msk [tilespmem:v53+s24+$0x0], $0xffff;
	v19 =	vand.u32 $0x7F, v19;
	v15 =	vadd.s32 v55, v15  }
0x27c: {  	v18 =	vmul.f32 @p1 v18, v23;
	[tilespmem:v29+s26+$0x0] =	vst.idx.add.f32.msk @p1 vm1, v21;
	v15 =	vor.u32 v19, v15  }
0x27d: {  	v20 =	vmul.f32 @p1 v20, v23;
	[tilespmem:v30+s26+$0x0] =	vst.idx.add.f32.msk @p1 vm1, v14;
	v19 =	vmul.f32 @p1 v22, v23;
	v14 =	vadd.s32 $0x80, v15  }
0x27e: {  	[tilespmem:v33+s26+$0x0] =	vst.idx.add.f32.msk @p1 vm1, v18;
	v58 =	vadd.s32 $0x100, v15  }
0x27f: {  	v59 =	vmul.f32 v54, v56;
	v60 =	vadd.s32 $0x180, v15;
	[tilespmem:v31+s26+$0x0] =	vst.idx.add.f32.msk @p1 vm1, v19;
	v19 =	vpsel p1, v20, v0  }
0x280: {  	v61 =	vmul.f32 v27, v56;
	v62 =	vadd.s32 $0x200, v15;
	[tilespmem:v17+s26+$0x0] =	vst.idx.add.f32.msk @p1 vm2, v19  }
0x281: {  	v63 =	vmul.f32 v24, v56;
	[tilespmem:v15+s26+$0x0] =	vst.idx.add.f32.msk vm15, v59  }
0x282: {  	v15 =	vmul.f32 v57, v56;
	[tilespmem:v14+s26+$0x0] =	vst.idx.add.f32.msk vm15, v61  }
0x283: {  	v14 =	vmul.f32 v28, v56;
	[tilespmem:v58+s26+$0x0] =	vst.idx.add.f32.msk vm15, v63  }
0x284: {  	[tilespmem:v60+s26+$0x0] =	vst.idx.add.f32.msk vm15, v15  }
0x285: {  	[tilespmem:v62+s26+$0x0] =	vst.idx.add.f32.msk vm15, v14  }
.LBB2_48:
0x286: {  	p1 =	sge.s32 s31, s29  }
.Ltmp34:
0x287: {  	_ = 	snop;
	(pc) =	sbr.rel @p1 .LBB2_16-.Ltmp34, $1  }
0x288: {  	_ =	sdelay $0x3  }
.LBB2_49:
0x289: {  	s0 =	smov.u32 s31;
	s31 =	sadd.s32 $0xD80, s31  }
0x28a: {  	vm0 =	vgt.s32 v13, s0;
	vm1 =	vlt.s32 v12, s31  }
0x28b: {  	v15 =	vnsel vm0, s0, v13;
	v14 =	vnsel vm1, s31, v12  }
0x28c: {  	v16 =	vsub.s32 v14, v15  }
0x28d: {  	vm15 =	vgt.s32 v16, $0x0  }
0x28e: {  	v16 =	vnsel vm15, $0x0, v16  }
0x28f: {  	v16 =	vor.u32 $0x80000000, v16  }
0x290: {  	(xrf0) =	vmax.scan.msk.u32 $0xffff, v16;
	_ =	sdelay $0x5  }
0x291: {  	v16, _, _ =	vpop (xrf0)  }
0x292: {  	(v2sf) =	vpush v16, $0xF;
	_ =	sdelay $0x4  }
0x293: {  	p1 =	slt.s32 s0, $0x26380;
	s21 =	smov.u32 s0  }
0x294: {  	s21 =	simm.s32 @!p1 $0x26380  }
0x295: {  	s4 =	sshrl.u32 s21, $0x2  }
0x296: {  	s8 =	simm.s32 $0x0;
	s4 =	sadd.s32 s1, s4  }
0x297: {  	[tilespmem:s18], [sflag:$0x1] =	stream.linear.gather [hbm4b:s4+s8], $0x1B00, $0x38;
	[tilespmem:$0x1B310] =	vst v63  }
0x298: {  	p1 =	sne.s32 s0, s30;
	s4 =	sshrl.u32 s21, $0x3  }
.Ltmp35:
0x299: {  	s4 =	sadd.s32 s2, s4;
	(pc) =	sbr.rel @p1 .LBB2_53-.Ltmp35, $4  }
0x29a: {  	[tilespmem:s23], [sflag:$0x1] =	stream.linear.gather [hbm4b:s4+s8], $0xD80, $0x38;
	[tilespmem:$0x1B310] =	vst v63  }
0x29b: {  	s4 =	sadd.s32 s3, s21  }
0x29c: {  	[tilespmem:s24], [sflag:$0x1] =	stream.linear.gather [hbm4b:s4+s8], $0x6C00, $0x38;
	[tilespmem:$0x1B310] =	vst v63  }
0x29d: {  	s0 =	spop (v2sf)  }
0x29e: {  	s4 =	sshra.s32 s8, $0x2;
	s8 =	sadd.s32 $0x200, s8  }
.LBB2_51:
0x29f: {  	p1 =	sne.s32 s8, $0x45E00;
	[tilespmem:s4+$0x9B80] =	vst v11  }
0x2a0: {  	[tilespmem:s4+$0x9B10] =	vst v11  }
0x2a1: {  	[tilespmem:s4+$0x9B20] =	vst v11  }
.Ltmp36:
0x2a2: {  	[tilespmem:s4+$0x9B30] =	vst v11;
	(pc) =	sbr.rel @p1 .LBB2_51-.Ltmp36, $4  }
0x2a3: {  	[tilespmem:s4+$0x9B40] =	vst v11  }
0x2a4: {  	[tilespmem:s4+$0x9B50] =	vst v11  }
0x2a5: {  	[tilespmem:s4+$0x9B60] =	vst v11  }
0x2a6: {  	[tilespmem:s4+$0x9B70] =	vst v11;
	s4 =	sshra.s32 s8, $0x2;
	s8 =	sadd.s32 $0x200, s8  }
0x2a7: {  	[tilespmem:s4+$0x9B80] =	vst v11  }
0x2a8: {  	[tilespmem:s4+$0x9B10] =	vst v11  }
0x2a9: {  	[tilespmem:s4+$0x9B20] =	vst v11  }
0x2aa: {  	[tilespmem:s4+$0x9B30] =	vst v11  }
0x2ab: {  	[tilespmem:s4+$0x9B40] =	vst v11  }
0x2ac: {  	[tilespmem:s4+$0x9B50] =	vst v11  }
0x2ad: {  	[tilespmem:s4+$0x9B60] =	vst v11  }
0x2ae: {  	[tilespmem:s4+$0x9B70] =	vst v11  }
.LBB2_53:
0x2af: {  	_ =	swait.ge [sflag:s25], $0x1B00  }
0x2b0: {  	[sflag:s25] =	ssyncset.done $0x0  }
0x2b1: {  	s0 =	sxor.u32 $0x80000000, s0;
	[sflag:s25] =	ssyncadd.s32 $0xFFFFE500  }
0x2b2: {  	p1 =	slt.s32 s0, $0x1;
	_ =	swait.ge [sflag:s25], $0xD80  }
.Ltmp37:
0x2b3: {  	[sflag:s25] =	ssyncset.done $0x0;
	(pc) =	sbr.rel @p1 .LBB2_48-.Ltmp37, $4  }
0x2b4: {  	[sflag:s25] =	ssyncadd.s32 $0xFFFFF280  }
0x2b5: {  	_ =	swait.ge [sflag:s25], $0x6C00  }
0x2b6: {  	[sflag:s25] =	ssyncset.done $0x0  }
0x2b7: {  	[sflag:s25] =	ssyncadd.s32 $0xFFFF9400  }
0x2b8: {  	s4 =	simm.s32 $0x0  }
0x2b9: {  	v19 =	vmov s21;
	v34 =	vadd.s32 s4, v15  }
0x2ba: {  	v16 =	vsub.s32 v34, v19  }
0x2bb: {  	p3 =	seq.s32 s0, $0x1;
	vm0 =	vlt.s32 v16, $0xD7F  }
.Ltmp38:
0x2bc: {  	v28 =	vnsel vm0, $0xD7F, v16;
	(pc) =	sbr.rel @p3 .LBB2_55-.Ltmp38, $4  }
0x2bd: {  	v16 =	vshrl.u32 v28, $0x7  }
0x2be: {  	v17 =	vand.u32 $0x7F, v28;
	v18 =	vshll.u32 v16, $0x8;
	v16 =	vshll.u32 v16, $0xA  }
0x2bf: {  	v29 =	vor.u32 v17, v18;
	v26 =	vor.u32 v17, v16  }
0x2c0: {  	p1 =	por $0x0, $0x0;
	p2 =	por $0x0, $0x0;
	s4 =	simm.s32 $0x1;
	v30 =	vor.u32 $0x80, v29;
	v27 =	vor.u32 $0x80, v26;
	v24 =	vor.u32 $0x100, v26  }
0x2c1: {  	_ =	sdelay $0x3  }
0x2c2: {  	v20 =	vld.idx.msk [tilespmem:v29+s18+$0x0], $0xffff;
	v16 =	vadd.s32 s4, v15  }
0x2c3: {  	v22 =	vor.u32 $0x200, v26;
	v17 =	vsub.s32 v16, v19  }
0x2c4: {  	v31 =	vld.idx.msk [tilespmem:v30+s18+$0x0], $0xffff;
	v23 =	vor.u32 $0x180, v26;
	vm0 =	vlt.s32 v17, $0xD7F  }
0x2c5: {  	v21 =	vld.idx.msk [tilespmem:v26+s24+$0x0], $0xffff;
	p3 =	seq.s32 s0, $0x2;
	v36 =	vnsel vm0, $0xD7F, v17  }
.Ltmp39:
0x2c6: {  	v18 =	vld.idx.msk [tilespmem:v24+s24+$0x0], $0xffff;
	v25 =	vshrl.u32 v36, $0x7;
	(pc) =	sbr.rel @p3 .LBB2_57-.Ltmp39, $4  }
0x2c7: {  	v17 =	vld.idx.msk [tilespmem:v27+s24+$0x0], $0xffff;
	v24 =	vand.u32 $0x7F, v36;
	v26 =	vadd.s32 v7, v20;
	v27 =	vshll.u32 v25, $0x8  }
0x2c8: {  	v20 =	vld.idx.msk [tilespmem:v22+s24+$0x0], $0xffff;
	v25 =	vshll.u32 v25, $0xA;
	v32 =	vmul.u32 $0x280, v26;
	v29 =	vor.u32 v24, v27  }
0x2c9: {  	v22 =	vld.idx.msk [tilespmem:v23+s24+$0x0], $0xffff;
	v27 =	vand.u32 $0xFFFFFF80, v31;
	v26 =	vor.u32 v24, v25;
	v30 =	vor.u32 $0x80, v29  }
0x2ca: {  	s4 =	simm.s32 $0x2;
	p1 =	por $0x1, $0x1;
	v23 =	vld.idx.msk [tilespmem:v28+s23+$0x0], $0xffff;
	v24 =	vor.u32 $0x100, v26;
	v32 =	vadd.s32 v27, v32;
	v27 =	vor.u32 $0x80, v26  }
0x2cb: {  	_ =	sdelay $0x3  }
0x2cc: {  	v29 =	vld.idx.msk [tilespmem:v29+s18+$0x0], $0xffff;
	v28 =	vor.u32 $0x200, v26  }
0x2cd: {  	v33 =	vld.idx.msk [tilespmem:v30+s18+$0x0], $0xffff;
	v30 =	vor.u32 $0x180, v26;
	vm0 =	vlt.s32 v34, v14;
	v25 =	vand.u32 $0x7F, v31  }
0x2ce: {  	v31 =	vadd.s32 s4, v15;
	v37 =	vmul.f32 v21, v23;
	v62 =	vmul.f32 v17, v23;
	v21 =	vld.idx.msk [tilespmem:v26+s24+$0x0], $0xffff  }
0x2cf: {  	v38 =	vmul.f32 v18, v23;
	v17 =	vld.idx.msk [tilespmem:v27+s24+$0x0], $0xffff;
	v26 =	vor.u32 v25, v32;
	v27 =	vsub.s32 v31, v19  }
0x2d0: {  	v25 =	vmul.f32 v20, v23;
	v18 =	vld.idx.msk [tilespmem:v24+s24+$0x0], $0xffff;
	v24 =	vadd.s32 $0x80, v26;
	vm1 =	vlt.s32 v27, $0xD7F  }
0x2d1: {  	v39 =	vmul.f32 v22, v23;
	v20 =	vld.idx.msk [tilespmem:v28+s24+$0x0], $0xffff;
	v32 =	vadd.s32 $0x100, v26;
	v28 =	vnsel vm1, $0xD7F, v27  }
0x2d2: {  	p3 =	seq.s32 s0, $0x3;
	v23 =	vld.idx.msk [tilespmem:v36+s23+$0x0], $0xffff;
	v40 =	vadd.s32 $0x180, v26;
	v35 =	vadd.s32 $0x200, v26;
	v27 =	vshrl.u32 v28, $0x7  }
.Ltmp40:
0x2d3: {  	v22 =	vld.idx.msk [tilespmem:v30+s24+$0x0], $0xffff;
	v29 =	vadd.s32 v7, v29;
	v63 =	vand.u32 $0x7F, v28;
	v30 =	vshll.u32 v27, $0x8;
	(pc) =	sbr.rel @p3 .LBB2_59-.Ltmp40, $4  }
0x2d4: {  	[tilespmem:v26+s26+$0x0] =	vst.idx.add.f32.msk vm0, v37;
	v26 =	vshll.u32 v27, $0xA;
	v27 =	vmul.u32 $0x280, v29;
	v29 =	vor.u32 v63, v30  }
0x2d5: {  	[tilespmem:v24+s26+$0x0] =	vst.idx.add.f32.msk vm0, v62;
	v30 =	vor.u32 $0x80, v29  }
0x2d6: {  	v24 =	vand.u32 $0xFFFFFF80, v33;
	v26 =	vor.u32 v63, v26;
	[tilespmem:v32+s26+$0x0] =	vst.idx.add.f32.msk vm0, v38  }
0x2d7: {  	s21 =	simm.s32 $0x3;
	p2 =	por $0x1, $0x1;
	v32 =	vadd.s32 v24, v27;
	v27 =	vor.u32 $0x80, v26;
	v24 =	vor.u32 $0x100, v26;
	[tilespmem:v40+s26+$0x0] =	vst.idx.add.f32.msk vm0, v39  }
.LBB2_60:
0x2d8: {  	[tilespmem:v35+s26+$0x0] =	vst.idx.add.f32.msk vm0, v25;
	vm0 =	vlt.s32 v16, v14;
	v16 =	vmov v31;
	s4 =	smov.u32 s21;
	s21 =	sadd.s32 $0x1, s21  }
0x2d9: {  	v34 =	vor.u32 $0x200, v26;
	v36 =	vmul.f32 v21, v23;
	v37 =	vmul.f32 v17, v23;
	p3 =	seq.s32 s0, s21;
	v29 =	vld.idx.msk [tilespmem:v29+s18+$0x0], $0xffff  }
0x2da: {  	v38 =	vor.u32 $0x180, v26;
	v39 =	vmul.f32 v18, v23;
	v40 =	vmul.f32 v22, v23;
	v30 =	vld.idx.msk [tilespmem:v30+s18+$0x0], $0xffff  }
0x2db: {  	v18 =	vand.u32 $0x7F, v33;
	v25 =	vmul.f32 v20, v23;
	v31 =	vadd.s32 s4, v15;
	v21 =	vld.idx.msk [tilespmem:v26+s24+$0x0], $0xffff  }
0x2dc: {  	v20 =	vsub.s32 v31, v19;
	v26 =	vor.u32 v18, v32;
	v17 =	vld.idx.msk [tilespmem:v27+s24+$0x0], $0xffff  }
0x2dd: {  	vm1 =	vlt.s32 v20, $0xD7F;
	v35 =	vadd.s32 $0x200, v26;
	v18 =	vld.idx.msk [tilespmem:v24+s24+$0x0], $0xffff;
	v24 =	vadd.s32 $0x80, v26  }
0x2de: {  	v27 =	vnsel vm1, $0xD7F, v20;
	v41 =	vadd.s32 $0x180, v26;
	v20 =	vld.idx.msk [tilespmem:v34+s24+$0x0], $0xffff;
	v34 =	vadd.s32 $0x100, v26  }
0x2df: {  	v23 =	vshrl.u32 v27, $0x7;
	v42 =	vand.u32 $0x7F, v27;
	v29 =	vadd.s32 v7, v29;
	v22 =	vld.idx.msk [tilespmem:v38+s24+$0x0], $0xffff  }
.Ltmp41:
0x2e0: {  	v32 =	vshll.u32 v23, $0x8;
	v38 =	vshll.u32 v23, $0xA;
	v43 =	vmul.u32 $0x280, v29;
	v33 =	vmovc v30;
	v23 =	vld.idx.msk [tilespmem:v28+s23+$0x0], $0xffff;
	v28 =	vmovc v27;
	(pc) =	sbr.rel @!p3 .LBB2_60-.Ltmp41, $4  }
0x2e1: {  	v29 =	vor.u32 v42, v32;
	v27 =	vand.u32 $0xFFFFFF80, v33;
	[tilespmem:v26+s26+$0x0] =	vst.idx.add.f32.msk vm0, v36  }
0x2e2: {  	v30 =	vor.u32 $0x80, v29;
	v32 =	vadd.s32 v27, v43;
	[tilespmem:v24+s26+$0x0] =	vst.idx.add.f32.msk vm0, v37  }
0x2e3: {  	v26 =	vor.u32 v42, v38;
	[tilespmem:v34+s26+$0x0] =	vst.idx.add.f32.msk vm0, v39  }
0x2e4: {  	v27 =	vor.u32 $0x80, v26;
	v24 =	vor.u32 $0x100, v26;
	[tilespmem:v41+s26+$0x0] =	vst.idx.add.f32.msk vm0, v40  }
.Ltmp42:
0x2e5: {  	(pc) =	sbr.rel .LBB2_62-.Ltmp42, $2  }
0x2e6: {  	_ =	sdelay $0x2  }
0x2e7: {  	v34 =	vmovc v16;
	v16 =	vmov v31;
	v31 =	vmov v33;
	v36 =	vmov v28  }
.LBB2_57:
.Ltmp43:
0x2e8: {  	(pc) =	sbr.rel .LBB2_62-.Ltmp43, $2  }
0x2e9: {  	_ =	sdelay $0x2  }
0x2ea: {  	_ = 	snop  }
.LBB2_59:
.Ltmp44:
0x2eb: {  	(pc) =	sbr.rel .LBB2_62-.Ltmp44, $2  }
0x2ec: {  	_ =	sdelay $0x2  }
0x2ed: {  	v34 =	vmovc v16;
	v16 =	vmov v31;
	v31 =	vmov v33;
	v36 =	vmov v28  }
.LBB2_17:
0x2ee: {  	_ =	sfence.sel $0x180000  }
0x2ef: {  	[bflag:$0x0] =	sbarrier.arrive $0xFFFF  }
0x2f0: {  	_ =	strace $0x90000047  }
0x2f1: {  	[bflag:$0x2] =	sbarrier.arrive $0xFFFF  }
0x2f2: {  	s0 =	rddreg [dreg:$0x5]  }
0x2f3: {  	s0 =	sadd.s32 @!p0 $0x100000, s0  }
0x2f4: {  	[sflag:s0] =	ssyncadd.tile.s32 @!p0 $0x1;
	_ =	shalt  }
.Lfunc_end2:
_tile_overlayer_lowered:
.L_overlay_start_2:
0x2f5: {  	(tag) =	ssettag $0x2  }
0x2f6: {  	s0 =	rddreg [dreg:$0x0];
	s2 =	stileid.u32  }
0x2f7: {  	s1 =	rddreg [dreg:$0x1];
	p0 =	sne.s32 s2, $0x0  }
0x2f8: {  	s3 =	rddreg [dreg:$0x2];
	[bflag:$0x3] =	sbarrier.arrive $0xFFFF;
	s2 =	simm.s32 @!p0 $0x1C02  }
0x2f9: {  	[timem:s3], [sflag:s2] =	dma.local @!p0 [hbm:s0], s1  }
0x2fa: {  	s0 =	simm.s32 @!p0 $0x2  }
0x2fb: {  	_ =	swait.ge @!p0 [sflag:s0], s1  }
0x2fc: {  	s1 =	ssub.s32 @!p0 $0x0, s1;
	[sflag:s0] =	ssyncset.done @!p0 $0x0  }
0x2fd: {  	[sflag:s0] =	ssyncadd.s32 @!p0 s1  }
0x2fe: {  	[bflag:$0x3] =	sbarrier.arrive $0xFFFF  }
0x2ff: {  	_ =	shalt  }

</sc_bundles>
